<compile_context>
chip_gen: v7x
topology: tpu7x:2x2x1
jax: 0.10.2.dev20260603
libtpu: 0.0.44.dev20260713+nightly
codegen_flags: <defaults>
</compile_context>

<pallas_src>
import jax
import jax.numpy as jnp
from jax import lax
from jax.experimental import pallas as pl
from jax.experimental.pallas import tpu as pltpu
from jax.experimental.pallas import tpu_sc as plsc

_NC, _NS, _L = 2, 16, 16


def _sc_body(feat_hbm, out_hbm, staged, obuf):
    wid = lax.axis_index("s") * _NC + lax.axis_index("c")
    iota1024 = lax.iota(jnp.int32, _L) * 1024

    for t in range(16):
        blk = wid * 16 + t
        b = blk // 32
        cc = blk % 32
        pltpu.sync_copy(
            feat_hbm.at[pl.ds(b * 1024, 1024), pl.ds(cc * 16, 16)],
            staged,
        )

        def body(j, jv):
            v = staged[j, :]
            plsc.store_scatter(obuf, [iota1024 + jv], v)
            return jv + 1

        lax.fori_loop(0, 1024, body, jnp.zeros((_L,), jnp.int32), unroll=8)

        pltpu.sync_copy(
            obuf,
            out_hbm.at[pl.ds((b * 512 + cc * 16) * 1024, 16384)],
        )


def kernel(feat, batch_num_nodes):
    B = batch_num_nodes.shape[0]
    n = feat.shape[0] // B
    d = feat.shape[1]
    mesh = plsc.VectorSubcoreMesh(
        core_axis_name="c", subcore_axis_name="s",
        num_cores=_NC, num_subcores=_NS,
    )
    run = pl.kernel(
        _sc_body,
        out_type=jax.ShapeDtypeStruct((B * d * n,), feat.dtype),
        mesh=mesh,
        scratch_types=[
            pltpu.VMEM((n, _L), feat.dtype),
            pltpu.VMEM((d // 32 * n,), feat.dtype),
        ],
        compiler_params=pltpu.CompilerParams(use_tc_tiling_on_sc=False, needs_layout_passes=False),
    )
    out = run(feat)
    return out.reshape(B, d, n, 1)

# --- scband reference (transcript-rebuilt; emitter-appended) ---
"""Pipeline reference for scband-conv-readout-layer-47682726920510 (READ-ONLY COPY).

The authoritative reference and input builder live on the scoring server;
editing this copy changes nothing except your own understanding.
"""

import jax, jax.numpy as jnp
import numpy as np


def setup_inputs(seed: int = 0) -> dict:
    key = jax.random.key(seed)
    feat = jax.random.normal(key, (16384, 512), dtype=jnp.float32)
    # 16 graphs, each with exactly 1024 nodes (module requires equal segment sizes
    # because torch.cat along dim=0 of [1, d, n_i] blocks needs matching n_i).
    batch_num_nodes = jnp.full((16,), 1024, dtype=jnp.int32)
    return {"feat": feat, "batch_num_nodes": batch_num_nodes}


def reference(feat, batch_num_nodes):
    # Faithful translation of ConvReadoutLayer.forward:
    # iterate over per-graph node counts, slice feat, transpose each segment to
    # [d, n_i], stack along a new batch dim, then unsqueeze(-1).
    B = batch_num_nodes.shape[0]
    n = feat.shape[0] // B
    starts = jnp.concatenate(
        [jnp.zeros(1, dtype=jnp.int64), jnp.cumsum(batch_num_nodes)[:-1].astype(jnp.int64)]
    )
    segs = []
    for i in range(B):
        seg = jax.lax.dynamic_slice_in_dim(feat, starts[i], n, axis=0)  # [n, d]
        segs.append(jnp.transpose(seg, (1, 0))[None])  # [1, d, n]
    out = jnp.concatenate(segs, axis=0)  # [B, d, n]
    return out[..., None]  # [B, d, n, 1]

if __name__ == "__main__":
    import jax
    _d = setup_inputs()
    print(jax.jit(kernel)(*tuple(_d.values())))

</pallas_src>

<mosaic_0001>
#map = affine_map<(d0, d1) -> (0, 0)>
#map1 = affine_map<(d0, d1) -> (0)>
module attributes {stable_mosaic.version = 14 : i64} {
  func.func @_sc_body(%arg0: i32, %arg1: i32, %arg2: memref<16384x512xf32, #tpu.memory_space<hbm>>, %arg3: memref<8388608xf32, #tpu.memory_space<hbm>>, %arg4: memref<1024x16xf32, #tpu.memory_space<vmem>>, %arg5: memref<16384xf32, #tpu.memory_space<vmem>>) attributes {dimension_semantics = [#tpu.dimension_semantics<core_parallel>, #tpu.dimension_semantics<subcore_parallel>], iteration_bounds = array<i64: 2, 16>, scalar_prefetch = 0 : i64, scratch_operands = 2 : i64, tpu.core_type = #tpu.core_type<sc_vector_subcore>, window_params = [{transform_indices = #map}, {transform_indices = #map1}]} {
    %mul3A = arith.constant 2 : i32
    %mul3A_0 = arith.muli %arg1, %mul3A : i32
    %add3A = arith.addi %mul3A_0, %arg0 : i32
    %iota3A = tpu.iota {dimensions = array<i32: 0>} : vector<16xi32>
    %mul3A_1 = arith.constant 1024 : i32
    %mul3A_2 = vector.broadcast %mul3A_1 : i32 to vector<16xi32>
    %mul3A_3 = arith.muli %iota3A, %mul3A_2 : vector<16xi32>
    %mul3A_4 = arith.constant 16 : i32
    %mul3A_5 = arith.muli %add3A, %mul3A_4 : i32
    %add3A_6 = arith.constant 0 : i32
    %add3A_7 = arith.addi %mul3A_5, %add3A_6 : i32
    %jit3A = arith.constant 32 : i32
    %div3A = arith.divsi %add3A_7, %jit3A : i32
    %sign3A = arith.constant 0 : i32
    %sign3A_8 = arith.cmpi sgt, %add3A_7, %sign3A : i32
    %sign3A_9 = arith.extui %sign3A_8 : i1 to i32
    %sign3A_10 = arith.constant 0 : i32
    %sign3A_11 = arith.cmpi slt, %add3A_7, %sign3A_10 : i32
    %sign3A_12 = arith.extui %sign3A_11 : i1 to i32
    %sign3A_13 = arith.subi %sign3A_9, %sign3A_12 : i32
    %sign3A_14 = arith.constant 0 : i32
    %sign3A_15 = arith.cmpi sgt, %jit3A, %sign3A_14 : i32
    %sign3A_16 = arith.extui %sign3A_15 : i1 to i32
    %sign3A_17 = arith.constant 0 : i32
    %sign3A_18 = arith.cmpi slt, %jit3A, %sign3A_17 : i32
    %sign3A_19 = arith.extui %sign3A_18 : i1 to i32
    %sign3A_20 = arith.subi %sign3A_16, %sign3A_19 : i32
    %ne3A = arith.cmpi ne, %sign3A_13, %sign3A_20 : i32
    %rem3A = arith.remsi %add3A_7, %jit3A : i32
    %ne3A_21 = arith.constant 0 : i32
    %ne3A_22 = arith.cmpi ne, %rem3A, %ne3A_21 : i32
    %and3A = arith.andi %ne3A, %ne3A_22 : i1
    %sub3A = arith.constant 1 : i32
    %sub3A_23 = arith.subi %div3A, %sub3A : i32
    %select_n3A = arith.select %and3A, %sub3A_23, %div3A : i32
    %jit3A_24 = arith.constant 32 : i32
    %eq3A = arith.constant 0 : i32
    %eq3A_25 = arith.cmpi eq, %jit3A_24, %eq3A : i32
    %jit3A_26 = arith.constant 1 : i32
    %select_n3A_27 = arith.select %eq3A_25, %jit3A_26, %jit3A_24 : i32
    %rem3A_28 = arith.remsi %add3A_7, %select_n3A_27 : i32
    %ne3A_29 = arith.constant 0 : i32
    %ne3A_30 = arith.cmpi ne, %rem3A_28, %ne3A_29 : i32
    %lt3A = arith.constant 0 : i32
    %lt3A_31 = arith.cmpi slt, %rem3A_28, %lt3A : i32
    %lt3A_32 = arith.constant 0 : i32
    %lt3A_33 = arith.cmpi slt, %select_n3A_27, %lt3A_32 : i32
    %ne3A_34 = arith.xori %lt3A_31, %lt3A_33 : i1
    %and3A_35 = arith.andi %ne3A_34, %ne3A_30 : i1
    %add3A_36 = arith.addi %rem3A_28, %select_n3A_27 : i32
    %select_n3A_37 = arith.select %and3A_35, %add3A_36, %rem3A_28 : i32
    %mul3A_38 = arith.constant 1024 : i32
    %mul3A_39 = arith.muli %select_n3A, %mul3A_38 : i32
    %mul3A_40 = arith.constant 16 : i32
    %mul3A_41 = arith.muli %select_n3A_37, %mul3A_40 : i32
    "tpu.region"() ({
      %run_scoped3A = tpu.sem_alloc : memref<!tpu.dma_semaphore, #tpu.memory_space<semaphore_mem>>
      %dma_start3A = tpu.memref_slice %arg2[%mul3A_39, %mul3A_41] : memref<16384x512xf32, #tpu.memory_space<hbm>> -> memref<1024x16xf32, #tpu.memory_space<hbm>>
      %dma_start3A_1000 = tpu.memref_slice %arg2[%mul3A_39, %mul3A_41] : memref<16384x512xf32, #tpu.memory_space<hbm>> -> memref<1024x16xf32, #tpu.memory_space<hbm>>
      tpu.enqueue_dma source(%dma_start3A_1000 : memref<1024x16xf32, #tpu.memory_space<hbm>>) target(%arg4 : memref<1024x16xf32, #tpu.memory_space<vmem>>) target_semaphore(%run_scoped3A : memref<!tpu.dma_semaphore, #tpu.memory_space<semaphore_mem>>)
      %dma_wait3A = tpu.memref_slice %arg2[%mul3A_39, %mul3A_41] : memref<16384x512xf32, #tpu.memory_space<hbm>> -> memref<1024x16xf32, #tpu.memory_space<hbm>>
      %dma_wait3A_1001 = tpu.memref_slice %arg2[%mul3A_39, %mul3A_41] : memref<16384x512xf32, #tpu.memory_space<hbm>> -> memref<1024x16xf32, #tpu.memory_space<hbm>>
      tpu.wait_dma2 semaphore(%run_scoped3A : memref<!tpu.dma_semaphore, #tpu.memory_space<semaphore_mem>>) src(%dma_wait3A_1001 : memref<1024x16xf32, #tpu.memory_space<hbm>>) dst(%arg4 : memref<1024x16xf32, #tpu.memory_space<vmem>>)
      tpu.yield
    }) : () -> ()
    %broadcast_in_dim3A = arith.constant 0 : i32
    %broadcast_in_dim3A_42 = vector.broadcast %broadcast_in_dim3A : i32 to vector<16xi32>
    %scan3A = arith.constant 0 : i32
    %scan3A_43 = arith.constant 1024 : i32
    %scan3A_44 = arith.addi %scan3A, %scan3A_43 : i32
    %scan3A_45 = arith.constant 8 : i32
    %scan3A_46 = scf.for %scan3A_1000 = %scan3A to %scan3A_44 step %scan3A_45 iter_args(%scan3A_1001 = %broadcast_in_dim3A_42) -> (vector<16xi32>)  : i32 {
      %get3A = arith.index_cast %scan3A_1000 : i32 to index
      %get3A_1002 = arith.constant 0 : index
      %get3A_1003 = tpu.vector_load %arg4[%get3A, %get3A_1002] {strides = array<i32>} : memref<1024x16xf32, #tpu.memory_space<vmem>>, vector<16xf32>,
      %add3A_1004 = arith.addi %mul3A_3, %scan3A_1001 : vector<16xi32>
      tpu.vector_store_idx %arg5[%add3A_1004], %get3A_1003 : memref<16384xf32, #tpu.memory_space<vmem>>[vector<16xi32>], vector<16xf32>,
      %add3A_1005 = arith.constant 1 : i32
      %add3A_1006 = vector.broadcast %add3A_1005 : i32 to vector<16xi32>
      %add3A_1007 = arith.addi %scan3A_1001, %add3A_1006 : vector<16xi32>
      %scan3A_1008 = arith.constant 1 : i32
      %scan3A_1009 = arith.addi %scan3A_1000, %scan3A_1008 : i32
      %get3A_1010 = arith.index_cast %scan3A_1009 : i32 to index
      %get3A_1011 = arith.constant 0 : index
      %get3A_1012 = tpu.vector_load %arg4[%get3A_1010, %get3A_1011] {strides = array<i32>} : memref<1024x16xf32, #tpu.memory_space<vmem>>, vector<16xf32>,
      %add3A_1013 = arith.addi %mul3A_3, %add3A_1007 : vector<16xi32>
      tpu.vector_store_idx %arg5[%add3A_1013], %get3A_1012 : memref<16384xf32, #tpu.memory_space<vmem>>[vector<16xi32>], vector<16xf32>,
      %add3A_1014 = arith.constant 1 : i32
      %add3A_1015 = vector.broadcast %add3A_1014 : i32 to vector<16xi32>
      %add3A_1016 = arith.addi %add3A_1007, %add3A_1015 : vector<16xi32>
      %scan3A_1017 = arith.constant 2 : i32
      %scan3A_1018 = arith.addi %scan3A_1000, %scan3A_1017 : i32
      %get3A_1019 = arith.index_cast %scan3A_1018 : i32 to index
      %get3A_1020 = arith.constant 0 : index
      %get3A_1021 = tpu.vector_load %arg4[%get3A_1019, %get3A_1020] {strides = array<i32>} : memref<1024x16xf32, #tpu.memory_space<vmem>>, vector<16xf32>,
      %add3A_1022 = arith.addi %mul3A_3, %add3A_1016 : vector<16xi32>
      tpu.vector_store_idx %arg5[%add3A_1022], %get3A_1021 : memref<16384xf32, #tpu.memory_space<vmem>>[vector<16xi32>], vector<16xf32>,
      %add3A_1023 = arith.constant 1 : i32
      %add3A_1024 = vector.broadcast %add3A_1023 : i32 to vector<16xi32>
      %add3A_1025 = arith.addi %add3A_1016, %add3A_1024 : vector<16xi32>
      %scan3A_1026 = arith.constant 3 : i32
      %scan3A_1027 = arith.addi %scan3A_1000, %scan3A_1026 : i32
      %get3A_1028 = arith.index_cast %scan3A_1027 : i32 to index
      %get3A_1029 = arith.constant 0 : index
      %get3A_1030 = tpu.vector_load %arg4[%get3A_1028, %get3A_1029] {strides = array<i32>} : memref<1024x16xf32, #tpu.memory_space<vmem>>, vector<16xf32>,
      %add3A_1031 = arith.addi %mul3A_3, %add3A_1025 : vector<16xi32>
      tpu.vector_store_idx %arg5[%add3A_1031], %get3A_1030 : memref<16384xf32, #tpu.memory_space<vmem>>[vector<16xi32>], vector<16xf32>,
      %add3A_1032 = arith.constant 1 : i32
      %add3A_1033 = vector.broadcast %add3A_1032 : i32 to vector<16xi32>
      %add3A_1034 = arith.addi %add3A_1025, %add3A_1033 : vector<16xi32>
      %scan3A_1035 = arith.constant 4 : i32
      %scan3A_1036 = arith.addi %scan3A_1000, %scan3A_1035 : i32
      %get3A_1037 = arith.index_cast %scan3A_1036 : i32 to index
      %get3A_1038 = arith.constant 0 : index
      %get3A_1039 = tpu.vector_load %arg4[%get3A_1037, %get3A_1038] {strides = array<i32>} : memref<1024x16xf32, #tpu.memory_space<vmem>>, vector<16xf32>,
      %add3A_1040 = arith.addi %mul3A_3, %add3A_1034 : vector<16xi32>
      tpu.vector_store_idx %arg5[%add3A_1040], %get3A_1039 : memref<16384xf32, #tpu.memory_space<vmem>>[vector<16xi32>], vector<16xf32>,
      %add3A_1041 = arith.constant 1 : i32
      %add3A_1042 = vector.broadcast %add3A_1041 : i32 to vector<16xi32>
      %add3A_1043 = arith.addi %add3A_1034, %add3A_1042 : vector<16xi32>
      %scan3A_1044 = arith.constant 5 : i32
      %scan3A_1045 = arith.addi %scan3A_1000, %scan3A_1044 : i32
      %get3A_1046 = arith.index_cast %scan3A_1045 : i32 to index
      %get3A_1047 = arith.constant 0 : index
      %get3A_1048 = tpu.vector_load %arg4[%get3A_1046, %get3A_1047] {strides = array<i32>} : memref<1024x16xf32, #tpu.memory_space<vmem>>, vector<16xf32>,
      %add3A_1049 = arith.addi %mul3A_3, %add3A_1043 : vector<16xi32>
      tpu.vector_store_idx %arg5[%add3A_1049], %get3A_1048 : memref<16384xf32, #tpu.memory_space<vmem>>[vector<16xi32>], vector<16xf32>,
      %add3A_1050 = arith.constant 1 : i32
      %add3A_1051 = vector.broadcast %add3A_1050 : i32 to vector<16xi32>
      %add3A_1052 = arith.addi %add3A_1043, %add3A_1051 : vector<16xi32>
      %scan3A_1053 = arith.constant 6 : i32
      %scan3A_1054 = arith.addi %scan3A_1000, %scan3A_1053 : i32
      %get3A_1055 = arith.index_cast %scan3A_1054 : i32 to index
      %get3A_1056 = arith.constant 0 : index
      %get3A_1057 = tpu.vector_load %arg4[%get3A_1055, %get3A_1056] {strides = array<i32>} : memref<1024x16xf32, #tpu.memory_space<vmem>>, vector<16xf32>,
      %add3A_1058 = arith.addi %mul3A_3, %add3A_1052 : vector<16xi32>
      tpu.vector_store_idx %arg5[%add3A_1058], %get3A_1057 : memref<16384xf32, #tpu.memory_space<vmem>>[vector<16xi32>], vector<16xf32>,
      %add3A_1059 = arith.constant 1 : i32
      %add3A_1060 = vector.broadcast %add3A_1059 : i32 to vector<16xi32>
      %add3A_1061 = arith.addi %add3A_1052, %add3A_1060 : vector<16xi32>
      %scan3A_1062 = arith.constant 7 : i32
      %scan3A_1063 = arith.addi %scan3A_1000, %scan3A_1062 : i32
      %get3A_1064 = arith.index_cast %scan3A_1063 : i32 to index
      %get3A_1065 = arith.constant 0 : index
      %get3A_1066 = tpu.vector_load %arg4[%get3A_1064, %get3A_1065] {strides = array<i32>} : memref<1024x16xf32, #tpu.memory_space<vmem>>, vector<16xf32>,
      %add3A_1067 = arith.addi %mul3A_3, %add3A_1061 : vector<16xi32>
      tpu.vector_store_idx %arg5[%add3A_1067], %get3A_1066 : memref<16384xf32, #tpu.memory_space<vmem>>[vector<16xi32>], vector<16xf32>,
      %add3A_1068 = arith.constant 1 : i32
      %add3A_1069 = vector.broadcast %add3A_1068 : i32 to vector<16xi32>
      %add3A_1070 = arith.addi %add3A_1061, %add3A_1069 : vector<16xi32>
      scf.yield %add3A_1070 : vector<16xi32>
    }
    %scan3A_47 = arith.constant 1024 : i32
    %mul3A_48 = arith.constant 512 : i32
    %mul3A_49 = arith.muli %select_n3A, %mul3A_48 : i32
    %mul3A_50 = arith.constant 16 : i32
    %mul3A_51 = arith.muli %select_n3A_37, %mul3A_50 : i32
    %add3A_52 = arith.addi %mul3A_49, %mul3A_51 : i32
    %mul3A_53 = arith.constant 1024 : i32
    %mul3A_54 = arith.muli %add3A_52, %mul3A_53 : i32
    "tpu.region"() ({
      %run_scoped3A = tpu.sem_alloc : memref<!tpu.dma_semaphore, #tpu.memory_space<semaphore_mem>>
      %dma_start3A = tpu.memref_slice %arg3[%mul3A_54] : memref<8388608xf32, #tpu.memory_space<hbm>> -> memref<16384xf32, #tpu.memory_space<hbm>>
      %dma_start3A_1000 = tpu.memref_slice %arg3[%mul3A_54] : memref<8388608xf32, #tpu.memory_space<hbm>> -> memref<16384xf32, #tpu.memory_space<hbm>>
      tpu.enqueue_dma source(%arg5 : memref<16384xf32, #tpu.memory_space<vmem>>) target(%dma_start3A_1000 : memref<16384xf32, #tpu.memory_space<hbm>>) target_semaphore(%run_scoped3A : memref<!tpu.dma_semaphore, #tpu.memory_space<semaphore_mem>>)
      %dma_wait3A = tpu.memref_slice %arg3[%mul3A_54] : memref<8388608xf32, #tpu.memory_space<hbm>> -> memref<16384xf32, #tpu.memory_space<hbm>>
      %dma_wait3A_1001 = tpu.memref_slice %arg3[%mul3A_54] : memref<8388608xf32, #tpu.memory_space<hbm>> -> memref<16384xf32, #tpu.memory_space<hbm>>
      tpu.wait_dma2 semaphore(%run_scoped3A : memref<!tpu.dma_semaphore, #tpu.memory_space<semaphore_mem>>) src(%arg5 : memref<16384xf32, #tpu.memory_space<vmem>>) dst(%dma_wait3A_1001 : memref<16384xf32, #tpu.memory_space<hbm>>)
      tpu.yield
    }) : () -> ()
    %mul3A_55 = arith.constant 16 : i32
    %mul3A_56 = arith.muli %add3A, %mul3A_55 : i32
    %add3A_57 = arith.constant 1 : i32
    %add3A_58 = arith.addi %mul3A_56, %add3A_57 : i32
    %jit3A_59 = arith.constant 32 : i32
    %div3A_60 = arith.divsi %add3A_58, %jit3A_59 : i32
    %sign3A_61 = arith.constant 0 : i32
    %sign3A_62 = arith.cmpi sgt, %add3A_58, %sign3A_61 : i32
    %sign3A_63 = arith.extui %sign3A_62 : i1 to i32
    %sign3A_64 = arith.constant 0 : i32
    %sign3A_65 = arith.cmpi slt, %add3A_58, %sign3A_64 : i32
    %sign3A_66 = arith.extui %sign3A_65 : i1 to i32
    %sign3A_67 = arith.subi %sign3A_63, %sign3A_66 : i32
    %sign3A_68 = arith.constant 0 : i32
    %sign3A_69 = arith.cmpi sgt, %jit3A_59, %sign3A_68 : i32
    %sign3A_70 = arith.extui %sign3A_69 : i1 to i32
    %sign3A_71 = arith.constant 0 : i32
    %sign3A_72 = arith.cmpi slt, %jit3A_59, %sign3A_71 : i32
    %sign3A_73 = arith.extui %sign3A_72 : i1 to i32
    %sign3A_74 = arith.subi %sign3A_70, %sign3A_73 : i32
    %ne3A_75 = arith.cmpi ne, %sign3A_67, %sign3A_74 : i32
    %rem3A_76 = arith.remsi %add3A_58, %jit3A_59 : i32
    %ne3A_77 = arith.constant 0 : i32
    %ne3A_78 = arith.cmpi ne, %rem3A_76, %ne3A_77 : i32
    %and3A_79 = arith.andi %ne3A_75, %ne3A_78 : i1
    %sub3A_80 = arith.constant 1 : i32
    %sub3A_81 = arith.subi %div3A_60, %sub3A_80 : i32
    %select_n3A_82 = arith.select %and3A_79, %sub3A_81, %div3A_60 : i32
    %jit3A_83 = arith.constant 32 : i32
    %eq3A_84 = arith.constant 0 : i32
    %eq3A_85 = arith.cmpi eq, %jit3A_83, %eq3A_84 : i32
    %jit3A_86 = arith.constant 1 : i32
    %select_n3A_87 = arith.select %eq3A_85, %jit3A_86, %jit3A_83 : i32
    %rem3A_88 = arith.remsi %add3A_58, %select_n3A_87 : i32
    %ne3A_89 = arith.constant 0 : i32
    %ne3A_90 = arith.cmpi ne, %rem3A_88, %ne3A_89 : i32
    %lt3A_91 = arith.constant 0 : i32
    %lt3A_92 = arith.cmpi slt, %rem3A_88, %lt3A_91 : i32
    %lt3A_93 = arith.constant 0 : i32
    %lt3A_94 = arith.cmpi slt, %select_n3A_87, %lt3A_93 : i32
    %ne3A_95 = arith.xori %lt3A_92, %lt3A_94 : i1
    %and3A_96 = arith.andi %ne3A_95, %ne3A_90 : i1
    %add3A_97 = arith.addi %rem3A_88, %select_n3A_87 : i32
    %select_n3A_98 = arith.select %and3A_96, %add3A_97, %rem3A_88 : i32
    %mul3A_99 = arith.constant 1024 : i32
    %mul3A_100 = arith.muli %select_n3A_82, %mul3A_99 : i32
    %mul3A_101 = arith.constant 16 : i32
    %mul3A_102 = arith.muli %select_n3A_98, %mul3A_101 : i32
    "tpu.region"() ({
      %run_scoped3A = tpu.sem_alloc : memref<!tpu.dma_semaphore, #tpu.memory_space<semaphore_mem>>
      %dma_start3A = tpu.memref_slice %arg2[%mul3A_100, %mul3A_102] : memref<16384x512xf32, #tpu.memory_space<hbm>> -> memref<1024x16xf32, #tpu.memory_space<hbm>>
      %dma_start3A_1000 = tpu.memref_slice %arg2[%mul3A_100, %mul3A_102] : memref<16384x512xf32, #tpu.memory_space<hbm>> -> memref<1024x16xf32, #tpu.memory_space<hbm>>
      tpu.enqueue_dma source(%dma_start3A_1000 : memref<1024x16xf32, #tpu.memory_space<hbm>>) target(%arg4 : memref<1024x16xf32, #tpu.memory_space<vmem>>) target_semaphore(%run_scoped3A : memref<!tpu.dma_semaphore, #tpu.memory_space<semaphore_mem>>)
      %dma_wait3A = tpu.memref_slice %arg2[%mul3A_100, %mul3A_102] : memref<16384x512xf32, #tpu.memory_space<hbm>> -> memref<1024x16xf32, #tpu.memory_space<hbm>>
      %dma_wait3A_1001 = tpu.memref_slice %arg2[%mul3A_100, %mul3A_102] : memref<16384x512xf32, #tpu.memory_space<hbm>> -> memref<1024x16xf32, #tpu.memory_space<hbm>>
      tpu.wait_dma2 semaphore(%run_scoped3A : memref<!tpu.dma_semaphore, #tpu.memory_space<semaphore_mem>>) src(%dma_wait3A_1001 : memref<1024x16xf32, #tpu.memory_space<hbm>>) dst(%arg4 : memref<1024x16xf32, #tpu.memory_space<vmem>>)
      tpu.yield
    }) : () -> ()
    %broadcast_in_dim3A_103 = arith.constant 0 : i32
    %broadcast_in_dim3A_104 = vector.broadcast %broadcast_in_dim3A_103 : i32 to vector<16xi32>
    %scan3A_105 = arith.constant 0 : i32
    %scan3A_106 = arith.constant 1024 : i32
    %scan3A_107 = arith.addi %scan3A_105, %scan3A_106 : i32
    %scan3A_108 = arith.constant 8 : i32
    %scan3A_109 = scf.for %scan3A_1000 = %scan3A_105 to %scan3A_107 step %scan3A_108 iter_args(%scan3A_1001 = %broadcast_in_dim3A_104) -> (vector<16xi32>)  : i32 {
      %get3A = arith.index_cast %scan3A_1000 : i32 to index
      %get3A_1002 = arith.constant 0 : index
      %get3A_1003 = tpu.vector_load %arg4[%get3A, %get3A_1002] {strides = array<i32>} : memref<1024x16xf32, #tpu.memory_space<vmem>>, vector<16xf32>,
      %add3A_1004 = arith.addi %mul3A_3, %scan3A_1001 : vector<16xi32>
      tpu.vector_store_idx %arg5[%add3A_1004], %get3A_1003 : memref<16384xf32, #tpu.memory_space<vmem>>[vector<16xi32>], vector<16xf32>,
      %add3A_1005 = arith.constant 1 : i32
      %add3A_1006 = vector.broadcast %add3A_1005 : i32 to vector<16xi32>
      %add3A_1007 = arith.addi %scan3A_1001, %add3A_1006 : vector<16xi32>
      %scan3A_1008 = arith.constant 1 : i32
      %scan3A_1009 = arith.addi %scan3A_1000, %scan3A_1008 : i32
      %get3A_1010 = arith.index_cast %scan3A_1009 : i32 to index
      %get3A_1011 = arith.constant 0 : index
      %get3A_1012 = tpu.vector_load %arg4[%get3A_1010, %get3A_1011] {strides = array<i32>} : memref<1024x16xf32, #tpu.memory_space<vmem>>, vector<16xf32>,
      %add3A_1013 = arith.addi %mul3A_3, %add3A_1007 : vector<16xi32>
      tpu.vector_store_idx %arg5[%add3A_1013], %get3A_1012 : memref<16384xf32, #tpu.memory_space<vmem>>[vector<16xi32>], vector<16xf32>,
      %add3A_1014 = arith.constant 1 : i32
      %add3A_1015 = vector.broadcast %add3A_1014 : i32 to vector<16xi32>
      %add3A_1016 = arith.addi %add3A_1007, %add3A_1015 : vector<16xi32>
      %scan3A_1017 = arith.constant 2 : i32
      %scan3A_1018 = arith.addi %scan3A_1000, %scan3A_1017 : i32
      %get3A_1019 = arith.index_cast %scan3A_1018 : i32 to index
      %get3A_1020 = arith.constant 0 : index
      %get3A_1021 = tpu.vector_load %arg4[%get3A_1019, %get3A_1020] {strides = array<i32>} : memref<1024x16xf32, #tpu.memory_space<vmem>>, vector<16xf32>,
      %add3A_1022 = arith.addi %mul3A_3, %add3A_1016 : vector<16xi32>
      tpu.vector_store_idx %arg5[%add3A_1022], %get3A_1021 : memref<16384xf32, #tpu.memory_space<vmem>>[vector<16xi32>], vector<16xf32>,
      %add3A_1023 = arith.constant 1 : i32
      %add3A_1024 = vector.broadcast %add3A_1023 : i32 to vector<16xi32>
      %add3A_1025 = arith.addi %add3A_1016, %add3A_1024 : vector<16xi32>
      %scan3A_1026 = arith.constant 3 : i32
      %scan3A_1027 = arith.addi %scan3A_1000, %scan3A_1026 : i32
      %get3A_1028 = arith.index_cast %scan3A_1027 : i32 to index
      %get3A_1029 = arith.constant 0 : index
      %get3A_1030 = tpu.vector_load %arg4[%get3A_1028, %get3A_1029] {strides = array<i32>} : memref<1024x16xf32, #tpu.memory_space<vmem>>, vector<16xf32>,
      %add3A_1031 = arith.addi %mul3A_3, %add3A_1025 : vector<16xi32>
      tpu.vector_store_idx %arg5[%add3A_1031], %get3A_1030 : memref<16384xf32, #tpu.memory_space<vmem>>[vector<16xi32>], vector<16xf32>,
      %add3A_1032 = arith.constant 1 : i32
      %add3A_1033 = vector.broadcast %add3A_1032 : i32 to vector<16xi32>
      %add3A_1034 = arith.addi %add3A_1025, %add3A_1033 : vector<16xi32>
      %scan3A_1035 = arith.constant 4 : i32
      %scan3A_1036 = arith.addi %scan3A_1000, %scan3A_1035 : i32
      %get3A_1037 = arith.index_cast %scan3A_1036 : i32 to index
      %get3A_1038 = arith.constant 0 : index
      %get3A_1039 = tpu.vector_load %arg4[%get3A_1037, %get3A_1038] {strides = array<i32>} : memref<1024x16xf32, #tpu.memory_space<vmem>>, vector<16xf32>,
      %add3A_1040 = arith.addi %mul3A_3, %add3A_1034 : vector<16xi32>
      tpu.vector_store_idx %arg5[%add3A_1040], %get3A_1039 : memref<16384xf32, #tpu.memory_space<vmem>>[vector<16xi32>], vector<16xf32>,
      %add3A_1041 = arith.constant 1 : i32
      %add3A_1042 = vector.broadcast %add3A_1041 : i32 to vector<16xi32>
      %add3A_1043 = arith.addi %add3A_1034, %add3A_1042 : vector<16xi32>
      %scan3A_1044 = arith.constant 5 : i32
      %scan3A_1045 = arith.addi %scan3A_1000, %scan3A_1044 : i32
      %get3A_1046 = arith.index_cast %scan3A_1045 : i32 to index
      %get3A_1047 = arith.constant 0 : index
      %get3A_1048 = tpu.vector_load %arg4[%get3A_1046, %get3A_1047] {strides = array<i32>} : memref<1024x16xf32, #tpu.memory_space<vmem>>, vector<16xf32>,
      %add3A_1049 = arith.addi %mul3A_3, %add3A_1043 : vector<16xi32>
      tpu.vector_store_idx %arg5[%add3A_1049], %get3A_1048 : memref<16384xf32, #tpu.memory_space<vmem>>[vector<16xi32>], vector<16xf32>,
      %add3A_1050 = arith.constant 1 : i32
      %add3A_1051 = vector.broadcast %add3A_1050 : i32 to vector<16xi32>
      %add3A_1052 = arith.addi %add3A_1043, %add3A_1051 : vector<16xi32>
      %scan3A_1053 = arith.constant 6 : i32
      %scan3A_1054 = arith.addi %scan3A_1000, %scan3A_1053 : i32
      %get3A_1055 = arith.index_cast %scan3A_1054 : i32 to index
      %get3A_1056 = arith.constant 0 : index
      %get3A_1057 = tpu.vector_load %arg4[%get3A_1055, %get3A_1056] {strides = array<i32>} : memref<1024x16xf32, #tpu.memory_space<vmem>>, vector<16xf32>,
      %add3A_1058 = arith.addi %mul3A_3, %add3A_1052 : vector<16xi32>
      tpu.vector_store_idx %arg5[%add3A_1058], %get3A_1057 : memref<16384xf32, #tpu.memory_space<vmem>>[vector<16xi32>], vector<16xf32>,
      %add3A_1059 = arith.constant 1 : i32
      %add3A_1060 = vector.broadcast %add3A_1059 : i32 to vector<16xi32>
      %add3A_1061 = arith.addi %add3A_1052, %add3A_1060 : vector<16xi32>
      %scan3A_1062 = arith.constant 7 : i32
      %scan3A_1063 = arith.addi %scan3A_1000, %scan3A_1062 : i32
      %get3A_1064 = arith.index_cast %scan3A_1063 : i32 to index
      %get3A_1065 = arith.constant 0 : index
      %get3A_1066 = tpu.vector_load %arg4[%get3A_1064, %get3A_1065] {strides = array<i32>} : memref<1024x16xf32, #tpu.memory_space<vmem>>, vector<16xf32>,
      %add3A_1067 = arith.addi %mul3A_3, %add3A_1061 : vector<16xi32>
      tpu.vector_store_idx %arg5[%add3A_1067], %get3A_1066 : memref<16384xf32, #tpu.memory_space<vmem>>[vector<16xi32>], vector<16xf32>,
      %add3A_1068 = arith.constant 1 : i32
      %add3A_1069 = vector.broadcast %add3A_1068 : i32 to vector<16xi32>
      %add3A_1070 = arith.addi %add3A_1061, %add3A_1069 : vector<16xi32>
      scf.yield %add3A_1070 : vector<16xi32>
    }
    %scan3A_110 = arith.constant 1024 : i32
    %mul3A_111 = arith.constant 512 : i32
    %mul3A_112 = arith.muli %select_n3A_82, %mul3A_111 : i32
    %mul3A_113 = arith.constant 16 : i32
    %mul3A_114 = arith.muli %select_n3A_98, %mul3A_113 : i32
    %add3A_115 = arith.addi %mul3A_112, %mul3A_114 : i32
    %mul3A_116 = arith.constant 1024 : i32
    %mul3A_117 = arith.muli %add3A_115, %mul3A_116 : i32
    "tpu.region"() ({
      %run_scoped3A = tpu.sem_alloc : memref<!tpu.dma_semaphore, #tpu.memory_space<semaphore_mem>>
      %dma_start3A = tpu.memref_slice %arg3[%mul3A_117] : memref<8388608xf32, #tpu.memory_space<hbm>> -> memref<16384xf32, #tpu.memory_space<hbm>>
      %dma_start3A_1000 = tpu.memref_slice %arg3[%mul3A_117] : memref<8388608xf32, #tpu.memory_space<hbm>> -> memref<16384xf32, #tpu.memory_space<hbm>>
      tpu.enqueue_dma source(%arg5 : memref<16384xf32, #tpu.memory_space<vmem>>) target(%dma_start3A_1000 : memref<16384xf32, #tpu.memory_space<hbm>>) target_semaphore(%run_scoped3A : memref<!tpu.dma_semaphore, #tpu.memory_space<semaphore_mem>>)
      %dma_wait3A = tpu.memref_slice %arg3[%mul3A_117] : memref<8388608xf32, #tpu.memory_space<hbm>> -> memref<16384xf32, #tpu.memory_space<hbm>>
      %dma_wait3A_1001 = tpu.memref_slice %arg3[%mul3A_117] : memref<8388608xf32, #tpu.memory_space<hbm>> -> memref<16384xf32, #tpu.memory_space<hbm>>
      tpu.wait_dma2 semaphore(%run_scoped3A : memref<!tpu.dma_semaphore, #tpu.memory_space<semaphore_mem>>) src(%arg5 : memref<16384xf32, #tpu.memory_space<vmem>>) dst(%dma_wait3A_1001 : memref<16384xf32, #tpu.memory_space<hbm>>)
      tpu.yield
    }) : () -> ()
    %mul3A_118 = arith.constant 16 : i32
    %mul3A_119 = arith.muli %add3A, %mul3A_118 : i32
    %add3A_120 = arith.constant 2 : i32
    %add3A_121 = arith.addi %mul3A_119, %add3A_120 : i32
    %jit3A_122 = arith.constant 32 : i32
    %div3A_123 = arith.divsi %add3A_121, %jit3A_122 : i32
    %sign3A_124 = arith.constant 0 : i32
    %sign3A_125 = arith.cmpi sgt, %add3A_121, %sign3A_124 : i32
    %sign3A_126 = arith.extui %sign3A_125 : i1 to i32
    %sign3A_127 = arith.constant 0 : i32
    %sign3A_128 = arith.cmpi slt, %add3A_121, %sign3A_127 : i32
    %sign3A_129 = arith.extui %sign3A_128 : i1 to i32
    %sign3A_130 = arith.subi %sign3A_126, %sign3A_129 : i32
    %sign3A_131 = arith.constant 0 : i32
    %sign3A_132 = arith.cmpi sgt, %jit3A_122, %sign3A_131 : i32
    %sign3A_133 = arith.extui %sign3A_132 : i1 to i32
    %sign3A_134 = arith.constant 0 : i32
    %sign3A_135 = arith.cmpi slt, %jit3A_122, %sign3A_134 : i32
    %sign3A_136 = arith.extui %sign3A_135 : i1 to i32
    %sign3A_137 = arith.subi %sign3A_133, %sign3A_136 : i32
    %ne3A_138 = arith.cmpi ne, %sign3A_130, %sign3A_137 : i32
    %rem3A_139 = arith.remsi %add3A_121, %jit3A_122 : i32
    %ne3A_140 = arith.constant 0 : i32
    %ne3A_141 = arith.cmpi ne, %rem3A_139, %ne3A_140 : i32
    %and3A_142 = arith.andi %ne3A_138, %ne3A_141 : i1
    %sub3A_143 = arith.constant 1 : i32
    %sub3A_144 = arith.subi %div3A_123, %sub3A_143 : i32
    %select_n3A_145 = arith.select %and3A_142, %sub3A_144, %div3A_123 : i32
    %jit3A_146 = arith.constant 32 : i32
    %eq3A_147 = arith.constant 0 : i32
    %eq3A_148 = arith.cmpi eq, %jit3A_146, %eq3A_147 : i32
    %jit3A_149 = arith.constant 1 : i32
    %select_n3A_150 = arith.select %eq3A_148, %jit3A_149, %jit3A_146 : i32
    %rem3A_151 = arith.remsi %add3A_121, %select_n3A_150 : i32
    %ne3A_152 = arith.constant 0 : i32
    %ne3A_153 = arith.cmpi ne, %rem3A_151, %ne3A_152 : i32
    %lt3A_154 = arith.constant 0 : i32
    %lt3A_155 = arith.cmpi slt, %rem3A_151, %lt3A_154 : i32
    %lt3A_156 = arith.constant 0 : i32
    %lt3A_157 = arith.cmpi slt, %select_n3A_150, %lt3A_156 : i32
    %ne3A_158 = arith.xori %lt3A_155, %lt3A_157 : i1
    %and3A_159 = arith.andi %ne3A_158, %ne3A_153 : i1
    %add3A_160 = arith.addi %rem3A_151, %select_n3A_150 : i32
    %select_n3A_161 = arith.select %and3A_159, %add3A_160, %rem3A_151 : i32
    %mul3A_162 = arith.constant 1024 : i32
    %mul3A_163 = arith.muli %select_n3A_145, %mul3A_162 : i32
    %mul3A_164 = arith.constant 16 : i32
    %mul3A_165 = arith.muli %select_n3A_161, %mul3A_164 : i32
    "tpu.region"() ({
      %run_scoped3A = tpu.sem_alloc : memref<!tpu.dma_semaphore, #tpu.memory_space<semaphore_mem>>
      %dma_start3A = tpu.memref_slice %arg2[%mul3A_163, %mul3A_165] : memref<16384x512xf32, #tpu.memory_space<hbm>> -> memref<1024x16xf32, #tpu.memory_space<hbm>>
      %dma_start3A_1000 = tpu.memref_slice %arg2[%mul3A_163, %mul3A_165] : memref<16384x512xf32, #tpu.memory_space<hbm>> -> memref<1024x16xf32, #tpu.memory_space<hbm>>
      tpu.enqueue_dma source(%dma_start3A_1000 : memref<1024x16xf32, #tpu.memory_space<hbm>>) target(%arg4 : memref<1024x16xf32, #tpu.memory_space<vmem>>) target_semaphore(%run_scoped3A : memref<!tpu.dma_semaphore, #tpu.memory_space<semaphore_mem>>)
      %dma_wait3A = tpu.memref_slice %arg2[%mul3A_163, %mul3A_165] : memref<16384x512xf32, #tpu.memory_space<hbm>> -> memref<1024x16xf32, #tpu.memory_space<hbm>>
      %dma_wait3A_1001 = tpu.memref_slice %arg2[%mul3A_163, %mul3A_165] : memref<16384x512xf32, #tpu.memory_space<hbm>> -> memref<1024x16xf32, #tpu.memory_space<hbm>>
      tpu.wait_dma2 semaphore(%run_scoped3A : memref<!tpu.dma_semaphore, #tpu.memory_space<semaphore_mem>>) src(%dma_wait3A_1001 : memref<1024x16xf32, #tpu.memory_space<hbm>>) dst(%arg4 : memref<1024x16xf32, #tpu.memory_space<vmem>>)
      tpu.yield
    }) : () -> ()
    %broadcast_in_dim3A_166 = arith.constant 0 : i32
    %broadcast_in_dim3A_167 = vector.broadcast %broadcast_in_dim3A_166 : i32 to vector<16xi32>
    %scan3A_168 = arith.constant 0 : i32
    %scan3A_169 = arith.constant 1024 : i32
    %scan3A_170 = arith.addi %scan3A_168, %scan3A_169 : i32
    %scan3A_171 = arith.constant 8 : i32
    %scan3A_172 = scf.for %scan3A_1000 = %scan3A_168 to %scan3A_170 step %scan3A_171 iter_args(%scan3A_1001 = %broadcast_in_dim3A_167) -> (vector<16xi32>)  : i32 {
      %get3A = arith.index_cast %scan3A_1000 : i32 to index
      %get3A_1002 = arith.constant 0 : index
      %get3A_1003 = tpu.vector_load %arg4[%get3A, %get3A_1002] {strides = array<i32>} : memref<1024x16xf32, #tpu.memory_space<vmem>>, vector<16xf32>,
      %add3A_1004 = arith.addi %mul3A_3, %scan3A_1001 : vector<16xi32>
      tpu.vector_store_idx %arg5[%add3A_1004], %get3A_1003 : memref<16384xf32, #tpu.memory_space<vmem>>[vector<16xi32>], vector<16xf32>,
      %add3A_1005 = arith.constant 1 : i32
      %add3A_1006 = vector.broadcast %add3A_1005 : i32 to vector<16xi32>
      %add3A_1007 = arith.addi %scan3A_1001, %add3A_1006 : vector<16xi32>
      %scan3A_1008 = arith.constant 1 : i32
      %scan3A_1009 = arith.addi %scan3A_1000, %scan3A_1008 : i32
      %get3A_1010 = arith.index_cast %scan3A_1009 : i32 to index
      %get3A_1011 = arith.constant 0 : index
      %get3A_1012 = tpu.vector_load %arg4[%get3A_1010, %get3A_1011] {strides = array<i32>} : memref<1024x16xf32, #tpu.memory_space<vmem>>, vector<16xf32>,
      %add3A_1013 = arith.addi %mul3A_3, %add3A_1007 : vector<16xi32>
      tpu.vector_store_idx %arg5[%add3A_1013], %get3A_1012 : memref<16384xf32, #tpu.memory_space<vmem>>[vector<16xi32>], vector<16xf32>,
      %add3A_1014 = arith.constant 1 : i32
      %add3A_1015 = vector.broadcast %add3A_1014 : i32 to vector<16xi32>
      %add3A_1016 = arith.addi %add3A_1007, %add3A_1015 : vector<16xi32>
      %scan3A_1017 = arith.constant 2 : i32
      %scan3A_1018 = arith.addi %scan3A_1000, %scan3A_1017 : i32
      %get3A_1019 = arith.index_cast %scan3A_1018 : i32 to index
      %get3A_1020 = arith.constant 0 : index
      %get3A_1021 = tpu.vector_load %arg4[%get3A_1019, %get3A_1020] {strides = array<i32>} : memref<1024x16xf32, #tpu.memory_space<vmem>>, vector<16xf32>,
      %add3A_1022 = arith.addi %mul3A_3, %add3A_1016 : vector<16xi32>
      tpu.vector_store_idx %arg5[%add3A_1022], %get3A_1021 : memref<16384xf32, #tpu.memory_space<vmem>>[vector<16xi32>], vector<16xf32>,
      %add3A_1023 = arith.constant 1 : i32
      %add3A_1024 = vector.broadcast %add3A_1023 : i32 to vector<16xi32>
      %add3A_1025 = arith.addi %add3A_1016, %add3A_1024 : vector<16xi32>
      %scan3A_1026 = arith.constant 3 : i32
      %scan3A_1027 = arith.addi %scan3A_1000, %scan3A_1026 : i32
      %get3A_1028 = arith.index_cast %scan3A_1027 : i32 to index
      %get3A_1029 = arith.constant 0 : index
      %get3A_1030 = tpu.vector_load %arg4[%get3A_1028, %get3A_1029] {strides = array<i32>} : memref<1024x16xf32, #tpu.memory_space<vmem>>, vector<16xf32>,
      %add3A_1031 = arith.addi %mul3A_3, %add3A_1025 : vector<16xi32>
      tpu.vector_store_idx %arg5[%add3A_1031], %get3A_1030 : memref<16384xf32, #tpu.memory_space<vmem>>[vector<16xi32>], vector<16xf32>,
      %add3A_1032 = arith.constant 1 : i32
      %add3A_1033 = vector.broadcast %add3A_1032 : i32 to vector<16xi32>
      %add3A_1034 = arith.addi %add3A_1025, %add3A_1033 : vector<16xi32>
      %scan3A_1035 = arith.constant 4 : i32
      %scan3A_1036 = arith.addi %scan3A_1000, %scan3A_1035 : i32
      %get3A_1037 = arith.index_cast %scan3A_1036 : i32 to index
      %get3A_1038 = arith.constant 0 : index
      %get3A_1039 = tpu.vector_load %arg4[%get3A_1037, %get3A_1038] {strides = array<i32>} : memref<1024x16xf32, #tpu.memory_space<vmem>>, vector<16xf32>,
      %add3A_1040 = arith.addi %mul3A_3, %add3A_1034 : vector<16xi32>
      tpu.vector_store_idx %arg5[%add3A_1040], %get3A_1039 : memref<16384xf32, #tpu.memory_space<vmem>>[vector<16xi32>], vector<16xf32>,
      %add3A_1041 = arith.constant 1 : i32
      %add3A_1042 = vector.broadcast %add3A_1041 : i32 to vector<16xi32>
      %add3A_1043 = arith.addi %add3A_1034, %add3A_1042 : vector<16xi32>
      %scan3A_1044 = arith.constant 5 : i32
      %scan3A_1045 = arith.addi %scan3A_1000, %scan3A_1044 : i32
      %get3A_1046 = arith.index_cast %scan3A_1045 : i32 to index
      %get3A_1047 = arith.constant 0 : index
      %get3A_1048 = tpu.vector_load %arg4[%get3A_1046, %get3A_1047] {strides = array<i32>} : memref<1024x16xf32, #tpu.memory_space<vmem>>, vector<16xf32>,
      %add3A_1049 = arith.addi %mul3A_3, %add3A_1043 : vector<16xi32>
      tpu.vector_store_idx %arg5[%add3A_1049], %get3A_1048 : memref<16384xf32, #tpu.memory_space<vmem>>[vector<16xi32>], vector<16xf32>,
      %add3A_1050 = arith.constant 1 : i32
      %add3A_1051 = vector.broadcast %add3A_1050 : i32 to vector<16xi32>
      %add3A_1052 = arith.addi %add3A_1043, %add3A_1051 : vector<16xi32>
      %scan3A_1053 = arith.constant 6 : i32
      %scan3A_1054 = arith.addi %scan3A_1000, %scan3A_1053 : i32
      %get3A_1055 = arith.index_cast %scan3A_1054 : i32 to index
      %get3A_1056 = arith.constant 0 : index
      %get3A_1057 = tpu.vector_load %arg4[%get3A_1055, %get3A_1056] {strides = array<i32>} : memref<1024x16xf32, #tpu.memory_space<vmem>>, vector<16xf32>,
      %add3A_1058 = arith.addi %mul3A_3, %add3A_1052 : vector<16xi32>
      tpu.vector_store_idx %arg5[%add3A_1058], %get3A_1057 : memref<16384xf32, #tpu.memory_space<vmem>>[vector<16xi32>], vector<16xf32>,
      %add3A_1059 = arith.constant 1 : i32
      %add3A_1060 = vector.broadcast %add3A_1059 : i32 to vector<16xi32>
      %add3A_1061 = arith.addi %add3A_1052, %add3A_1060 : vector<16xi32>
      %scan3A_1062 = arith.constant 7 : i32
      %scan3A_1063 = arith.addi %scan3A_1000, %scan3A_1062 : i32
      %get3A_1064 = arith.index_cast %scan3A_1063 : i32 to index
      %get3A_1065 = arith.constant 0 : index
      %get3A_1066 = tpu.vector_load %arg4[%get3A_1064, %get3A_1065] {strides = array<i32>} : memref<1024x16xf32, #tpu.memory_space<vmem>>, vector<16xf32>,
      %add3A_1067 = arith.addi %mul3A_3, %add3A_1061 : vector<16xi32>
      tpu.vector_store_idx %arg5[%add3A_1067], %get3A_1066 : memref<16384xf32, #tpu.memory_space<vmem>>[vector<16xi32>], vector<16xf32>,
      %add3A_1068 = arith.constant 1 : i32
      %add3A_1069 = vector.broadcast %add3A_1068 : i32 to vector<16xi32>
      %add3A_1070 = arith.addi %add3A_1061, %add3A_1069 : vector<16xi32>
      scf.yield %add3A_1070 : vector<16xi32>
    }
    %scan3A_173 = arith.constant 1024 : i32
    %mul3A_174 = arith.constant 512 : i32
    %mul3A_175 = arith.muli %select_n3A_145, %mul3A_174 : i32
    %mul3A_176 = arith.constant 16 : i32
    %mul3A_177 = arith.muli %select_n3A_161, %mul3A_176 : i32
    %add3A_178 = arith.addi %mul3A_175, %mul3A_177 : i32
    %mul3A_179 = arith.constant 1024 : i32
    %mul3A_180 = arith.muli %add3A_178, %mul3A_179 : i32
    "tpu.region"() ({
      %run_scoped3A = tpu.sem_alloc : memref<!tpu.dma_semaphore, #tpu.memory_space<semaphore_mem>>
      %dma_start3A = tpu.memref_slice %arg3[%mul3A_180] : memref<8388608xf32, #tpu.memory_space<hbm>> -> memref<16384xf32, #tpu.memory_space<hbm>>
      %dma_start3A_1000 = tpu.memref_slice %arg3[%mul3A_180] : memref<8388608xf32, #tpu.memory_space<hbm>> -> memref<16384xf32, #tpu.memory_space<hbm>>
      tpu.enqueue_dma source(%arg5 : memref<16384xf32, #tpu.memory_space<vmem>>) target(%dma_start3A_1000 : memref<16384xf32, #tpu.memory_space<hbm>>) target_semaphore(%run_scoped3A : memref<!tpu.dma_semaphore, #tpu.memory_space<semaphore_mem>>)
      %dma_wait3A = tpu.memref_slice %arg3[%mul3A_180] : memref<8388608xf32, #tpu.memory_space<hbm>> -> memref<16384xf32, #tpu.memory_space<hbm>>
      %dma_wait3A_1001 = tpu.memref_slice %arg3[%mul3A_180] : memref<8388608xf32, #tpu.memory_space<hbm>> -> memref<16384xf32, #tpu.memory_space<hbm>>
      tpu.wait_dma2 semaphore(%run_scoped3A : memref<!tpu.dma_semaphore, #tpu.memory_space<semaphore_mem>>) src(%arg5 : memref<16384xf32, #tpu.memory_space<vmem>>) dst(%dma_wait3A_1001 : memref<16384xf32, #tpu.memory_space<hbm>>)
      tpu.yield
    }) : () -> ()
    %mul3A_181 = arith.constant 16 : i32
    %mul3A_182 = arith.muli %add3A, %mul3A_181 : i32
    %add3A_183 = arith.constant 3 : i32
    %add3A_184 = arith.addi %mul3A_182, %add3A_183 : i32
    %jit3A_185 = arith.constant 32 : i32
    %div3A_186 = arith.divsi %add3A_184, %jit3A_185 : i32
    %sign3A_187 = arith.constant 0 : i32
    %sign3A_188 = arith.cmpi sgt, %add3A_184, %sign3A_187 : i32
    %sign3A_189 = arith.extui %sign3A_188 : i1 to i32
    %sign3A_190 = arith.constant 0 : i32
    %sign3A_191 = arith.cmpi slt, %add3A_184, %sign3A_190 : i32
    %sign3A_192 = arith.extui %sign3A_191 : i1 to i32
    %sign3A_193 = arith.subi %sign3A_189, %sign3A_192 : i32
    %sign3A_194 = arith.constant 0 : i32
    %sign3A_195 = arith.cmpi sgt, %jit3A_185, %sign3A_194 : i32
    %sign3A_196 = arith.extui %sign3A_195 : i1 to i32
    %sign3A_197 = arith.constant 0 : i32
    %sign3A_198 = arith.cmpi slt, %jit3A_185, %sign3A_197 : i32
    %sign3A_199 = arith.extui %sign3A_198 : i1 to i32
    %sign3A_200 = arith.subi %sign3A_196, %sign3A_199 : i32
    %ne3A_201 = arith.cmpi ne, %sign3A_193, %sign3A_200 : i32
    %rem3A_202 = arith.remsi %add3A_184, %jit3A_185 : i32
    %ne3A_203 = arith.constant 0 : i32
    %ne3A_204 = arith.cmpi ne, %rem3A_202, %ne3A_203 : i32
    %and3A_205 = arith.andi %ne3A_201, %ne3A_204 : i1
    %sub3A_206 = arith.constant 1 : i32
    %sub3A_207 = arith.subi %div3A_186, %sub3A_206 : i32
    %select_n3A_208 = arith.select %and3A_205, %sub3A_207, %div3A_186 : i32
    %jit3A_209 = arith.constant 32 : i32
    %eq3A_210 = arith.constant 0 : i32
    %eq3A_211 = arith.cmpi eq, %jit3A_209, %eq3A_210 : i32
    %jit3A_212 = arith.constant 1 : i32
    %select_n3A_213 = arith.select %eq3A_211, %jit3A_212, %jit3A_209 : i32
    %rem3A_214 = arith.remsi %add3A_184, %select_n3A_213 : i32
    %ne3A_215 = arith.constant 0 : i32
    %ne3A_216 = arith.cmpi ne, %rem3A_214, %ne3A_215 : i32
    %lt3A_217 = arith.constant 0 : i32
    %lt3A_218 = arith.cmpi slt, %rem3A_214, %lt3A_217 : i32
    %lt3A_219 = arith.constant 0 : i32
    %lt3A_220 = arith.cmpi slt, %select_n3A_213, %lt3A_219 : i32
    %ne3A_221 = arith.xori %lt3A_218, %lt3A_220 : i1
    %and3A_222 = arith.andi %ne3A_221, %ne3A_216 : i1
    %add3A_223 = arith.addi %rem3A_214, %select_n3A_213 : i32
    %select_n3A_224 = arith.select %and3A_222, %add3A_223, %rem3A_214 : i32
    %mul3A_225 = arith.constant 1024 : i32
    %mul3A_226 = arith.muli %select_n3A_208, %mul3A_225 : i32
    %mul3A_227 = arith.constant 16 : i32
    %mul3A_228 = arith.muli %select_n3A_224, %mul3A_227 : i32
    "tpu.region"() ({
      %run_scoped3A = tpu.sem_alloc : memref<!tpu.dma_semaphore, #tpu.memory_space<semaphore_mem>>
      %dma_start3A = tpu.memref_slice %arg2[%mul3A_226, %mul3A_228] : memref<16384x512xf32, #tpu.memory_space<hbm>> -> memref<1024x16xf32, #tpu.memory_space<hbm>>
      %dma_start3A_1000 = tpu.memref_slice %arg2[%mul3A_226, %mul3A_228] : memref<16384x512xf32, #tpu.memory_space<hbm>> -> memref<1024x16xf32, #tpu.memory_space<hbm>>
      tpu.enqueue_dma source(%dma_start3A_1000 : memref<1024x16xf32, #tpu.memory_space<hbm>>) target(%arg4 : memref<1024x16xf32, #tpu.memory_space<vmem>>) target_semaphore(%run_scoped3A : memref<!tpu.dma_semaphore, #tpu.memory_space<semaphore_mem>>)
      %dma_wait3A = tpu.memref_slice %arg2[%mul3A_226, %mul3A_228] : memref<16384x512xf32, #tpu.memory_space<hbm>> -> memref<1024x16xf32, #tpu.memory_space<hbm>>
      %dma_wait3A_1001 = tpu.memref_slice %arg2[%mul3A_226, %mul3A_228] : memref<16384x512xf32, #tpu.memory_space<hbm>> -> memref<1024x16xf32, #tpu.memory_space<hbm>>
      tpu.wait_dma2 semaphore(%run_scoped3A : memref<!tpu.dma_semaphore, #tpu.memory_space<semaphore_mem>>) src(%dma_wait3A_1001 : memref<1024x16xf32, #tpu.memory_space<hbm>>) dst(%arg4 : memref<1024x16xf32, #tpu.memory_space<vmem>>)
      tpu.yield
    }) : () -> ()
    %broadcast_in_dim3A_229 = arith.constant 0 : i32
    %broadcast_in_dim3A_230 = vector.broadcast %broadcast_in_dim3A_229 : i32 to vector<16xi32>
    %scan3A_231 = arith.constant 0 : i32
    %scan3A_232 = arith.constant 1024 : i32
    %scan3A_233 = arith.addi %scan3A_231, %scan3A_232 : i32
    %scan3A_234 = arith.constant 8 : i32
    %scan3A_235 = scf.for %scan3A_1000 = %scan3A_231 to %scan3A_233 step %scan3A_234 iter_args(%scan3A_1001 = %broadcast_in_dim3A_230) -> (vector<16xi32>)  : i32 {
      %get3A = arith.index_cast %scan3A_1000 : i32 to index
      %get3A_1002 = arith.constant 0 : index
      %get3A_1003 = tpu.vector_load %arg4[%get3A, %get3A_1002] {strides = array<i32>} : memref<1024x16xf32, #tpu.memory_space<vmem>>, vector<16xf32>,
      %add3A_1004 = arith.addi %mul3A_3, %scan3A_1001 : vector<16xi32>
      tpu.vector_store_idx %arg5[%add3A_1004], %get3A_1003 : memref<16384xf32, #tpu.memory_space<vmem>>[vector<16xi32>], vector<16xf32>,
      %add3A_1005 = arith.constant 1 : i32
      %add3A_1006 = vector.broadcast %add3A_1005 : i32 to vector<16xi32>
      %add3A_1007 = arith.addi %scan3A_1001, %add3A_1006 : vector<16xi32>
      %scan3A_1008 = arith.constant 1 : i32
      %scan3A_1009 = arith.addi %scan3A_1000, %scan3A_1008 : i32
      %get3A_1010 = arith.index_cast %scan3A_1009 : i32 to index
      %get3A_1011 = arith.constant 0 : index
      %get3A_1012 = tpu.vector_load %arg4[%get3A_1010, %get3A_1011] {strides = array<i32>} : memref<1024x16xf32, #tpu.memory_space<vmem>>, vector<16xf32>,
      %add3A_1013 = arith.addi %mul3A_3, %add3A_1007 : vector<16xi32>
      tpu.vector_store_idx %arg5[%add3A_1013], %get3A_1012 : memref<16384xf32, #tpu.memory_space<vmem>>[vector<16xi32>], vector<16xf32>,
      %add3A_1014 = arith.constant 1 : i32
      %add3A_1015 = vector.broadcast %add3A_1014 : i32 to vector<16xi32>
      %add3A_1016 = arith.addi %add3A_1007, %add3A_1015 : vector<16xi32>
      %scan3A_1017 = arith.constant 2 : i32
      %scan3A_1018 = arith.addi %scan3A_1000, %scan3A_1017 : i32
      %get3A_1019 = arith.index_cast %scan3A_1018 : i32 to index
      %get3A_1020 = arith.constant 0 : index
      %get3A_1021 = tpu.vector_load %arg4[%get3A_1019, %get3A_1020] {strides = array<i32>} : memref<1024x16xf32, #tpu.memory_space<vmem>>, vector<16xf32>,
      %add3A_1022 = arith.addi %mul3A_3, %add3A_1016 : vector<16xi32>
      tpu.vector_store_idx %arg5[%add3A_1022], %get3A_1021 : memref<16384xf32, #tpu.memory_space<vmem>>[vector<16xi32>], vector<16xf32>,
      %add3A_1023 = arith.constant 1 : i32
      %add3A_1024 = vector.broadcast %add3A_1023 : i32 to vector<16xi32>
      %add3A_1025 = arith.addi %add3A_1016, %add3A_1024 : vector<16xi32>
      %scan3A_1026 = arith.constant 3 : i32
      %scan3A_1027 = arith.addi %scan3A_1000, %scan3A_1026 : i32
      %get3A_1028 = arith.index_cast %scan3A_1027 : i32 to index
      %get3A_1029 = arith.constant 0 : index
      %get3A_1030 = tpu.vector_load %arg4[%get3A_1028, %get3A_1029] {strides = array<i32>} : memref<1024x16xf32, #tpu.memory_space<vmem>>, vector<16xf32>,
      %add3A_1031 = arith.addi %mul3A_3, %add3A_1025 : vector<16xi32>
      tpu.vector_store_idx %arg5[%add3A_1031], %get3A_1030 : memref<16384xf32, #tpu.memory_space<vmem>>[vector<16xi32>], vector<16xf32>,
      %add3A_1032 = arith.constant 1 : i32
      %add3A_1033 = vector.broadcast %add3A_1032 : i32 to vector<16xi32>
      %add3A_1034 = arith.addi %add3A_1025, %add3A_1033 : vector<16xi32>
      %scan3A_1035 = arith.constant 4 : i32
      %scan3A_1036 = arith.addi %scan3A_1000, %scan3A_1035 : i32
      %get3A_1037 = arith.index_cast %scan3A_1036 : i32 to index
      %get3A_1038 = arith.constant 0 : index
      %get3A_1039 = tpu.vector_load %arg4[%get3A_1037, %get3A_1038] {strides = array<i32>} : memref<1024x16xf32, #tpu.memory_space<vmem>>, vector<16xf32>,
      %add3A_1040 = arith.addi %mul3A_3, %add3A_1034 : vector<16xi32>
      tpu.vector_store_idx %arg5[%add3A_1040], %get3A_1039 : memref<16384xf32, #tpu.memory_space<vmem>>[vector<16xi32>], vector<16xf32>,
      %add3A_1041 = arith.constant 1 : i32
      %add3A_1042 = vector.broadcast %add3A_1041 : i32 to vector<16xi32>
      %add3A_1043 = arith.addi %add3A_1034, %add3A_1042 : vector<16xi32>
      %scan3A_1044 = arith.constant 5 : i32
      %scan3A_1045 = arith.addi %scan3A_1000, %scan3A_1044 : i32
      %get3A_1046 = arith.index_cast %scan3A_1045 : i32 to index
      %get3A_1047 = arith.constant 0 : index
      %get3A_1048 = tpu.vector_load %arg4[%get3A_1046, %get3A_1047] {strides = array<i32>} : memref<1024x16xf32, #tpu.memory_space<vmem>>, vector<16xf32>,
      %add3A_1049 = arith.addi %mul3A_3, %add3A_1043 : vector<16xi32>
      tpu.vector_store_idx %arg5[%add3A_1049], %get3A_1048 : memref<16384xf32, #tpu.memory_space<vmem>>[vector<16xi32>], vector<16xf32>,
      %add3A_1050 = arith.constant 1 : i32
      %add3A_1051 = vector.broadcast %add3A_1050 : i32 to vector<16xi32>
      %add3A_1052 = arith.addi %add3A_1043, %add3A_1051 : vector<16xi32>
      %scan3A_1053 = arith.constant 6 : i32
      %scan3A_1054 = arith.addi %scan3A_1000, %scan3A_1053 : i32
      %get3A_1055 = arith.index_cast %scan3A_1054 : i32 to index
      %get3A_1056 = arith.constant 0 : index
      %get3A_1057 = tpu.vector_load %arg4[%get3A_1055, %get3A_1056] {strides = array<i32>} : memref<1024x16xf32, #tpu.memory_space<vmem>>, vector<16xf32>,
      %add3A_1058 = arith.addi %mul3A_3, %add3A_1052 : vector<16xi32>
      tpu.vector_store_idx %arg5[%add3A_1058], %get3A_1057 : memref<16384xf32, #tpu.memory_space<vmem>>[vector<16xi32>], vector<16xf32>,
      %add3A_1059 = arith.constant 1 : i32
      %add3A_1060 = vector.broadcast %add3A_1059 : i32 to vector<16xi32>
      %add3A_1061 = arith.addi %add3A_1052, %add3A_1060 : vector<16xi32>
      %scan3A_1062 = arith.constant 7 : i32
      %scan3A_1063 = arith.addi %scan3A_1000, %scan3A_1062 : i32
      %get3A_1064 = arith.index_cast %scan3A_1063 : i32 to index
      %get3A_1065 = arith.constant 0 : index
      %get3A_1066 = tpu.vector_load %arg4[%get3A_1064, %get3A_1065] {strides = array<i32>} : memref<1024x16xf32, #tpu.memory_space<vmem>>, vector<16xf32>,
      %add3A_1067 = arith.addi %mul3A_3, %add3A_1061 : vector<16xi32>
      tpu.vector_store_idx %arg5[%add3A_1067], %get3A_1066 : memref<16384xf32, #tpu.memory_space<vmem>>[vector<16xi32>], vector<16xf32>,
      %add3A_1068 = arith.constant 1 : i32
      %add3A_1069 = vector.broadcast %add3A_1068 : i32 to vector<16xi32>
      %add3A_1070 = arith.addi %add3A_1061, %add3A_1069 : vector<16xi32>
      scf.yield %add3A_1070 : vector<16xi32>
    }
    %scan3A_236 = arith.constant 1024 : i32
    %mul3A_237 = arith.constant 512 : i32
    %mul3A_238 = arith.muli %select_n3A_208, %mul3A_237 : i32
    %mul3A_239 = arith.constant 16 : i32
    %mul3A_240 = arith.muli %select_n3A_224, %mul3A_239 : i32
    %add3A_241 = arith.addi %mul3A_238, %mul3A_240 : i32
    %mul3A_242 = arith.constant 1024 : i32
    %mul3A_243 = arith.muli %add3A_241, %mul3A_242 : i32
    "tpu.region"() ({
      %run_scoped3A = tpu.sem_alloc : memref<!tpu.dma_semaphore, #tpu.memory_space<semaphore_mem>>
      %dma_start3A = tpu.memref_slice %arg3[%mul3A_243] : memref<8388608xf32, #tpu.memory_space<hbm>> -> memref<16384xf32, #tpu.memory_space<hbm>>
      %dma_start3A_1000 = tpu.memref_slice %arg3[%mul3A_243] : memref<8388608xf32, #tpu.memory_space<hbm>> -> memref<16384xf32, #tpu.memory_space<hbm>>
      tpu.enqueue_dma source(%arg5 : memref<16384xf32, #tpu.memory_space<vmem>>) target(%dma_start3A_1000 : memref<16384xf32, #tpu.memory_space<hbm>>) target_semaphore(%run_scoped3A : memref<!tpu.dma_semaphore, #tpu.memory_space<semaphore_mem>>)
      %dma_wait3A = tpu.memref_slice %arg3[%mul3A_243] : memref<8388608xf32, #tpu.memory_space<hbm>> -> memref<16384xf32, #tpu.memory_space<hbm>>
      %dma_wait3A_1001 = tpu.memref_slice %arg3[%mul3A_243] : memref<8388608xf32, #tpu.memory_space<hbm>> -> memref<16384xf32, #tpu.memory_space<hbm>>
      tpu.wait_dma2 semaphore(%run_scoped3A : memref<!tpu.dma_semaphore, #tpu.memory_space<semaphore_mem>>) src(%arg5 : memref<16384xf32, #tpu.memory_space<vmem>>) dst(%dma_wait3A_1001 : memref<16384xf32, #tpu.memory_space<hbm>>)
      tpu.yield
    }) : () -> ()
    %mul3A_244 = arith.constant 16 : i32
    %mul3A_245 = arith.muli %add3A, %mul3A_244 : i32
    %add3A_246 = arith.constant 4 : i32
    %add3A_247 = arith.addi %mul3A_245, %add3A_246 : i32
    %jit3A_248 = arith.constant 32 : i32
    %div3A_249 = arith.divsi %add3A_247, %jit3A_248 : i32
    %sign3A_250 = arith.constant 0 : i32
    %sign3A_251 = arith.cmpi sgt, %add3A_247, %sign3A_250 : i32
    %sign3A_252 = arith.extui %sign3A_251 : i1 to i32
    %sign3A_253 = arith.constant 0 : i32
    %sign3A_254 = arith.cmpi slt, %add3A_247, %sign3A_253 : i32
    %sign3A_255 = arith.extui %sign3A_254 : i1 to i32
    %sign3A_256 = arith.subi %sign3A_252, %sign3A_255 : i32
    %sign3A_257 = arith.constant 0 : i32
    %sign3A_258 = arith.cmpi sgt, %jit3A_248, %sign3A_257 : i32
    %sign3A_259 = arith.extui %sign3A_258 : i1 to i32
    %sign3A_260 = arith.constant 0 : i32
    %sign3A_261 = arith.cmpi slt, %jit3A_248, %sign3A_260 : i32
    %sign3A_262 = arith.extui %sign3A_261 : i1 to i32
    %sign3A_263 = arith.subi %sign3A_259, %sign3A_262 : i32
    %ne3A_264 = arith.cmpi ne, %sign3A_256, %sign3A_263 : i32
    %rem3A_265 = arith.remsi %add3A_247, %jit3A_248 : i32
    %ne3A_266 = arith.constant 0 : i32
    %ne3A_267 = arith.cmpi ne, %rem3A_265, %ne3A_266 : i32
    %and3A_268 = arith.andi %ne3A_264, %ne3A_267 : i1
    %sub3A_269 = arith.constant 1 : i32
    %sub3A_270 = arith.subi %div3A_249, %sub3A_269 : i32
    %select_n3A_271 = arith.select %and3A_268, %sub3A_270, %div3A_249 : i32
    %jit3A_272 = arith.constant 32 : i32
    %eq3A_273 = arith.constant 0 : i32
    %eq3A_274 = arith.cmpi eq, %jit3A_272, %eq3A_273 : i32
    %jit3A_275 = arith.constant 1 : i32
    %select_n3A_276 = arith.select %eq3A_274, %jit3A_275, %jit3A_272 : i32
    %rem3A_277 = arith.remsi %add3A_247, %select_n3A_276 : i32
    %ne3A_278 = arith.constant 0 : i32
    %ne3A_279 = arith.cmpi ne, %rem3A_277, %ne3A_278 : i32
    %lt3A_280 = arith.constant 0 : i32
    %lt3A_281 = arith.cmpi slt, %rem3A_277, %lt3A_280 : i32
    %lt3A_282 = arith.constant 0 : i32
    %lt3A_283 = arith.cmpi slt, %select_n3A_276, %lt3A_282 : i32
    %ne3A_284 = arith.xori %lt3A_281, %lt3A_283 : i1
    %and3A_285 = arith.andi %ne3A_284, %ne3A_279 : i1
    %add3A_286 = arith.addi %rem3A_277, %select_n3A_276 : i32
    %select_n3A_287 = arith.select %and3A_285, %add3A_286, %rem3A_277 : i32
    %mul3A_288 = arith.constant 1024 : i32
    %mul3A_289 = arith.muli %select_n3A_271, %mul3A_288 : i32
    %mul3A_290 = arith.constant 16 : i32
    %mul3A_291 = arith.muli %select_n3A_287, %mul3A_290 : i32
    "tpu.region"() ({
      %run_scoped3A = tpu.sem_alloc : memref<!tpu.dma_semaphore, #tpu.memory_space<semaphore_mem>>
      %dma_start3A = tpu.memref_slice %arg2[%mul3A_289, %mul3A_291] : memref<16384x512xf32, #tpu.memory_space<hbm>> -> memref<1024x16xf32, #tpu.memory_space<hbm>>
      %dma_start3A_1000 = tpu.memref_slice %arg2[%mul3A_289, %mul3A_291] : memref<16384x512xf32, #tpu.memory_space<hbm>> -> memref<1024x16xf32, #tpu.memory_space<hbm>>
      tpu.enqueue_dma source(%dma_start3A_1000 : memref<1024x16xf32, #tpu.memory_space<hbm>>) target(%arg4 : memref<1024x16xf32, #tpu.memory_space<vmem>>) target_semaphore(%run_scoped3A : memref<!tpu.dma_semaphore, #tpu.memory_space<semaphore_mem>>)
      %dma_wait3A = tpu.memref_slice %arg2[%mul3A_289, %mul3A_291] : memref<16384x512xf32, #tpu.memory_space<hbm>> -> memref<1024x16xf32, #tpu.memory_space<hbm>>
      %dma_wait3A_1001 = tpu.memref_slice %arg2[%mul3A_289, %mul3A_291] : memref<16384x512xf32, #tpu.memory_space<hbm>> -> memref<1024x16xf32, #tpu.memory_space<hbm>>
      tpu.wait_dma2 semaphore(%run_scoped3A : memref<!tpu.dma_semaphore, #tpu.memory_space<semaphore_mem>>) src(%dma_wait3A_1001 : memref<1024x16xf32, #tpu.memory_space<hbm>>) dst(%arg4 : memref<1024x16xf32, #tpu.memory_space<vmem>>)
      tpu.yield
    }) : () -> ()
    %broadcast_in_dim3A_292 = arith.constant 0 : i32
    %broadcast_in_dim3A_293 = vector.broadcast %broadcast_in_dim3A_292 : i32 to vector<16xi32>
    %scan3A_294 = arith.constant 0 : i32
    %scan3A_295 = arith.constant 1024 : i32
    %scan3A_296 = arith.addi %scan3A_294, %scan3A_295 : i32
    %scan3A_297 = arith.constant 8 : i32
    %scan3A_298 = scf.for %scan3A_1000 = %scan3A_294 to %scan3A_296 step %scan3A_297 iter_args(%scan3A_1001 = %broadcast_in_dim3A_293) -> (vector<16xi32>)  : i32 {
      %get3A = arith.index_cast %scan3A_1000 : i32 to index
      %get3A_1002 = arith.constant 0 : index
      %get3A_1003 = tpu.vector_load %arg4[%get3A, %get3A_1002] {strides = array<i32>} : memref<1024x16xf32, #tpu.memory_space<vmem>>, vector<16xf32>,
      %add3A_1004 = arith.addi %mul3A_3, %scan3A_1001 : vector<16xi32>
      tpu.vector_store_idx %arg5[%add3A_1004], %get3A_1003 : memref<16384xf32, #tpu.memory_space<vmem>>[vector<16xi32>], vector<16xf32>,
      %add3A_1005 = arith.constant 1 : i32
      %add3A_1006 = vector.broadcast %add3A_1005 : i32 to vector<16xi32>
      %add3A_1007 = arith.addi %scan3A_1001, %add3A_1006 : vector<16xi32>
      %scan3A_1008 = arith.constant 1 : i32
      %scan3A_1009 = arith.addi %scan3A_1000, %scan3A_1008 : i32
      %get3A_1010 = arith.index_cast %scan3A_1009 : i32 to index
      %get3A_1011 = arith.constant 0 : index
      %get3A_1012 = tpu.vector_load %arg4[%get3A_1010, %get3A_1011] {strides = array<i32>} : memref<1024x16xf32, #tpu.memory_space<vmem>>, vector<16xf32>,
      %add3A_1013 = arith.addi %mul3A_3, %add3A_1007 : vector<16xi32>
      tpu.vector_store_idx %arg5[%add3A_1013], %get3A_1012 : memref<16384xf32, #tpu.memory_space<vmem>>[vector<16xi32>], vector<16xf32>,
      %add3A_1014 = arith.constant 1 : i32
      %add3A_1015 = vector.broadcast %add3A_1014 : i32 to vector<16xi32>
      %add3A_1016 = arith.addi %add3A_1007, %add3A_1015 : vector<16xi32>
      %scan3A_1017 = arith.constant 2 : i32
      %scan3A_1018 = arith.addi %scan3A_1000, %scan3A_1017 : i32
      %get3A_1019 = arith.index_cast %scan3A_1018 : i32 to index
      %get3A_1020 = arith.constant 0 : index
      %get3A_1021 = tpu.vector_load %arg4[%get3A_1019, %get3A_1020] {strides = array<i32>} : memref<1024x16xf32, #tpu.memory_space<vmem>>, vector<16xf32>,
      %add3A_1022 = arith.addi %mul3A_3, %add3A_1016 : vector<16xi32>
      tpu.vector_store_idx %arg5[%add3A_1022], %get3A_1021 : memref<16384xf32, #tpu.memory_space<vmem>>[vector<16xi32>], vector<16xf32>,
      %add3A_1023 = arith.constant 1 : i32
      %add3A_1024 = vector.broadcast %add3A_1023 : i32 to vector<16xi32>
      %add3A_1025 = arith.addi %add3A_1016, %add3A_1024 : vector<16xi32>
      %scan3A_1026 = arith.constant 3 : i32
      %scan3A_1027 = arith.addi %scan3A_1000, %scan3A_1026 : i32
      %get3A_1028 = arith.index_cast %scan3A_1027 : i32 to index
      %get3A_1029 = arith.constant 0 : index
      %get3A_1030 = tpu.vector_load %arg4[%get3A_1028, %get3A_1029] {strides = array<i32>} : memref<1024x16xf32, #tpu.memory_space<vmem>>, vector<16xf32>,
      %add3A_1031 = arith.addi %mul3A_3, %add3A_1025 : vector<16xi32>
      tpu.vector_store_idx %arg5[%add3A_1031], %get3A_1030 : memref<16384xf32, #tpu.memory_space<vmem>>[vector<16xi32>], vector<16xf32>,
      %add3A_1032 = arith.constant 1 : i32
      %add3A_1033 = vector.broadcast %add3A_1032 : i32 to vector<16xi32>
      %add3A_1034 = arith.addi %add3A_1025, %add3A_1033 : vector<16xi32>
      %scan3A_1035 = arith.constant 4 : i32
      %scan3A_1036 = arith.addi %scan3A_1000, %scan3A_1035 : i32
      %get3A_1037 = arith.index_cast %scan3A_1036 : i32 to index
      %get3A_1038 = arith.constant 0 : index
      %get3A_1039 = tpu.vector_load %arg4[%get3A_1037, %get3A_1038] {strides = array<i32>} : memref<1024x16xf32, #tpu.memory_space<vmem>>, vector<16xf32>,
      %add3A_1040 = arith.addi %mul3A_3, %add3A_1034 : vector<16xi32>
      tpu.vector_store_idx %arg5[%add3A_1040], %get3A_1039 : memref<16384xf32, #tpu.memory_space<vmem>>[vector<16xi32>], vector<16xf32>,
      %add3A_1041 = arith.constant 1 : i32
      %add3A_1042 = vector.broadcast %add3A_1041 : i32 to vector<16xi32>
      %add3A_1043 = arith.addi %add3A_1034, %add3A_1042 : vector<16xi32>
      %scan3A_1044 = arith.constant 5 : i32
      %scan3A_1045 = arith.addi %scan3A_1000, %scan3A_1044 : i32
      %get3A_1046 = arith.index_cast %scan3A_1045 : i32 to index
      %get3A_1047 = arith.constant 0 : index
      %get3A_1048 = tpu.vector_load %arg4[%get3A_1046, %get3A_1047] {strides = array<i32>} : memref<1024x16xf32, #tpu.memory_space<vmem>>, vector<16xf32>,
      %add3A_1049 = arith.addi %mul3A_3, %add3A_1043 : vector<16xi32>
      tpu.vector_store_idx %arg5[%add3A_1049], %get3A_1048 : memref<16384xf32, #tpu.memory_space<vmem>>[vector<16xi32>], vector<16xf32>,
      %add3A_1050 = arith.constant 1 : i32
      %add3A_1051 = vector.broadcast %add3A_1050 : i32 to vector<16xi32>
      %add3A_1052 = arith.addi %add3A_1043, %add3A_1051 : vector<16xi32>
      %scan3A_1053 = arith.constant 6 : i32
      %scan3A_1054 = arith.addi %scan3A_1000, %scan3A_1053 : i32
      %get3A_1055 = arith.index_cast %scan3A_1054 : i32 to index
      %get3A_1056 = arith.constant 0 : index
      %get3A_1057 = tpu.vector_load %arg4[%get3A_1055, %get3A_1056] {strides = array<i32>} : memref<1024x16xf32, #tpu.memory_space<vmem>>, vector<16xf32>,
      %add3A_1058 = arith.addi %mul3A_3, %add3A_1052 : vector<16xi32>
      tpu.vector_store_idx %arg5[%add3A_1058], %get3A_1057 : memref<16384xf32, #tpu.memory_space<vmem>>[vector<16xi32>], vector<16xf32>,
      %add3A_1059 = arith.constant 1 : i32
      %add3A_1060 = vector.broadcast %add3A_1059 : i32 to vector<16xi32>
      %add3A_1061 = arith.addi %add3A_1052, %add3A_1060 : vector<16xi32>
      %scan3A_1062 = arith.constant 7 : i32
      %scan3A_1063 = arith.addi %scan3A_1000, %scan3A_1062 : i32
      %get3A_1064 = arith.index_cast %scan3A_1063 : i32 to index
      %get3A_1065 = arith.constant 0 : index
      %get3A_1066 = tpu.vector_load %arg4[%get3A_1064, %get3A_1065] {strides = array<i32>} : memref<1024x16xf32, #tpu.memory_space<vmem>>, vector<16xf32>,
      %add3A_1067 = arith.addi %mul3A_3, %add3A_1061 : vector<16xi32>
      tpu.vector_store_idx %arg5[%add3A_1067], %get3A_1066 : memref<16384xf32, #tpu.memory_space<vmem>>[vector<16xi32>], vector<16xf32>,
      %add3A_1068 = arith.constant 1 : i32
      %add3A_1069 = vector.broadcast %add3A_1068 : i32 to vector<16xi32>
      %add3A_1070 = arith.addi %add3A_1061, %add3A_1069 : vector<16xi32>
      scf.yield %add3A_1070 : vector<16xi32>
    }
    %scan3A_299 = arith.constant 1024 : i32
    %mul3A_300 = arith.constant 512 : i32
    %mul3A_301 = arith.muli %select_n3A_271, %mul3A_300 : i32
    %mul3A_302 = arith.constant 16 : i32
    %mul3A_303 = arith.muli %select_n3A_287, %mul3A_302 : i32
    %add3A_304 = arith.addi %mul3A_301, %mul3A_303 : i32
    %mul3A_305 = arith.constant 1024 : i32
    %mul3A_306 = arith.muli %add3A_304, %mul3A_305 : i32
    "tpu.region"() ({
      %run_scoped3A = tpu.sem_alloc : memref<!tpu.dma_semaphore, #tpu.memory_space<semaphore_mem>>
      %dma_start3A = tpu.memref_slice %arg3[%mul3A_306] : memref<8388608xf32, #tpu.memory_space<hbm>> -> memref<16384xf32, #tpu.memory_space<hbm>>
      %dma_start3A_1000 = tpu.memref_slice %arg3[%mul3A_306] : memref<8388608xf32, #tpu.memory_space<hbm>> -> memref<16384xf32, #tpu.memory_space<hbm>>
      tpu.enqueue_dma source(%arg5 : memref<16384xf32, #tpu.memory_space<vmem>>) target(%dma_start3A_1000 : memref<16384xf32, #tpu.memory_space<hbm>>) target_semaphore(%run_scoped3A : memref<!tpu.dma_semaphore, #tpu.memory_space<semaphore_mem>>)
      %dma_wait3A = tpu.memref_slice %arg3[%mul3A_306] : memref<8388608xf32, #tpu.memory_space<hbm>> -> memref<16384xf32, #tpu.memory_space<hbm>>
      %dma_wait3A_1001 = tpu.memref_slice %arg3[%mul3A_306] : memref<8388608xf32, #tpu.memory_space<hbm>> -> memref<16384xf32, #tpu.memory_space<hbm>>
      tpu.wait_dma2 semaphore(%run_scoped3A : memref<!tpu.dma_semaphore, #tpu.memory_space<semaphore_mem>>) src(%arg5 : memref<16384xf32, #tpu.memory_space<vmem>>) dst(%dma_wait3A_1001 : memref<16384xf32, #tpu.memory_space<hbm>>)
      tpu.yield
    }) : () -> ()
    %mul3A_307 = arith.constant 16 : i32
    %mul3A_308 = arith.muli %add3A, %mul3A_307 : i32
    %add3A_309 = arith.constant 5 : i32
    %add3A_310 = arith.addi %mul3A_308, %add3A_309 : i32
    %jit3A_311 = arith.constant 32 : i32
    %div3A_312 = arith.divsi %add3A_310, %jit3A_311 : i32
    %sign3A_313 = arith.constant 0 : i32
    %sign3A_314 = arith.cmpi sgt, %add3A_310, %sign3A_313 : i32
    %sign3A_315 = arith.extui %sign3A_314 : i1 to i32
    %sign3A_316 = arith.constant 0 : i32
    %sign3A_317 = arith.cmpi slt, %add3A_310, %sign3A_316 : i32
    %sign3A_318 = arith.extui %sign3A_317 : i1 to i32
    %sign3A_319 = arith.subi %sign3A_315, %sign3A_318 : i32
    %sign3A_320 = arith.constant 0 : i32
    %sign3A_321 = arith.cmpi sgt, %jit3A_311, %sign3A_320 : i32
    %sign3A_322 = arith.extui %sign3A_321 : i1 to i32
    %sign3A_323 = arith.constant 0 : i32
    %sign3A_324 = arith.cmpi slt, %jit3A_311, %sign3A_323 : i32
    %sign3A_325 = arith.extui %sign3A_324 : i1 to i32
    %sign3A_326 = arith.subi %sign3A_322, %sign3A_325 : i32
    %ne3A_327 = arith.cmpi ne, %sign3A_319, %sign3A_326 : i32
    %rem3A_328 = arith.remsi %add3A_310, %jit3A_311 : i32
    %ne3A_329 = arith.constant 0 : i32
    %ne3A_330 = arith.cmpi ne, %rem3A_328, %ne3A_329 : i32
    %and3A_331 = arith.andi %ne3A_327, %ne3A_330 : i1
    %sub3A_332 = arith.constant 1 : i32
    %sub3A_333 = arith.subi %div3A_312, %sub3A_332 : i32
    %select_n3A_334 = arith.select %and3A_331, %sub3A_333, %div3A_312 : i32
    %jit3A_335 = arith.constant 32 : i32
    %eq3A_336 = arith.constant 0 : i32
    %eq3A_337 = arith.cmpi eq, %jit3A_335, %eq3A_336 : i32
    %jit3A_338 = arith.constant 1 : i32
    %select_n3A_339 = arith.select %eq3A_337, %jit3A_338, %jit3A_335 : i32
    %rem3A_340 = arith.remsi %add3A_310, %select_n3A_339 : i32
    %ne3A_341 = arith.constant 0 : i32
    %ne3A_342 = arith.cmpi ne, %rem3A_340, %ne3A_341 : i32
    %lt3A_343 = arith.constant 0 : i32
    %lt3A_344 = arith.cmpi slt, %rem3A_340, %lt3A_343 : i32
    %lt3A_345 = arith.constant 0 : i32
    %lt3A_346 = arith.cmpi slt, %select_n3A_339, %lt3A_345 : i32
    %ne3A_347 = arith.xori %lt3A_344, %lt3A_346 : i1
    %and3A_348 = arith.andi %ne3A_347, %ne3A_342 : i1
    %add3A_349 = arith.addi %rem3A_340, %select_n3A_339 : i32
    %select_n3A_350 = arith.select %and3A_348, %add3A_349, %rem3A_340 : i32
    %mul3A_351 = arith.constant 1024 : i32
    %mul3A_352 = arith.muli %select_n3A_334, %mul3A_351 : i32
    %mul3A_353 = arith.constant 16 : i32
    %mul3A_354 = arith.muli %select_n3A_350, %mul3A_353 : i32
    "tpu.region"() ({
      %run_scoped3A = tpu.sem_alloc : memref<!tpu.dma_semaphore, #tpu.memory_space<semaphore_mem>>
      %dma_start3A = tpu.memref_slice %arg2[%mul3A_352, %mul3A_354] : memref<16384x512xf32, #tpu.memory_space<hbm>> -> memref<1024x16xf32, #tpu.memory_space<hbm>>
      %dma_start3A_1000 = tpu.memref_slice %arg2[%mul3A_352, %mul3A_354] : memref<16384x512xf32, #tpu.memory_space<hbm>> -> memref<1024x16xf32, #tpu.memory_space<hbm>>
      tpu.enqueue_dma source(%dma_start3A_1000 : memref<1024x16xf32, #tpu.memory_space<hbm>>) target(%arg4 : memref<1024x16xf32, #tpu.memory_space<vmem>>) target_semaphore(%run_scoped3A : memref<!tpu.dma_semaphore, #tpu.memory_space<semaphore_mem>>)
      %dma_wait3A = tpu.memref_slice %arg2[%mul3A_352, %mul3A_354] : memref<16384x512xf32, #tpu.memory_space<hbm>> -> memref<1024x16xf32, #tpu.memory_space<hbm>>
      %dma_wait3A_1001 = tpu.memref_slice %arg2[%mul3A_352, %mul3A_354] : memref<16384x512xf32, #tpu.memory_space<hbm>> -> memref<1024x16xf32, #tpu.memory_space<hbm>>
      tpu.wait_dma2 semaphore(%run_scoped3A : memref<!tpu.dma_semaphore, #tpu.memory_space<semaphore_mem>>) src(%dma_wait3A_1001 : memref<1024x16xf32, #tpu.memory_space<hbm>>) dst(%arg4 : memref<1024x16xf32, #tpu.memory_space<vmem>>)
      tpu.yield
    }) : () -> ()
    %broadcast_in_dim3A_355 = arith.constant 0 : i32
    %broadcast_in_dim3A_356 = vector.broadcast %broadcast_in_dim3A_355 : i32 to vector<16xi32>
    %scan3A_357 = arith.constant 0 : i32
    %scan3A_358 = arith.constant 1024 : i32
    %scan3A_359 = arith.addi %scan3A_357, %scan3A_358 : i32
    %scan3A_360 = arith.constant 8 : i32
    %scan3A_361 = scf.for %scan3A_1000 = %scan3A_357 to %scan3A_359 step %scan3A_360 iter_args(%scan3A_1001 = %broadcast_in_dim3A_356) -> (vector<16xi32>)  : i32 {
      %get3A = arith.index_cast %scan3A_1000 : i32 to index
      %get3A_1002 = arith.constant 0 : index
      %get3A_1003 = tpu.vector_load %arg4[%get3A, %get3A_1002] {strides = array<i32>} : memref<1024x16xf32, #tpu.memory_space<vmem>>, vector<16xf32>,
      %add3A_1004 = arith.addi %mul3A_3, %scan3A_1001 : vector<16xi32>
      tpu.vector_store_idx %arg5[%add3A_1004], %get3A_1003 : memref<16384xf32, #tpu.memory_space<vmem>>[vector<16xi32>], vector<16xf32>,
      %add3A_1005 = arith.constant 1 : i32
      %add3A_1006 = vector.broadcast %add3A_1005 : i32 to vector<16xi32>
      %add3A_1007 = arith.addi %scan3A_1001, %add3A_1006 : vector<16xi32>
      %scan3A_1008 = arith.constant 1 : i32
      %scan3A_1009 = arith.addi %scan3A_1000, %scan3A_1008 : i32
      %get3A_1010 = arith.index_cast %scan3A_1009 : i32 to index
      %get3A_1011 = arith.constant 0 : index
      %get3A_1012 = tpu.vector_load %arg4[%get3A_1010, %get3A_1011] {strides = array<i32>} : memref<1024x16xf32, #tpu.memory_space<vmem>>, vector<16xf32>,
      %add3A_1013 = arith.addi %mul3A_3, %add3A_1007 : vector<16xi32>
      tpu.vector_store_idx %arg5[%add3A_1013], %get3A_1012 : memref<16384xf32, #tpu.memory_space<vmem>>[vector<16xi32>], vector<16xf32>,
      %add3A_1014 = arith.constant 1 : i32
      %add3A_1015 = vector.broadcast %add3A_1014 : i32 to vector<16xi32>
      %add3A_1016 = arith.addi %add3A_1007, %add3A_1015 : vector<16xi32>
      %scan3A_1017 = arith.constant 2 : i32
      %scan3A_1018 = arith.addi %scan3A_1000, %scan3A_1017 : i32
      %get3A_1019 = arith.index_cast %scan3A_1018 : i32 to index
      %get3A_1020 = arith.constant 0 : index
      %get3A_1021 = tpu.vector_load %arg4[%get3A_1019, %get3A_1020] {strides = array<i32>} : memref<1024x16xf32, #tpu.memory_space<vmem>>, vector<16xf32>,
      %add3A_1022 = arith.addi %mul3A_3, %add3A_1016 : vector<16xi32>
      tpu.vector_store_idx %arg5[%add3A_1022], %get3A_1021 : memref<16384xf32, #tpu.memory_space<vmem>>[vector<16xi32>], vector<16xf32>,
      %add3A_1023 = arith.constant 1 : i32
      %add3A_1024 = vector.broadcast %add3A_1023 : i32 to vector<16xi32>
      %add3A_1025 = arith.addi %add3A_1016, %add3A_1024 : vector<16xi32>
      %scan3A_1026 = arith.constant 3 : i32
      %scan3A_1027 = arith.addi %scan3A_1000, %scan3A_1026 : i32
      %get3A_1028 = arith.index_cast %scan3A_1027 : i32 to index
      %get3A_1029 = arith.constant 0 : index
      %get3A_1030 = tpu.vector_load %arg4[%get3A_1028, %get3A_1029] {strides = array<i32>} : memref<1024x16xf32, #tpu.memory_space<vmem>>, vector<16xf32>,
      %add3A_1031 = arith.addi %mul3A_3, %add3A_1025 : vector<16xi32>
      tpu.vector_store_idx %arg5[%add3A_1031], %get3A_1030 : memref<16384xf32, #tpu.memory_space<vmem>>[vector<16xi32>], vector<16xf32>,
      %add3A_1032 = arith.constant 1 : i32
      %add3A_1033 = vector.broadcast %add3A_1032 : i32 to vector<16xi32>
      %add3A_1034 = arith.addi %add3A_1025, %add3A_1033 : vector<16xi32>
      %scan3A_1035 = arith.constant 4 : i32
      %scan3A_1036 = arith.addi %scan3A_1000, %scan3A_1035 : i32
      %get3A_1037 = arith.index_cast %scan3A_1036 : i32 to index
      %get3A_1038 = arith.constant 0 : index
      %get3A_1039 = tpu.vector_load %arg4[%get3A_1037, %get3A_1038] {strides = array<i32>} : memref<1024x16xf32, #tpu.memory_space<vmem>>, vector<16xf32>,
      %add3A_1040 = arith.addi %mul3A_3, %add3A_1034 : vector<16xi32>
      tpu.vector_store_idx %arg5[%add3A_1040], %get3A_1039 : memref<16384xf32, #tpu.memory_space<vmem>>[vector<16xi32>], vector<16xf32>,
      %add3A_1041 = arith.constant 1 : i32
      %add3A_1042 = vector.broadcast %add3A_1041 : i32 to vector<16xi32>
      %add3A_1043 = arith.addi %add3A_1034, %add3A_1042 : vector<16xi32>
      %scan3A_1044 = arith.constant 5 : i32
      %scan3A_1045 = arith.addi %scan3A_1000, %scan3A_1044 : i32
      %get3A_1046 = arith.index_cast %scan3A_1045 : i32 to index
      %get3A_1047 = arith.constant 0 : index
      %get3A_1048 = tpu.vector_load %arg4[%get3A_1046, %get3A_1047] {strides = array<i32>} : memref<1024x16xf32, #tpu.memory_space<vmem>>, vector<16xf32>,
      %add3A_1049 = arith.addi %mul3A_3, %add3A_1043 : vector<16xi32>
      tpu.vector_store_idx %arg5[%add3A_1049], %get3A_1048 : memref<16384xf32, #tpu.memory_space<vmem>>[vector<16xi32>], vector<16xf32>,
      %add3A_1050 = arith.constant 1 : i32
      %add3A_1051 = vector.broadcast %add3A_1050 : i32 to vector<16xi32>
      %add3A_1052 = arith.addi %add3A_1043, %add3A_1051 : vector<16xi32>
      %scan3A_1053 = arith.constant 6 : i32
      %scan3A_1054 = arith.addi %scan3A_1000, %scan3A_1053 : i32
      %get3A_1055 = arith.index_cast %scan3A_1054 : i32 to index
      %get3A_1056 = arith.constant 0 : index
      %get3A_1057 = tpu.vector_load %arg4[%get3A_1055, %get3A_1056] {strides = array<i32>} : memref<1024x16xf32, #tpu.memory_space<vmem>>, vector<16xf32>,
      %add3A_1058 = arith.addi %mul3A_3, %add3A_1052 : vector<16xi32>
      tpu.vector_store_idx %arg5[%add3A_1058], %get3A_1057 : memref<16384xf32, #tpu.memory_space<vmem>>[vector<16xi32>], vector<16xf32>,
      %add3A_1059 = arith.constant 1 : i32
      %add3A_1060 = vector.broadcast %add3A_1059 : i32 to vector<16xi32>
      %add3A_1061 = arith.addi %add3A_1052, %add3A_1060 : vector<16xi32>
      %scan3A_1062 = arith.constant 7 : i32
      %scan3A_1063 = arith.addi %scan3A_1000, %scan3A_1062 : i32
      %get3A_1064 = arith.index_cast %scan3A_1063 : i32 to index
      %get3A_1065 = arith.constant 0 : index
      %get3A_1066 = tpu.vector_load %arg4[%get3A_1064, %get3A_1065] {strides = array<i32>} : memref<1024x16xf32, #tpu.memory_space<vmem>>, vector<16xf32>,
      %add3A_1067 = arith.addi %mul3A_3, %add3A_1061 : vector<16xi32>
      tpu.vector_store_idx %arg5[%add3A_1067], %get3A_1066 : memref<16384xf32, #tpu.memory_space<vmem>>[vector<16xi32>], vector<16xf32>,
      %add3A_1068 = arith.constant 1 : i32
      %add3A_1069 = vector.broadcast %add3A_1068 : i32 to vector<16xi32>
      %add3A_1070 = arith.addi %add3A_1061, %add3A_1069 : vector<16xi32>
      scf.yield %add3A_1070 : vector<16xi32>
    }
    %scan3A_362 = arith.constant 1024 : i32
    %mul3A_363 = arith.constant 512 : i32
    %mul3A_364 = arith.muli %select_n3A_334, %mul3A_363 : i32
    %mul3A_365 = arith.constant 16 : i32
    %mul3A_366 = arith.muli %select_n3A_350, %mul3A_365 : i32
    %add3A_367 = arith.addi %mul3A_364, %mul3A_366 : i32
    %mul3A_368 = arith.constant 1024 : i32
    %mul3A_369 = arith.muli %add3A_367, %mul3A_368 : i32
    "tpu.region"() ({
      %run_scoped3A = tpu.sem_alloc : memref<!tpu.dma_semaphore, #tpu.memory_space<semaphore_mem>>
      %dma_start3A = tpu.memref_slice %arg3[%mul3A_369] : memref<8388608xf32, #tpu.memory_space<hbm>> -> memref<16384xf32, #tpu.memory_space<hbm>>
      %dma_start3A_1000 = tpu.memref_slice %arg3[%mul3A_369] : memref<8388608xf32, #tpu.memory_space<hbm>> -> memref<16384xf32, #tpu.memory_space<hbm>>
      tpu.enqueue_dma source(%arg5 : memref<16384xf32, #tpu.memory_space<vmem>>) target(%dma_start3A_1000 : memref<16384xf32, #tpu.memory_space<hbm>>) target_semaphore(%run_scoped3A : memref<!tpu.dma_semaphore, #tpu.memory_space<semaphore_mem>>)
      %dma_wait3A = tpu.memref_slice %arg3[%mul3A_369] : memref<8388608xf32, #tpu.memory_space<hbm>> -> memref<16384xf32, #tpu.memory_space<hbm>>
      %dma_wait3A_1001 = tpu.memref_slice %arg3[%mul3A_369] : memref<8388608xf32, #tpu.memory_space<hbm>> -> memref<16384xf32, #tpu.memory_space<hbm>>
      tpu.wait_dma2 semaphore(%run_scoped3A : memref<!tpu.dma_semaphore, #tpu.memory_space<semaphore_mem>>) src(%arg5 : memref<16384xf32, #tpu.memory_space<vmem>>) dst(%dma_wait3A_1001 : memref<16384xf32, #tpu.memory_space<hbm>>)
      tpu.yield
    }) : () -> ()
    %mul3A_370 = arith.constant 16 : i32
    %mul3A_371 = arith.muli %add3A, %mul3A_370 : i32
    %add3A_372 = arith.constant 6 : i32
    %add3A_373 = arith.addi %mul3A_371, %add3A_372 : i32
    %jit3A_374 = arith.constant 32 : i32
    %div3A_375 = arith.divsi %add3A_373, %jit3A_374 : i32
    %sign3A_376 = arith.constant 0 : i32
    %sign3A_377 = arith.cmpi sgt, %add3A_373, %sign3A_376 : i32
    %sign3A_378 = arith.extui %sign3A_377 : i1 to i32
    %sign3A_379 = arith.constant 0 : i32
    %sign3A_380 = arith.cmpi slt, %add3A_373, %sign3A_379 : i32
    %sign3A_381 = arith.extui %sign3A_380 : i1 to i32
    %sign3A_382 = arith.subi %sign3A_378, %sign3A_381 : i32
    %sign3A_383 = arith.constant 0 : i32
    %sign3A_384 = arith.cmpi sgt, %jit3A_374, %sign3A_383 : i32
    %sign3A_385 = arith.extui %sign3A_384 : i1 to i32
    %sign3A_386 = arith.constant 0 : i32
    %sign3A_387 = arith.cmpi slt, %jit3A_374, %sign3A_386 : i32
    %sign3A_388 = arith.extui %sign3A_387 : i1 to i32
    %sign3A_389 = arith.subi %sign3A_385, %sign3A_388 : i32
    %ne3A_390 = arith.cmpi ne, %sign3A_382, %sign3A_389 : i32
    %rem3A_391 = arith.remsi %add3A_373, %jit3A_374 : i32
    %ne3A_392 = arith.constant 0 : i32
    %ne3A_393 = arith.cmpi ne, %rem3A_391, %ne3A_392 : i32
    %and3A_394 = arith.andi %ne3A_390, %ne3A_393 : i1
    %sub3A_395 = arith.constant 1 : i32
    %sub3A_396 = arith.subi %div3A_375, %sub3A_395 : i32
    %select_n3A_397 = arith.select %and3A_394, %sub3A_396, %div3A_375 : i32
    %jit3A_398 = arith.constant 32 : i32
    %eq3A_399 = arith.constant 0 : i32
    %eq3A_400 = arith.cmpi eq, %jit3A_398, %eq3A_399 : i32
    %jit3A_401 = arith.constant 1 : i32
    %select_n3A_402 = arith.select %eq3A_400, %jit3A_401, %jit3A_398 : i32
    %rem3A_403 = arith.remsi %add3A_373, %select_n3A_402 : i32
    %ne3A_404 = arith.constant 0 : i32
    %ne3A_405 = arith.cmpi ne, %rem3A_403, %ne3A_404 : i32
    %lt3A_406 = arith.constant 0 : i32
    %lt3A_407 = arith.cmpi slt, %rem3A_403, %lt3A_406 : i32
    %lt3A_408 = arith.constant 0 : i32
    %lt3A_409 = arith.cmpi slt, %select_n3A_402, %lt3A_408 : i32
    %ne3A_410 = arith.xori %lt3A_407, %lt3A_409 : i1
    %and3A_411 = arith.andi %ne3A_410, %ne3A_405 : i1
    %add3A_412 = arith.addi %rem3A_403, %select_n3A_402 : i32
    %select_n3A_413 = arith.select %and3A_411, %add3A_412, %rem3A_403 : i32
    %mul3A_414 = arith.constant 1024 : i32
    %mul3A_415 = arith.muli %select_n3A_397, %mul3A_414 : i32
    %mul3A_416 = arith.constant 16 : i32
    %mul3A_417 = arith.muli %select_n3A_413, %mul3A_416 : i32
    "tpu.region"() ({
      %run_scoped3A = tpu.sem_alloc : memref<!tpu.dma_semaphore, #tpu.memory_space<semaphore_mem>>
      %dma_start3A = tpu.memref_slice %arg2[%mul3A_415, %mul3A_417] : memref<16384x512xf32, #tpu.memory_space<hbm>> -> memref<1024x16xf32, #tpu.memory_space<hbm>>
      %dma_start3A_1000 = tpu.memref_slice %arg2[%mul3A_415, %mul3A_417] : memref<16384x512xf32, #tpu.memory_space<hbm>> -> memref<1024x16xf32, #tpu.memory_space<hbm>>
      tpu.enqueue_dma source(%dma_start3A_1000 : memref<1024x16xf32, #tpu.memory_space<hbm>>) target(%arg4 : memref<1024x16xf32, #tpu.memory_space<vmem>>) target_semaphore(%run_scoped3A : memref<!tpu.dma_semaphore, #tpu.memory_space<semaphore_mem>>)
      %dma_wait3A = tpu.memref_slice %arg2[%mul3A_415, %mul3A_417] : memref<16384x512xf32, #tpu.memory_space<hbm>> -> memref<1024x16xf32, #tpu.memory_space<hbm>>
      %dma_wait3A_1001 = tpu.memref_slice %arg2[%mul3A_415, %mul3A_417] : memref<16384x512xf32, #tpu.memory_space<hbm>> -> memref<1024x16xf32, #tpu.memory_space<hbm>>
      tpu.wait_dma2 semaphore(%run_scoped3A : memref<!tpu.dma_semaphore, #tpu.memory_space<semaphore_mem>>) src(%dma_wait3A_1001 : memref<1024x16xf32, #tpu.memory_space<hbm>>) dst(%arg4 : memref<1024x16xf32, #tpu.memory_space<vmem>>)
      tpu.yield
    }) : () -> ()
    %broadcast_in_dim3A_418 = arith.constant 0 : i32
    %broadcast_in_dim3A_419 = vector.broadcast %broadcast_in_dim3A_418 : i32 to vector<16xi32>
    %scan3A_420 = arith.constant 0 : i32
    %scan3A_421 = arith.constant 1024 : i32
    %scan3A_422 = arith.addi %scan3A_420, %scan3A_421 : i32
    %scan3A_423 = arith.constant 8 : i32
    %scan3A_424 = scf.for %scan3A_1000 = %scan3A_420 to %scan3A_422 step %scan3A_423 iter_args(%scan3A_1001 = %broadcast_in_dim3A_419) -> (vector<16xi32>)  : i32 {
      %get3A = arith.index_cast %scan3A_1000 : i32 to index
      %get3A_1002 = arith.constant 0 : index
      %get3A_1003 = tpu.vector_load %arg4[%get3A, %get3A_1002] {strides = array<i32>} : memref<1024x16xf32, #tpu.memory_space<vmem>>, vector<16xf32>,
      %add3A_1004 = arith.addi %mul3A_3, %scan3A_1001 : vector<16xi32>
      tpu.vector_store_idx %arg5[%add3A_1004], %get3A_1003 : memref<16384xf32, #tpu.memory_space<vmem>>[vector<16xi32>], vector<16xf32>,
      %add3A_1005 = arith.constant 1 : i32
      %add3A_1006 = vector.broadcast %add3A_1005 : i32 to vector<16xi32>
      %add3A_1007 = arith.addi %scan3A_1001, %add3A_1006 : vector<16xi32>
      %scan3A_1008 = arith.constant 1 : i32
      %scan3A_1009 = arith.addi %scan3A_1000, %scan3A_1008 : i32
      %get3A_1010 = arith.index_cast %scan3A_1009 : i32 to index
      %get3A_1011 = arith.constant 0 : index
      %get3A_1012 = tpu.vector_load %arg4[%get3A_1010, %get3A_1011] {strides = array<i32>} : memref<1024x16xf32, #tpu.memory_space<vmem>>, vector<16xf32>,
      %add3A_1013 = arith.addi %mul3A_3, %add3A_1007 : vector<16xi32>
      tpu.vector_store_idx %arg5[%add3A_1013], %get3A_1012 : memref<16384xf32, #tpu.memory_space<vmem>>[vector<16xi32>], vector<16xf32>,
      %add3A_1014 = arith.constant 1 : i32
      %add3A_1015 = vector.broadcast %add3A_1014 : i32 to vector<16xi32>
      %add3A_1016 = arith.addi %add3A_1007, %add3A_1015 : vector<16xi32>
      %scan3A_1017 = arith.constant 2 : i32
      %scan3A_1018 = arith.addi %scan3A_1000, %scan3A_1017 : i32
      %get3A_1019 = arith.index_cast %scan3A_1018 : i32 to index
      %get3A_1020 = arith.constant 0 : index
      %get3A_1021 = tpu.vector_load %arg4[%get3A_1019, %get3A_1020] {strides = array<i32>} : memref<1024x16xf32, #tpu.memory_space<vmem>>, vector<16xf32>,
      %add3A_1022 = arith.addi %mul3A_3, %add3A_1016 : vector<16xi32>
      tpu.vector_store_idx %arg5[%add3A_1022], %get3A_1021 : memref<16384xf32, #tpu.memory_space<vmem>>[vector<16xi32>], vector<16xf32>,
      %add3A_1023 = arith.constant 1 : i32
      %add3A_1024 = vector.broadcast %add3A_1023 : i32 to vector<16xi32>
      %add3A_1025 = arith.addi %add3A_1016, %add3A_1024 : vector<16xi32>
      %scan3A_1026 = arith.constant 3 : i32
      %scan3A_1027 = arith.addi %scan3A_1000, %scan3A_1026 : i32
      %get3A_1028 = arith.index_cast %scan3A_1027 : i32 to index
      %get3A_1029 = arith.constant 0 : index
      %get3A_1030 = tpu.vector_load %arg4[%get3A_1028, %get3A_1029] {strides = array<i32>} : memref<1024x16xf32, #tpu.memory_space<vmem>>, vector<16xf32>,
      %add3A_1031 = arith.addi %mul3A_3, %add3A_1025 : vector<16xi32>
      tpu.vector_store_idx %arg5[%add3A_1031], %get3A_1030 : memref<16384xf32, #tpu.memory_space<vmem>>[vector<16xi32>], vector<16xf32>,
      %add3A_1032 = arith.constant 1 : i32
      %add3A_1033 = vector.broadcast %add3A_1032 : i32 to vector<16xi32>
      %add3A_1034 = arith.addi %add3A_1025, %add3A_1033 : vector<16xi32>
      %scan3A_1035 = arith.constant 4 : i32
      %scan3A_1036 = arith.addi %scan3A_1000, %scan3A_1035 : i32
      %get3A_1037 = arith.index_cast %scan3A_1036 : i32 to index
      %get3A_1038 = arith.constant 0 : index
      %get3A_1039 = tpu.vector_load %arg4[%get3A_1037, %get3A_1038] {strides = array<i32>} : memref<1024x16xf32, #tpu.memory_space<vmem>>, vector<16xf32>,
      %add3A_1040 = arith.addi %mul3A_3, %add3A_1034 : vector<16xi32>
      tpu.vector_store_idx %arg5[%add3A_1040], %get3A_1039 : memref<16384xf32, #tpu.memory_space<vmem>>[vector<16xi32>], vector<16xf32>,
      %add3A_1041 = arith.constant 1 : i32
      %add3A_1042 = vector.broadcast %add3A_1041 : i32 to vector<16xi32>
      %add3A_1043 = arith.addi %add3A_1034, %add3A_1042 : vector<16xi32>
      %scan3A_1044 = arith.constant 5 : i32
      %scan3A_1045 = arith.addi %scan3A_1000, %scan3A_1044 : i32
      %get3A_1046 = arith.index_cast %scan3A_1045 : i32 to index
      %get3A_1047 = arith.constant 0 : index
      %get3A_1048 = tpu.vector_load %arg4[%get3A_1046, %get3A_1047] {strides = array<i32>} : memref<1024x16xf32, #tpu.memory_space<vmem>>, vector<16xf32>,
      %add3A_1049 = arith.addi %mul3A_3, %add3A_1043 : vector<16xi32>
      tpu.vector_store_idx %arg5[%add3A_1049], %get3A_1048 : memref<16384xf32, #tpu.memory_space<vmem>>[vector<16xi32>], vector<16xf32>,
      %add3A_1050 = arith.constant 1 : i32
      %add3A_1051 = vector.broadcast %add3A_1050 : i32 to vector<16xi32>
      %add3A_1052 = arith.addi %add3A_1043, %add3A_1051 : vector<16xi32>
      %scan3A_1053 = arith.constant 6 : i32
      %scan3A_1054 = arith.addi %scan3A_1000, %scan3A_1053 : i32
      %get3A_1055 = arith.index_cast %scan3A_1054 : i32 to index
      %get3A_1056 = arith.constant 0 : index
      %get3A_1057 = tpu.vector_load %arg4[%get3A_1055, %get3A_1056] {strides = array<i32>} : memref<1024x16xf32, #tpu.memory_space<vmem>>, vector<16xf32>,
      %add3A_1058 = arith.addi %mul3A_3, %add3A_1052 : vector<16xi32>
      tpu.vector_store_idx %arg5[%add3A_1058], %get3A_1057 : memref<16384xf32, #tpu.memory_space<vmem>>[vector<16xi32>], vector<16xf32>,
      %add3A_1059 = arith.constant 1 : i32
      %add3A_1060 = vector.broadcast %add3A_1059 : i32 to vector<16xi32>
      %add3A_1061 = arith.addi %add3A_1052, %add3A_1060 : vector<16xi32>
      %scan3A_1062 = arith.constant 7 : i32
      %scan3A_1063 = arith.addi %scan3A_1000, %scan3A_1062 : i32
      %get3A_1064 = arith.index_cast %scan3A_1063 : i32 to index
      %get3A_1065 = arith.constant 0 : index
      %get3A_1066 = tpu.vector_load %arg4[%get3A_1064, %get3A_1065] {strides = array<i32>} : memref<1024x16xf32, #tpu.memory_space<vmem>>, vector<16xf32>,
      %add3A_1067 = arith.addi %mul3A_3, %add3A_1061 : vector<16xi32>
      tpu.vector_store_idx %arg5[%add3A_1067], %get3A_1066 : memref<16384xf32, #tpu.memory_space<vmem>>[vector<16xi32>], vector<16xf32>,
      %add3A_1068 = arith.constant 1 : i32
      %add3A_1069 = vector.broadcast %add3A_1068 : i32 to vector<16xi32>
      %add3A_1070 = arith.addi %add3A_1061, %add3A_1069 : vector<16xi32>
      scf.yield %add3A_1070 : vector<16xi32>
    }
    %scan3A_425 = arith.constant 1024 : i32
    %mul3A_426 = arith.constant 512 : i32
    %mul3A_427 = arith.muli %select_n3A_397, %mul3A_426 : i32
    %mul3A_428 = arith.constant 16 : i32
    %mul3A_429 = arith.muli %select_n3A_413, %mul3A_428 : i32
    %add3A_430 = arith.addi %mul3A_427, %mul3A_429 : i32
    %mul3A_431 = arith.constant 1024 : i32
    %mul3A_432 = arith.muli %add3A_430, %mul3A_431 : i32
    "tpu.region"() ({
      %run_scoped3A = tpu.sem_alloc : memref<!tpu.dma_semaphore, #tpu.memory_space<semaphore_mem>>
      %dma_start3A = tpu.memref_slice %arg3[%mul3A_432] : memref<8388608xf32, #tpu.memory_space<hbm>> -> memref<16384xf32, #tpu.memory_space<hbm>>
      %dma_start3A_1000 = tpu.memref_slice %arg3[%mul3A_432] : memref<8388608xf32, #tpu.memory_space<hbm>> -> memref<16384xf32, #tpu.memory_space<hbm>>
      tpu.enqueue_dma source(%arg5 : memref<16384xf32, #tpu.memory_space<vmem>>) target(%dma_start3A_1000 : memref<16384xf32, #tpu.memory_space<hbm>>) target_semaphore(%run_scoped3A : memref<!tpu.dma_semaphore, #tpu.memory_space<semaphore_mem>>)
      %dma_wait3A = tpu.memref_slice %arg3[%mul3A_432] : memref<8388608xf32, #tpu.memory_space<hbm>> -> memref<16384xf32, #tpu.memory_space<hbm>>
      %dma_wait3A_1001 = tpu.memref_slice %arg3[%mul3A_432] : memref<8388608xf32, #tpu.memory_space<hbm>> -> memref<16384xf32, #tpu.memory_space<hbm>>
      tpu.wait_dma2 semaphore(%run_scoped3A : memref<!tpu.dma_semaphore, #tpu.memory_space<semaphore_mem>>) src(%arg5 : memref<16384xf32, #tpu.memory_space<vmem>>) dst(%dma_wait3A_1001 : memref<16384xf32, #tpu.memory_space<hbm>>)
      tpu.yield
    }) : () -> ()
    %mul3A_433 = arith.constant 16 : i32
    %mul3A_434 = arith.muli %add3A, %mul3A_433 : i32
    %add3A_435 = arith.constant 7 : i32
    %add3A_436 = arith.addi %mul3A_434, %add3A_435 : i32
    %jit3A_437 = arith.constant 32 : i32
    %div3A_438 = arith.divsi %add3A_436, %jit3A_437 : i32
    %sign3A_439 = arith.constant 0 : i32
    %sign3A_440 = arith.cmpi sgt, %add3A_436, %sign3A_439 : i32
    %sign3A_441 = arith.extui %sign3A_440 : i1 to i32
    %sign3A_442 = arith.constant 0 : i32
    %sign3A_443 = arith.cmpi slt, %add3A_436, %sign3A_442 : i32
    %sign3A_444 = arith.extui %sign3A_443 : i1 to i32
    %sign3A_445 = arith.subi %sign3A_441, %sign3A_444 : i32
    %sign3A_446 = arith.constant 0 : i32
    %sign3A_447 = arith.cmpi sgt, %jit3A_437, %sign3A_446 : i32
    %sign3A_448 = arith.extui %sign3A_447 : i1 to i32
    %sign3A_449 = arith.constant 0 : i32
    %sign3A_450 = arith.cmpi slt, %jit3A_437, %sign3A_449 : i32
    %sign3A_451 = arith.extui %sign3A_450 : i1 to i32
    %sign3A_452 = arith.subi %sign3A_448, %sign3A_451 : i32
    %ne3A_453 = arith.cmpi ne, %sign3A_445, %sign3A_452 : i32
    %rem3A_454 = arith.remsi %add3A_436, %jit3A_437 : i32
    %ne3A_455 = arith.constant 0 : i32
    %ne3A_456 = arith.cmpi ne, %rem3A_454, %ne3A_455 : i32
    %and3A_457 = arith.andi %ne3A_453, %ne3A_456 : i1
    %sub3A_458 = arith.constant 1 : i32
    %sub3A_459 = arith.subi %div3A_438, %sub3A_458 : i32
    %select_n3A_460 = arith.select %and3A_457, %sub3A_459, %div3A_438 : i32
    %jit3A_461 = arith.constant 32 : i32
    %eq3A_462 = arith.constant 0 : i32
    %eq3A_463 = arith.cmpi eq, %jit3A_461, %eq3A_462 : i32
    %jit3A_464 = arith.constant 1 : i32
    %select_n3A_465 = arith.select %eq3A_463, %jit3A_464, %jit3A_461 : i32
    %rem3A_466 = arith.remsi %add3A_436, %select_n3A_465 : i32
    %ne3A_467 = arith.constant 0 : i32
    %ne3A_468 = arith.cmpi ne, %rem3A_466, %ne3A_467 : i32
    %lt3A_469 = arith.constant 0 : i32
    %lt3A_470 = arith.cmpi slt, %rem3A_466, %lt3A_469 : i32
    %lt3A_471 = arith.constant 0 : i32
    %lt3A_472 = arith.cmpi slt, %select_n3A_465, %lt3A_471 : i32
    %ne3A_473 = arith.xori %lt3A_470, %lt3A_472 : i1
    %and3A_474 = arith.andi %ne3A_473, %ne3A_468 : i1
    %add3A_475 = arith.addi %rem3A_466, %select_n3A_465 : i32
    %select_n3A_476 = arith.select %and3A_474, %add3A_475, %rem3A_466 : i32
    %mul3A_477 = arith.constant 1024 : i32
    %mul3A_478 = arith.muli %select_n3A_460, %mul3A_477 : i32
    %mul3A_479 = arith.constant 16 : i32
    %mul3A_480 = arith.muli %select_n3A_476, %mul3A_479 : i32
    "tpu.region"() ({
      %run_scoped3A = tpu.sem_alloc : memref<!tpu.dma_semaphore, #tpu.memory_space<semaphore_mem>>
      %dma_start3A = tpu.memref_slice %arg2[%mul3A_478, %mul3A_480] : memref<16384x512xf32, #tpu.memory_space<hbm>> -> memref<1024x16xf32, #tpu.memory_space<hbm>>
      %dma_start3A_1000 = tpu.memref_slice %arg2[%mul3A_478, %mul3A_480] : memref<16384x512xf32, #tpu.memory_space<hbm>> -> memref<1024x16xf32, #tpu.memory_space<hbm>>
      tpu.enqueue_dma source(%dma_start3A_1000 : memref<1024x16xf32, #tpu.memory_space<hbm>>) target(%arg4 : memref<1024x16xf32, #tpu.memory_space<vmem>>) target_semaphore(%run_scoped3A : memref<!tpu.dma_semaphore, #tpu.memory_space<semaphore_mem>>)
      %dma_wait3A = tpu.memref_slice %arg2[%mul3A_478, %mul3A_480] : memref<16384x512xf32, #tpu.memory_space<hbm>> -> memref<1024x16xf32, #tpu.memory_space<hbm>>
      %dma_wait3A_1001 = tpu.memref_slice %arg2[%mul3A_478, %mul3A_480] : memref<16384x512xf32, #tpu.memory_space<hbm>> -> memref<1024x16xf32, #tpu.memory_space<hbm>>
      tpu.wait_dma2 semaphore(%run_scoped3A : memref<!tpu.dma_semaphore, #tpu.memory_space<semaphore_mem>>) src(%dma_wait3A_1001 : memref<1024x16xf32, #tpu.memory_space<hbm>>) dst(%arg4 : memref<1024x16xf32, #tpu.memory_space<vmem>>)
      tpu.yield
    }) : () -> ()
    %broadcast_in_dim3A_481 = arith.constant 0 : i32
    %broadcast_in_dim3A_482 = vector.broadcast %broadcast_in_dim3A_481 : i32 to vector<16xi32>
    %scan3A_483 = arith.constant 0 : i32
    %scan3A_484 = arith.constant 1024 : i32
    %scan3A_485 = arith.addi %scan3A_483, %scan3A_484 : i32
    %scan3A_486 = arith.constant 8 : i32
    %scan3A_487 = scf.for %scan3A_1000 = %scan3A_483 to %scan3A_485 step %scan3A_486 iter_args(%scan3A_1001 = %broadcast_in_dim3A_482) -> (vector<16xi32>)  : i32 {
      %get3A = arith.index_cast %scan3A_1000 : i32 to index
      %get3A_1002 = arith.constant 0 : index
      %get3A_1003 = tpu.vector_load %arg4[%get3A, %get3A_1002] {strides = array<i32>} : memref<1024x16xf32, #tpu.memory_space<vmem>>, vector<16xf32>,
      %add3A_1004 = arith.addi %mul3A_3, %scan3A_1001 : vector<16xi32>
      tpu.vector_store_idx %arg5[%add3A_1004], %get3A_1003 : memref<16384xf32, #tpu.memory_space<vmem>>[vector<16xi32>], vector<16xf32>,
      %add3A_1005 = arith.constant 1 : i32
      %add3A_1006 = vector.broadcast %add3A_1005 : i32 to vector<16xi32>
      %add3A_1007 = arith.addi %scan3A_1001, %add3A_1006 : vector<16xi32>
      %scan3A_1008 = arith.constant 1 : i32
      %scan3A_1009 = arith.addi %scan3A_1000, %scan3A_1008 : i32
      %get3A_1010 = arith.index_cast %scan3A_1009 : i32 to index
      %get3A_1011 = arith.constant 0 : index
      %get3A_1012 = tpu.vector_load %arg4[%get3A_1010, %get3A_1011] {strides = array<i32>} : memref<1024x16xf32, #tpu.memory_space<vmem>>, vector<16xf32>,
      %add3A_1013 = arith.addi %mul3A_3, %add3A_1007 : vector<16xi32>
      tpu.vector_store_idx %arg5[%add3A_1013], %get3A_1012 : memref<16384xf32, #tpu.memory_space<vmem>>[vector<16xi32>], vector<16xf32>,
      %add3A_1014 = arith.constant 1 : i32
      %add3A_1015 = vector.broadcast %add3A_1014 : i32 to vector<16xi32>
      %add3A_1016 = arith.addi %add3A_1007, %add3A_1015 : vector<16xi32>
      %scan3A_1017 = arith.constant 2 : i32
      %scan3A_1018 = arith.addi %scan3A_1000, %scan3A_1017 : i32
      %get3A_1019 = arith.index_cast %scan3A_1018 : i32 to index
      %get3A_1020 = arith.constant 0 : index
      %get3A_1021 = tpu.vector_load %arg4[%get3A_1019, %get3A_1020] {strides = array<i32>} : memref<1024x16xf32, #tpu.memory_space<vmem>>, vector<16xf32>,
      %add3A_1022 = arith.addi %mul3A_3, %add3A_1016 : vector<16xi32>
      tpu.vector_store_idx %arg5[%add3A_1022], %get3A_1021 : memref<16384xf32, #tpu.memory_space<vmem>>[vector<16xi32>], vector<16xf32>,
      %add3A_1023 = arith.constant 1 : i32
      %add3A_1024 = vector.broadcast %add3A_1023 : i32 to vector<16xi32>
      %add3A_1025 = arith.addi %add3A_1016, %add3A_1024 : vector<16xi32>
      %scan3A_1026 = arith.constant 3 : i32
      %scan3A_1027 = arith.addi %scan3A_1000, %scan3A_1026 : i32
      %get3A_1028 = arith.index_cast %scan3A_1027 : i32 to index
      %get3A_1029 = arith.constant 0 : index
      %get3A_1030 = tpu.vector_load %arg4[%get3A_1028, %get3A_1029] {strides = array<i32>} : memref<1024x16xf32, #tpu.memory_space<vmem>>, vector<16xf32>,
      %add3A_1031 = arith.addi %mul3A_3, %add3A_1025 : vector<16xi32>
      tpu.vector_store_idx %arg5[%add3A_1031], %get3A_1030 : memref<16384xf32, #tpu.memory_space<vmem>>[vector<16xi32>], vector<16xf32>,
      %add3A_1032 = arith.constant 1 : i32
      %add3A_1033 = vector.broadcast %add3A_1032 : i32 to vector<16xi32>
      %add3A_1034 = arith.addi %add3A_1025, %add3A_1033 : vector<16xi32>
      %scan3A_1035 = arith.constant 4 : i32
      %scan3A_1036 = arith.addi %scan3A_1000, %scan3A_1035 : i32
      %get3A_1037 = arith.index_cast %scan3A_1036 : i32 to index
      %get3A_1038 = arith.constant 0 : index
      %get3A_1039 = tpu.vector_load %arg4[%get3A_1037, %get3A_1038] {strides = array<i32>} : memref<1024x16xf32, #tpu.memory_space<vmem>>, vector<16xf32>,
      %add3A_1040 = arith.addi %mul3A_3, %add3A_1034 : vector<16xi32>
      tpu.vector_store_idx %arg5[%add3A_1040], %get3A_1039 : memref<16384xf32, #tpu.memory_space<vmem>>[vector<16xi32>], vector<16xf32>,
      %add3A_1041 = arith.constant 1 : i32
      %add3A_1042 = vector.broadcast %add3A_1041 : i32 to vector<16xi32>
      %add3A_1043 = arith.addi %add3A_1034, %add3A_1042 : vector<16xi32>
      %scan3A_1044 = arith.constant 5 : i32
      %scan3A_1045 = arith.addi %scan3A_1000, %scan3A_1044 : i32
      %get3A_1046 = arith.index_cast %scan3A_1045 : i32 to index
      %get3A_1047 = arith.constant 0 : index
      %get3A_1048 = tpu.vector_load %arg4[%get3A_1046, %get3A_1047] {strides = array<i32>} : memref<1024x16xf32, #tpu.memory_space<vmem>>, vector<16xf32>,
      %add3A_1049 = arith.addi %mul3A_3, %add3A_1043 : vector<16xi32>
      tpu.vector_store_idx %arg5[%add3A_1049], %get3A_1048 : memref<16384xf32, #tpu.memory_space<vmem>>[vector<16xi32>], vector<16xf32>,
      %add3A_1050 = arith.constant 1 : i32
      %add3A_1051 = vector.broadcast %add3A_1050 : i32 to vector<16xi32>
      %add3A_1052 = arith.addi %add3A_1043, %add3A_1051 : vector<16xi32>
      %scan3A_1053 = arith.constant 6 : i32
      %scan3A_1054 = arith.addi %scan3A_1000, %scan3A_1053 : i32
      %get3A_1055 = arith.index_cast %scan3A_1054 : i32 to index
      %get3A_1056 = arith.constant 0 : index
      %get3A_1057 = tpu.vector_load %arg4[%get3A_1055, %get3A_1056] {strides = array<i32>} : memref<1024x16xf32, #tpu.memory_space<vmem>>, vector<16xf32>,
      %add3A_1058 = arith.addi %mul3A_3, %add3A_1052 : vector<16xi32>
      tpu.vector_store_idx %arg5[%add3A_1058], %get3A_1057 : memref<16384xf32, #tpu.memory_space<vmem>>[vector<16xi32>], vector<16xf32>,
      %add3A_1059 = arith.constant 1 : i32
      %add3A_1060 = vector.broadcast %add3A_1059 : i32 to vector<16xi32>
      %add3A_1061 = arith.addi %add3A_1052, %add3A_1060 : vector<16xi32>
      %scan3A_1062 = arith.constant 7 : i32
      %scan3A_1063 = arith.addi %scan3A_1000, %scan3A_1062 : i32
      %get3A_1064 = arith.index_cast %scan3A_1063 : i32 to index
      %get3A_1065 = arith.constant 0 : index
      %get3A_1066 = tpu.vector_load %arg4[%get3A_1064, %get3A_1065] {strides = array<i32>} : memref<1024x16xf32, #tpu.memory_space<vmem>>, vector<16xf32>,
      %add3A_1067 = arith.addi %mul3A_3, %add3A_1061 : vector<16xi32>
      tpu.vector_store_idx %arg5[%add3A_1067], %get3A_1066 : memref<16384xf32, #tpu.memory_space<vmem>>[vector<16xi32>], vector<16xf32>,
      %add3A_1068 = arith.constant 1 : i32
      %add3A_1069 = vector.broadcast %add3A_1068 : i32 to vector<16xi32>
      %add3A_1070 = arith.addi %add3A_1061, %add3A_1069 : vector<16xi32>
      scf.yield %add3A_1070 : vector<16xi32>
    }
    %scan3A_488 = arith.constant 1024 : i32
    %mul3A_489 = arith.constant 512 : i32
    %mul3A_490 = arith.muli %select_n3A_460, %mul3A_489 : i32
    %mul3A_491 = arith.constant 16 : i32
    %mul3A_492 = arith.muli %select_n3A_476, %mul3A_491 : i32
    %add3A_493 = arith.addi %mul3A_490, %mul3A_492 : i32
    %mul3A_494 = arith.constant 1024 : i32
    %mul3A_495 = arith.muli %add3A_493, %mul3A_494 : i32
    "tpu.region"() ({
      %run_scoped3A = tpu.sem_alloc : memref<!tpu.dma_semaphore, #tpu.memory_space<semaphore_mem>>
      %dma_start3A = tpu.memref_slice %arg3[%mul3A_495] : memref<8388608xf32, #tpu.memory_space<hbm>> -> memref<16384xf32, #tpu.memory_space<hbm>>
      %dma_start3A_1000 = tpu.memref_slice %arg3[%mul3A_495] : memref<8388608xf32, #tpu.memory_space<hbm>> -> memref<16384xf32, #tpu.memory_space<hbm>>
      tpu.enqueue_dma source(%arg5 : memref<16384xf32, #tpu.memory_space<vmem>>) target(%dma_start3A_1000 : memref<16384xf32, #tpu.memory_space<hbm>>) target_semaphore(%run_scoped3A : memref<!tpu.dma_semaphore, #tpu.memory_space<semaphore_mem>>)
      %dma_wait3A = tpu.memref_slice %arg3[%mul3A_495] : memref<8388608xf32, #tpu.memory_space<hbm>> -> memref<16384xf32, #tpu.memory_space<hbm>>
      %dma_wait3A_1001 = tpu.memref_slice %arg3[%mul3A_495] : memref<8388608xf32, #tpu.memory_space<hbm>> -> memref<16384xf32, #tpu.memory_space<hbm>>
      tpu.wait_dma2 semaphore(%run_scoped3A : memref<!tpu.dma_semaphore, #tpu.memory_space<semaphore_mem>>) src(%arg5 : memref<16384xf32, #tpu.memory_space<vmem>>) dst(%dma_wait3A_1001 : memref<16384xf32, #tpu.memory_space<hbm>>)
      tpu.yield
    }) : () -> ()
    %mul3A_496 = arith.constant 16 : i32
    %mul3A_497 = arith.muli %add3A, %mul3A_496 : i32
    %add3A_498 = arith.constant 8 : i32
    %add3A_499 = arith.addi %mul3A_497, %add3A_498 : i32
    %jit3A_500 = arith.constant 32 : i32
    %div3A_501 = arith.divsi %add3A_499, %jit3A_500 : i32
    %sign3A_502 = arith.constant 0 : i32
    %sign3A_503 = arith.cmpi sgt, %add3A_499, %sign3A_502 : i32
    %sign3A_504 = arith.extui %sign3A_503 : i1 to i32
    %sign3A_505 = arith.constant 0 : i32
    %sign3A_506 = arith.cmpi slt, %add3A_499, %sign3A_505 : i32
    %sign3A_507 = arith.extui %sign3A_506 : i1 to i32
    %sign3A_508 = arith.subi %sign3A_504, %sign3A_507 : i32
    %sign3A_509 = arith.constant 0 : i32
    %sign3A_510 = arith.cmpi sgt, %jit3A_500, %sign3A_509 : i32
    %sign3A_511 = arith.extui %sign3A_510 : i1 to i32
    %sign3A_512 = arith.constant 0 : i32
    %sign3A_513 = arith.cmpi slt, %jit3A_500, %sign3A_512 : i32
    %sign3A_514 = arith.extui %sign3A_513 : i1 to i32
    %sign3A_515 = arith.subi %sign3A_511, %sign3A_514 : i32
    %ne3A_516 = arith.cmpi ne, %sign3A_508, %sign3A_515 : i32
    %rem3A_517 = arith.remsi %add3A_499, %jit3A_500 : i32
    %ne3A_518 = arith.constant 0 : i32
    %ne3A_519 = arith.cmpi ne, %rem3A_517, %ne3A_518 : i32
    %and3A_520 = arith.andi %ne3A_516, %ne3A_519 : i1
    %sub3A_521 = arith.constant 1 : i32
    %sub3A_522 = arith.subi %div3A_501, %sub3A_521 : i32
    %select_n3A_523 = arith.select %and3A_520, %sub3A_522, %div3A_501 : i32
    %jit3A_524 = arith.constant 32 : i32
    %eq3A_525 = arith.constant 0 : i32
    %eq3A_526 = arith.cmpi eq, %jit3A_524, %eq3A_525 : i32
    %jit3A_527 = arith.constant 1 : i32
    %select_n3A_528 = arith.select %eq3A_526, %jit3A_527, %jit3A_524 : i32
    %rem3A_529 = arith.remsi %add3A_499, %select_n3A_528 : i32
    %ne3A_530 = arith.constant 0 : i32
    %ne3A_531 = arith.cmpi ne, %rem3A_529, %ne3A_530 : i32
    %lt3A_532 = arith.constant 0 : i32
    %lt3A_533 = arith.cmpi slt, %rem3A_529, %lt3A_532 : i32
    %lt3A_534 = arith.constant 0 : i32
    %lt3A_535 = arith.cmpi slt, %select_n3A_528, %lt3A_534 : i32
    %ne3A_536 = arith.xori %lt3A_533, %lt3A_535 : i1
    %and3A_537 = arith.andi %ne3A_536, %ne3A_531 : i1
    %add3A_538 = arith.addi %rem3A_529, %select_n3A_528 : i32
    %select_n3A_539 = arith.select %and3A_537, %add3A_538, %rem3A_529 : i32
    %mul3A_540 = arith.constant 1024 : i32
    %mul3A_541 = arith.muli %select_n3A_523, %mul3A_540 : i32
    %mul3A_542 = arith.constant 16 : i32
    %mul3A_543 = arith.muli %select_n3A_539, %mul3A_542 : i32
    "tpu.region"() ({
      %run_scoped3A = tpu.sem_alloc : memref<!tpu.dma_semaphore, #tpu.memory_space<semaphore_mem>>
      %dma_start3A = tpu.memref_slice %arg2[%mul3A_541, %mul3A_543] : memref<16384x512xf32, #tpu.memory_space<hbm>> -> memref<1024x16xf32, #tpu.memory_space<hbm>>
      %dma_start3A_1000 = tpu.memref_slice %arg2[%mul3A_541, %mul3A_543] : memref<16384x512xf32, #tpu.memory_space<hbm>> -> memref<1024x16xf32, #tpu.memory_space<hbm>>
      tpu.enqueue_dma source(%dma_start3A_1000 : memref<1024x16xf32, #tpu.memory_space<hbm>>) target(%arg4 : memref<1024x16xf32, #tpu.memory_space<vmem>>) target_semaphore(%run_scoped3A : memref<!tpu.dma_semaphore, #tpu.memory_space<semaphore_mem>>)
      %dma_wait3A = tpu.memref_slice %arg2[%mul3A_541, %mul3A_543] : memref<16384x512xf32, #tpu.memory_space<hbm>> -> memref<1024x16xf32, #tpu.memory_space<hbm>>
      %dma_wait3A_1001 = tpu.memref_slice %arg2[%mul3A_541, %mul3A_543] : memref<16384x512xf32, #tpu.memory_space<hbm>> -> memref<1024x16xf32, #tpu.memory_space<hbm>>
      tpu.wait_dma2 semaphore(%run_scoped3A : memref<!tpu.dma_semaphore, #tpu.memory_space<semaphore_mem>>) src(%dma_wait3A_1001 : memref<1024x16xf32, #tpu.memory_space<hbm>>) dst(%arg4 : memref<1024x16xf32, #tpu.memory_space<vmem>>)
      tpu.yield
    }) : () -> ()
    %broadcast_in_dim3A_544 = arith.constant 0 : i32
    %broadcast_in_dim3A_545 = vector.broadcast %broadcast_in_dim3A_544 : i32 to vector<16xi32>
    %scan3A_546 = arith.constant 0 : i32
    %scan3A_547 = arith.constant 1024 : i32
    %scan3A_548 = arith.addi %scan3A_546, %scan3A_547 : i32
    %scan3A_549 = arith.constant 8 : i32
    %scan3A_550 = scf.for %scan3A_1000 = %scan3A_546 to %scan3A_548 step %scan3A_549 iter_args(%scan3A_1001 = %broadcast_in_dim3A_545) -> (vector<16xi32>)  : i32 {
      %get3A = arith.index_cast %scan3A_1000 : i32 to index
      %get3A_1002 = arith.constant 0 : index
      %get3A_1003 = tpu.vector_load %arg4[%get3A, %get3A_1002] {strides = array<i32>} : memref<1024x16xf32, #tpu.memory_space<vmem>>, vector<16xf32>,
      %add3A_1004 = arith.addi %mul3A_3, %scan3A_1001 : vector<16xi32>
      tpu.vector_store_idx %arg5[%add3A_1004], %get3A_1003 : memref<16384xf32, #tpu.memory_space<vmem>>[vector<16xi32>], vector<16xf32>,
      %add3A_1005 = arith.constant 1 : i32
      %add3A_1006 = vector.broadcast %add3A_1005 : i32 to vector<16xi32>
      %add3A_1007 = arith.addi %scan3A_1001, %add3A_1006 : vector<16xi32>
      %scan3A_1008 = arith.constant 1 : i32
      %scan3A_1009 = arith.addi %scan3A_1000, %scan3A_1008 : i32
      %get3A_1010 = arith.index_cast %scan3A_1009 : i32 to index
      %get3A_1011 = arith.constant 0 : index
      %get3A_1012 = tpu.vector_load %arg4[%get3A_1010, %get3A_1011] {strides = array<i32>} : memref<1024x16xf32, #tpu.memory_space<vmem>>, vector<16xf32>,
      %add3A_1013 = arith.addi %mul3A_3, %add3A_1007 : vector<16xi32>
      tpu.vector_store_idx %arg5[%add3A_1013], %get3A_1012 : memref<16384xf32, #tpu.memory_space<vmem>>[vector<16xi32>], vector<16xf32>,
      %add3A_1014 = arith.constant 1 : i32
      %add3A_1015 = vector.broadcast %add3A_1014 : i32 to vector<16xi32>
      %add3A_1016 = arith.addi %add3A_1007, %add3A_1015 : vector<16xi32>
      %scan3A_1017 = arith.constant 2 : i32
      %scan3A_1018 = arith.addi %scan3A_1000, %scan3A_1017 : i32
      %get3A_1019 = arith.index_cast %scan3A_1018 : i32 to index
      %get3A_1020 = arith.constant 0 : index
      %get3A_1021 = tpu.vector_load %arg4[%get3A_1019, %get3A_1020] {strides = array<i32>} : memref<1024x16xf32, #tpu.memory_space<vmem>>, vector<16xf32>,
      %add3A_1022 = arith.addi %mul3A_3, %add3A_1016 : vector<16xi32>
      tpu.vector_store_idx %arg5[%add3A_1022], %get3A_1021 : memref<16384xf32, #tpu.memory_space<vmem>>[vector<16xi32>], vector<16xf32>,
      %add3A_1023 = arith.constant 1 : i32
      %add3A_1024 = vector.broadcast %add3A_1023 : i32 to vector<16xi32>
      %add3A_1025 = arith.addi %add3A_1016, %add3A_1024 : vector<16xi32>
      %scan3A_1026 = arith.constant 3 : i32
      %scan3A_1027 = arith.addi %scan3A_1000, %scan3A_1026 : i32
      %get3A_1028 = arith.index_cast %scan3A_1027 : i32 to index
      %get3A_1029 = arith.constant 0 : index
      %get3A_1030 = tpu.vector_load %arg4[%get3A_1028, %get3A_1029] {strides = array<i32>} : memref<1024x16xf32, #tpu.memory_space<vmem>>, vector<16xf32>,
      %add3A_1031 = arith.addi %mul3A_3, %add3A_1025 : vector<16xi32>
      tpu.vector_store_idx %arg5[%add3A_1031], %get3A_1030 : memref<16384xf32, #tpu.memory_space<vmem>>[vector<16xi32>], vector<16xf32>,
      %add3A_1032 = arith.constant 1 : i32
      %add3A_1033 = vector.broadcast %add3A_1032 : i32 to vector<16xi32>
      %add3A_1034 = arith.addi %add3A_1025, %add3A_1033 : vector<16xi32>
      %scan3A_1035 = arith.constant 4 : i32
      %scan3A_1036 = arith.addi %scan3A_1000, %scan3A_1035 : i32
      %get3A_1037 = arith.index_cast %scan3A_1036 : i32 to index
      %get3A_1038 = arith.constant 0 : index
      %get3A_1039 = tpu.vector_load %arg4[%get3A_1037, %get3A_1038] {strides = array<i32>} : memref<1024x16xf32, #tpu.memory_space<vmem>>, vector<16xf32>,
      %add3A_1040 = arith.addi %mul3A_3, %add3A_1034 : vector<16xi32>
      tpu.vector_store_idx %arg5[%add3A_1040], %get3A_1039 : memref<16384xf32, #tpu.memory_space<vmem>>[vector<16xi32>], vector<16xf32>,
      %add3A_1041 = arith.constant 1 : i32
      %add3A_1042 = vector.broadcast %add3A_1041 : i32 to vector<16xi32>
      %add3A_1043 = arith.addi %add3A_1034, %add3A_1042 : vector<16xi32>
      %scan3A_1044 = arith.constant 5 : i32
      %scan3A_1045 = arith.addi %scan3A_1000, %scan3A_1044 : i32
      %get3A_1046 = arith.index_cast %scan3A_1045 : i32 to index
      %get3A_1047 = arith.constant 0 : index
      %get3A_1048 = tpu.vector_load %arg4[%get3A_1046, %get3A_1047] {strides = array<i32>} : memref<1024x16xf32, #tpu.memory_space<vmem>>, vector<16xf32>,
      %add3A_1049 = arith.addi %mul3A_3, %add3A_1043 : vector<16xi32>
      tpu.vector_store_idx %arg5[%add3A_1049], %get3A_1048 : memref<16384xf32, #tpu.memory_space<vmem>>[vector<16xi32>], vector<16xf32>,
      %add3A_1050 = arith.constant 1 : i32
      %add3A_1051 = vector.broadcast %add3A_1050 : i32 to vector<16xi32>
      %add3A_1052 = arith.addi %add3A_1043, %add3A_1051 : vector<16xi32>
      %scan3A_1053 = arith.constant 6 : i32
      %scan3A_1054 = arith.addi %scan3A_1000, %scan3A_1053 : i32
      %get3A_1055 = arith.index_cast %scan3A_1054 : i32 to index
      %get3A_1056 = arith.constant 0 : index
      %get3A_1057 = tpu.vector_load %arg4[%get3A_1055, %get3A_1056] {strides = array<i32>} : memref<1024x16xf32, #tpu.memory_space<vmem>>, vector<16xf32>,
      %add3A_1058 = arith.addi %mul3A_3, %add3A_1052 : vector<16xi32>
      tpu.vector_store_idx %arg5[%add3A_1058], %get3A_1057 : memref<16384xf32, #tpu.memory_space<vmem>>[vector<16xi32>], vector<16xf32>,
      %add3A_1059 = arith.constant 1 : i32
      %add3A_1060 = vector.broadcast %add3A_1059 : i32 to vector<16xi32>
      %add3A_1061 = arith.addi %add3A_1052, %add3A_1060 : vector<16xi32>
      %scan3A_1062 = arith.constant 7 : i32
      %scan3A_1063 = arith.addi %scan3A_1000, %scan3A_1062 : i32
      %get3A_1064 = arith.index_cast %scan3A_1063 : i32 to index
      %get3A_1065 = arith.constant 0 : index
      %get3A_1066 = tpu.vector_load %arg4[%get3A_1064, %get3A_1065] {strides = array<i32>} : memref<1024x16xf32, #tpu.memory_space<vmem>>, vector<16xf32>,
      %add3A_1067 = arith.addi %mul3A_3, %add3A_1061 : vector<16xi32>
      tpu.vector_store_idx %arg5[%add3A_1067], %get3A_1066 : memref<16384xf32, #tpu.memory_space<vmem>>[vector<16xi32>], vector<16xf32>,
      %add3A_1068 = arith.constant 1 : i32
      %add3A_1069 = vector.broadcast %add3A_1068 : i32 to vector<16xi32>
      %add3A_1070 = arith.addi %add3A_1061, %add3A_1069 : vector<16xi32>
      scf.yield %add3A_1070 : vector<16xi32>
    }
    %scan3A_551 = arith.constant 1024 : i32
    %mul3A_552 = arith.constant 512 : i32
    %mul3A_553 = arith.muli %select_n3A_523, %mul3A_552 : i32
    %mul3A_554 = arith.constant 16 : i32
    %mul3A_555 = arith.muli %select_n3A_539, %mul3A_554 : i32
    %add3A_556 = arith.addi %mul3A_553, %mul3A_555 : i32
    %mul3A_557 = arith.constant 1024 : i32
    %mul3A_558 = arith.muli %add3A_556, %mul3A_557 : i32
    "tpu.region"() ({
      %run_scoped3A = tpu.sem_alloc : memref<!tpu.dma_semaphore, #tpu.memory_space<semaphore_mem>>
      %dma_start3A = tpu.memref_slice %arg3[%mul3A_558] : memref<8388608xf32, #tpu.memory_space<hbm>> -> memref<16384xf32, #tpu.memory_space<hbm>>
      %dma_start3A_1000 = tpu.memref_slice %arg3[%mul3A_558] : memref<8388608xf32, #tpu.memory_space<hbm>> -> memref<16384xf32, #tpu.memory_space<hbm>>
      tpu.enqueue_dma source(%arg5 : memref<16384xf32, #tpu.memory_space<vmem>>) target(%dma_start3A_1000 : memref<16384xf32, #tpu.memory_space<hbm>>) target_semaphore(%run_scoped3A : memref<!tpu.dma_semaphore, #tpu.memory_space<semaphore_mem>>)
      %dma_wait3A = tpu.memref_slice %arg3[%mul3A_558] : memref<8388608xf32, #tpu.memory_space<hbm>> -> memref<16384xf32, #tpu.memory_space<hbm>>
      %dma_wait3A_1001 = tpu.memref_slice %arg3[%mul3A_558] : memref<8388608xf32, #tpu.memory_space<hbm>> -> memref<16384xf32, #tpu.memory_space<hbm>>
      tpu.wait_dma2 semaphore(%run_scoped3A : memref<!tpu.dma_semaphore, #tpu.memory_space<semaphore_mem>>) src(%arg5 : memref<16384xf32, #tpu.memory_space<vmem>>) dst(%dma_wait3A_1001 : memref<16384xf32, #tpu.memory_space<hbm>>)
      tpu.yield
    }) : () -> ()
    %mul3A_559 = arith.constant 16 : i32
    %mul3A_560 = arith.muli %add3A, %mul3A_559 : i32
    %add3A_561 = arith.constant 9 : i32
    %add3A_562 = arith.addi %mul3A_560, %add3A_561 : i32
    %jit3A_563 = arith.constant 32 : i32
    %div3A_564 = arith.divsi %add3A_562, %jit3A_563 : i32
    %sign3A_565 = arith.constant 0 : i32
    %sign3A_566 = arith.cmpi sgt, %add3A_562, %sign3A_565 : i32
    %sign3A_567 = arith.extui %sign3A_566 : i1 to i32
    %sign3A_568 = arith.constant 0 : i32
    %sign3A_569 = arith.cmpi slt, %add3A_562, %sign3A_568 : i32
    %sign3A_570 = arith.extui %sign3A_569 : i1 to i32
    %sign3A_571 = arith.subi %sign3A_567, %sign3A_570 : i32
    %sign3A_572 = arith.constant 0 : i32
    %sign3A_573 = arith.cmpi sgt, %jit3A_563, %sign3A_572 : i32
    %sign3A_574 = arith.extui %sign3A_573 : i1 to i32
    %sign3A_575 = arith.constant 0 : i32
    %sign3A_576 = arith.cmpi slt, %jit3A_563, %sign3A_575 : i32
    %sign3A_577 = arith.extui %sign3A_576 : i1 to i32
    %sign3A_578 = arith.subi %sign3A_574, %sign3A_577 : i32
    %ne3A_579 = arith.cmpi ne, %sign3A_571, %sign3A_578 : i32
    %rem3A_580 = arith.remsi %add3A_562, %jit3A_563 : i32
    %ne3A_581 = arith.constant 0 : i32
    %ne3A_582 = arith.cmpi ne, %rem3A_580, %ne3A_581 : i32
    %and3A_583 = arith.andi %ne3A_579, %ne3A_582 : i1
    %sub3A_584 = arith.constant 1 : i32
    %sub3A_585 = arith.subi %div3A_564, %sub3A_584 : i32
    %select_n3A_586 = arith.select %and3A_583, %sub3A_585, %div3A_564 : i32
    %jit3A_587 = arith.constant 32 : i32
    %eq3A_588 = arith.constant 0 : i32
    %eq3A_589 = arith.cmpi eq, %jit3A_587, %eq3A_588 : i32
    %jit3A_590 = arith.constant 1 : i32
    %select_n3A_591 = arith.select %eq3A_589, %jit3A_590, %jit3A_587 : i32
    %rem3A_592 = arith.remsi %add3A_562, %select_n3A_591 : i32
    %ne3A_593 = arith.constant 0 : i32
    %ne3A_594 = arith.cmpi ne, %rem3A_592, %ne3A_593 : i32
    %lt3A_595 = arith.constant 0 : i32
    %lt3A_596 = arith.cmpi slt, %rem3A_592, %lt3A_595 : i32
    %lt3A_597 = arith.constant 0 : i32
    %lt3A_598 = arith.cmpi slt, %select_n3A_591, %lt3A_597 : i32
    %ne3A_599 = arith.xori %lt3A_596, %lt3A_598 : i1
    %and3A_600 = arith.andi %ne3A_599, %ne3A_594 : i1
    %add3A_601 = arith.addi %rem3A_592, %select_n3A_591 : i32
    %select_n3A_602 = arith.select %and3A_600, %add3A_601, %rem3A_592 : i32
    %mul3A_603 = arith.constant 1024 : i32
    %mul3A_604 = arith.muli %select_n3A_586, %mul3A_603 : i32
    %mul3A_605 = arith.constant 16 : i32
    %mul3A_606 = arith.muli %select_n3A_602, %mul3A_605 : i32
    "tpu.region"() ({
      %run_scoped3A = tpu.sem_alloc : memref<!tpu.dma_semaphore, #tpu.memory_space<semaphore_mem>>
      %dma_start3A = tpu.memref_slice %arg2[%mul3A_604, %mul3A_606] : memref<16384x512xf32, #tpu.memory_space<hbm>> -> memref<1024x16xf32, #tpu.memory_space<hbm>>
      %dma_start3A_1000 = tpu.memref_slice %arg2[%mul3A_604, %mul3A_606] : memref<16384x512xf32, #tpu.memory_space<hbm>> -> memref<1024x16xf32, #tpu.memory_space<hbm>>
      tpu.enqueue_dma source(%dma_start3A_1000 : memref<1024x16xf32, #tpu.memory_space<hbm>>) target(%arg4 : memref<1024x16xf32, #tpu.memory_space<vmem>>) target_semaphore(%run_scoped3A : memref<!tpu.dma_semaphore, #tpu.memory_space<semaphore_mem>>)
      %dma_wait3A = tpu.memref_slice %arg2[%mul3A_604, %mul3A_606] : memref<16384x512xf32, #tpu.memory_space<hbm>> -> memref<1024x16xf32, #tpu.memory_space<hbm>>
      %dma_wait3A_1001 = tpu.memref_slice %arg2[%mul3A_604, %mul3A_606] : memref<16384x512xf32, #tpu.memory_space<hbm>> -> memref<1024x16xf32, #tpu.memory_space<hbm>>
      tpu.wait_dma2 semaphore(%run_scoped3A : memref<!tpu.dma_semaphore, #tpu.memory_space<semaphore_mem>>) src(%dma_wait3A_1001 : memref<1024x16xf32, #tpu.memory_space<hbm>>) dst(%arg4 : memref<1024x16xf32, #tpu.memory_space<vmem>>)
      tpu.yield
    }) : () -> ()
    %broadcast_in_dim3A_607 = arith.constant 0 : i32
    %broadcast_in_dim3A_608 = vector.broadcast %broadcast_in_dim3A_607 : i32 to vector<16xi32>
    %scan3A_609 = arith.constant 0 : i32
    %scan3A_610 = arith.constant 1024 : i32
    %scan3A_611 = arith.addi %scan3A_609, %scan3A_610 : i32
    %scan3A_612 = arith.constant 8 : i32
    %scan3A_613 = scf.for %scan3A_1000 = %scan3A_609 to %scan3A_611 step %scan3A_612 iter_args(%scan3A_1001 = %broadcast_in_dim3A_608) -> (vector<16xi32>)  : i32 {
      %get3A = arith.index_cast %scan3A_1000 : i32 to index
      %get3A_1002 = arith.constant 0 : index
      %get3A_1003 = tpu.vector_load %arg4[%get3A, %get3A_1002] {strides = array<i32>} : memref<1024x16xf32, #tpu.memory_space<vmem>>, vector<16xf32>,
      %add3A_1004 = arith.addi %mul3A_3, %scan3A_1001 : vector<16xi32>
      tpu.vector_store_idx %arg5[%add3A_1004], %get3A_1003 : memref<16384xf32, #tpu.memory_space<vmem>>[vector<16xi32>], vector<16xf32>,
      %add3A_1005 = arith.constant 1 : i32
      %add3A_1006 = vector.broadcast %add3A_1005 : i32 to vector<16xi32>
      %add3A_1007 = arith.addi %scan3A_1001, %add3A_1006 : vector<16xi32>
      %scan3A_1008 = arith.constant 1 : i32
      %scan3A_1009 = arith.addi %scan3A_1000, %scan3A_1008 : i32
      %get3A_1010 = arith.index_cast %scan3A_1009 : i32 to index
      %get3A_1011 = arith.constant 0 : index
      %get3A_1012 = tpu.vector_load %arg4[%get3A_1010, %get3A_1011] {strides = array<i32>} : memref<1024x16xf32, #tpu.memory_space<vmem>>, vector<16xf32>,
      %add3A_1013 = arith.addi %mul3A_3, %add3A_1007 : vector<16xi32>
      tpu.vector_store_idx %arg5[%add3A_1013], %get3A_1012 : memref<16384xf32, #tpu.memory_space<vmem>>[vector<16xi32>], vector<16xf32>,
      %add3A_1014 = arith.constant 1 : i32
      %add3A_1015 = vector.broadcast %add3A_1014 : i32 to vector<16xi32>
      %add3A_1016 = arith.addi %add3A_1007, %add3A_1015 : vector<16xi32>
      %scan3A_1017 = arith.constant 2 : i32
      %scan3A_1018 = arith.addi %scan3A_1000, %scan3A_1017 : i32
      %get3A_1019 = arith.index_cast %scan3A_1018 : i32 to index
      %get3A_1020 = arith.constant 0 : index
      %get3A_1021 = tpu.vector_load %arg4[%get3A_1019, %get3A_1020] {strides = array<i32>} : memref<1024x16xf32, #tpu.memory_space<vmem>>, vector<16xf32>,
      %add3A_1022 = arith.addi %mul3A_3, %add3A_1016 : vector<16xi32>
      tpu.vector_store_idx %arg5[%add3A_1022], %get3A_1021 : memref<16384xf32, #tpu.memory_space<vmem>>[vector<16xi32>], vector<16xf32>,
      %add3A_1023 = arith.constant 1 : i32
      %add3A_1024 = vector.broadcast %add3A_1023 : i32 to vector<16xi32>
      %add3A_1025 = arith.addi %add3A_1016, %add3A_1024 : vector<16xi32>
      %scan3A_1026 = arith.constant 3 : i32
      %scan3A_1027 = arith.addi %scan3A_1000, %scan3A_1026 : i32
      %get3A_1028 = arith.index_cast %scan3A_1027 : i32 to index
      %get3A_1029 = arith.constant 0 : index
      %get3A_1030 = tpu.vector_load %arg4[%get3A_1028, %get3A_1029] {strides = array<i32>} : memref<1024x16xf32, #tpu.memory_space<vmem>>, vector<16xf32>,
      %add3A_1031 = arith.addi %mul3A_3, %add3A_1025 : vector<16xi32>
      tpu.vector_store_idx %arg5[%add3A_1031], %get3A_1030 : memref<16384xf32, #tpu.memory_space<vmem>>[vector<16xi32>], vector<16xf32>,
      %add3A_1032 = arith.constant 1 : i32
      %add3A_1033 = vector.broadcast %add3A_1032 : i32 to vector<16xi32>
      %add3A_1034 = arith.addi %add3A_1025, %add3A_1033 : vector<16xi32>
      %scan3A_1035 = arith.constant 4 : i32
      %scan3A_1036 = arith.addi %scan3A_1000, %scan3A_1035 : i32
      %get3A_1037 = arith.index_cast %scan3A_1036 : i32 to index
      %get3A_1038 = arith.constant 0 : index
      %get3A_1039 = tpu.vector_load %arg4[%get3A_1037, %get3A_1038] {strides = array<i32>} : memref<1024x16xf32, #tpu.memory_space<vmem>>, vector<16xf32>,
      %add3A_1040 = arith.addi %mul3A_3, %add3A_1034 : vector<16xi32>
      tpu.vector_store_idx %arg5[%add3A_1040], %get3A_1039 : memref<16384xf32, #tpu.memory_space<vmem>>[vector<16xi32>], vector<16xf32>,
      %add3A_1041 = arith.constant 1 : i32
      %add3A_1042 = vector.broadcast %add3A_1041 : i32 to vector<16xi32>
      %add3A_1043 = arith.addi %add3A_1034, %add3A_1042 : vector<16xi32>
      %scan3A_1044 = arith.constant 5 : i32
      %scan3A_1045 = arith.addi %scan3A_1000, %scan3A_1044 : i32
      %get3A_1046 = arith.index_cast %scan3A_1045 : i32 to index
      %get3A_1047 = arith.constant 0 : index
      %get3A_1048 = tpu.vector_load %arg4[%get3A_1046, %get3A_1047] {strides = array<i32>} : memref<1024x16xf32, #tpu.memory_space<vmem>>, vector<16xf32>,
      %add3A_1049 = arith.addi %mul3A_3, %add3A_1043 : vector<16xi32>
      tpu.vector_store_idx %arg5[%add3A_1049], %get3A_1048 : memref<16384xf32, #tpu.memory_space<vmem>>[vector<16xi32>], vector<16xf32>,
      %add3A_1050 = arith.constant 1 : i32
      %add3A_1051 = vector.broadcast %add3A_1050 : i32 to vector<16xi32>
      %add3A_1052 = arith.addi %add3A_1043, %add3A_1051 : vector<16xi32>
      %scan3A_1053 = arith.constant 6 : i32
      %scan3A_1054 = arith.addi %scan3A_1000, %scan3A_1053 : i32
      %get3A_1055 = arith.index_cast %scan3A_1054 : i32 to index
      %get3A_1056 = arith.constant 0 : index
      %get3A_1057 = tpu.vector_load %arg4[%get3A_1055, %get3A_1056] {strides = array<i32>} : memref<1024x16xf32, #tpu.memory_space<vmem>>, vector<16xf32>,
      %add3A_1058 = arith.addi %mul3A_3, %add3A_1052 : vector<16xi32>
      tpu.vector_store_idx %arg5[%add3A_1058], %get3A_1057 : memref<16384xf32, #tpu.memory_space<vmem>>[vector<16xi32>], vector<16xf32>,
      %add3A_1059 = arith.constant 1 : i32
      %add3A_1060 = vector.broadcast %add3A_1059 : i32 to vector<16xi32>
      %add3A_1061 = arith.addi %add3A_1052, %add3A_1060 : vector<16xi32>
      %scan3A_1062 = arith.constant 7 : i32
      %scan3A_1063 = arith.addi %scan3A_1000, %scan3A_1062 : i32
      %get3A_1064 = arith.index_cast %scan3A_1063 : i32 to index
      %get3A_1065 = arith.constant 0 : index
      %get3A_1066 = tpu.vector_load %arg4[%get3A_1064, %get3A_1065] {strides = array<i32>} : memref<1024x16xf32, #tpu.memory_space<vmem>>, vector<16xf32>,
      %add3A_1067 = arith.addi %mul3A_3, %add3A_1061 : vector<16xi32>
      tpu.vector_store_idx %arg5[%add3A_1067], %get3A_1066 : memref<16384xf32, #tpu.memory_space<vmem>>[vector<16xi32>], vector<16xf32>,
      %add3A_1068 = arith.constant 1 : i32
      %add3A_1069 = vector.broadcast %add3A_1068 : i32 to vector<16xi32>
      %add3A_1070 = arith.addi %add3A_1061, %add3A_1069 : vector<16xi32>
      scf.yield %add3A_1070 : vector<16xi32>
    }
    %scan3A_614 = arith.constant 1024 : i32
    %mul3A_615 = arith.constant 512 : i32
    %mul3A_616 = arith.muli %select_n3A_586, %mul3A_615 : i32
    %mul3A_617 = arith.constant 16 : i32
    %mul3A_618 = arith.muli %select_n3A_602, %mul3A_617 : i32
    %add3A_619 = arith.addi %mul3A_616, %mul3A_618 : i32
    %mul3A_620 = arith.constant 1024 : i32
    %mul3A_621 = arith.muli %add3A_619, %mul3A_620 : i32
    "tpu.region"() ({
      %run_scoped3A = tpu.sem_alloc : memref<!tpu.dma_semaphore, #tpu.memory_space<semaphore_mem>>
      %dma_start3A = tpu.memref_slice %arg3[%mul3A_621] : memref<8388608xf32, #tpu.memory_space<hbm>> -> memref<16384xf32, #tpu.memory_space<hbm>>
      %dma_start3A_1000 = tpu.memref_slice %arg3[%mul3A_621] : memref<8388608xf32, #tpu.memory_space<hbm>> -> memref<16384xf32, #tpu.memory_space<hbm>>
      tpu.enqueue_dma source(%arg5 : memref<16384xf32, #tpu.memory_space<vmem>>) target(%dma_start3A_1000 : memref<16384xf32, #tpu.memory_space<hbm>>) target_semaphore(%run_scoped3A : memref<!tpu.dma_semaphore, #tpu.memory_space<semaphore_mem>>)
      %dma_wait3A = tpu.memref_slice %arg3[%mul3A_621] : memref<8388608xf32, #tpu.memory_space<hbm>> -> memref<16384xf32, #tpu.memory_space<hbm>>
      %dma_wait3A_1001 = tpu.memref_slice %arg3[%mul3A_621] : memref<8388608xf32, #tpu.memory_space<hbm>> -> memref<16384xf32, #tpu.memory_space<hbm>>
      tpu.wait_dma2 semaphore(%run_scoped3A : memref<!tpu.dma_semaphore, #tpu.memory_space<semaphore_mem>>) src(%arg5 : memref<16384xf32, #tpu.memory_space<vmem>>) dst(%dma_wait3A_1001 : memref<16384xf32, #tpu.memory_space<hbm>>)
      tpu.yield
    }) : () -> ()
    %mul3A_622 = arith.constant 16 : i32
    %mul3A_623 = arith.muli %add3A, %mul3A_622 : i32
    %add3A_624 = arith.constant 10 : i32
    %add3A_625 = arith.addi %mul3A_623, %add3A_624 : i32
    %jit3A_626 = arith.constant 32 : i32
    %div3A_627 = arith.divsi %add3A_625, %jit3A_626 : i32
    %sign3A_628 = arith.constant 0 : i32
    %sign3A_629 = arith.cmpi sgt, %add3A_625, %sign3A_628 : i32
    %sign3A_630 = arith.extui %sign3A_629 : i1 to i32
    %sign3A_631 = arith.constant 0 : i32
    %sign3A_632 = arith.cmpi slt, %add3A_625, %sign3A_631 : i32
    %sign3A_633 = arith.extui %sign3A_632 : i1 to i32
    %sign3A_634 = arith.subi %sign3A_630, %sign3A_633 : i32
    %sign3A_635 = arith.constant 0 : i32
    %sign3A_636 = arith.cmpi sgt, %jit3A_626, %sign3A_635 : i32
    %sign3A_637 = arith.extui %sign3A_636 : i1 to i32
    %sign3A_638 = arith.constant 0 : i32
    %sign3A_639 = arith.cmpi slt, %jit3A_626, %sign3A_638 : i32
    %sign3A_640 = arith.extui %sign3A_639 : i1 to i32
    %sign3A_641 = arith.subi %sign3A_637, %sign3A_640 : i32
    %ne3A_642 = arith.cmpi ne, %sign3A_634, %sign3A_641 : i32
    %rem3A_643 = arith.remsi %add3A_625, %jit3A_626 : i32
    %ne3A_644 = arith.constant 0 : i32
    %ne3A_645 = arith.cmpi ne, %rem3A_643, %ne3A_644 : i32
    %and3A_646 = arith.andi %ne3A_642, %ne3A_645 : i1
    %sub3A_647 = arith.constant 1 : i32
    %sub3A_648 = arith.subi %div3A_627, %sub3A_647 : i32
    %select_n3A_649 = arith.select %and3A_646, %sub3A_648, %div3A_627 : i32
    %jit3A_650 = arith.constant 32 : i32
    %eq3A_651 = arith.constant 0 : i32
    %eq3A_652 = arith.cmpi eq, %jit3A_650, %eq3A_651 : i32
    %jit3A_653 = arith.constant 1 : i32
    %select_n3A_654 = arith.select %eq3A_652, %jit3A_653, %jit3A_650 : i32
    %rem3A_655 = arith.remsi %add3A_625, %select_n3A_654 : i32
    %ne3A_656 = arith.constant 0 : i32
    %ne3A_657 = arith.cmpi ne, %rem3A_655, %ne3A_656 : i32
    %lt3A_658 = arith.constant 0 : i32
    %lt3A_659 = arith.cmpi slt, %rem3A_655, %lt3A_658 : i32
    %lt3A_660 = arith.constant 0 : i32
    %lt3A_661 = arith.cmpi slt, %select_n3A_654, %lt3A_660 : i32
    %ne3A_662 = arith.xori %lt3A_659, %lt3A_661 : i1
    %and3A_663 = arith.andi %ne3A_662, %ne3A_657 : i1
    %add3A_664 = arith.addi %rem3A_655, %select_n3A_654 : i32
    %select_n3A_665 = arith.select %and3A_663, %add3A_664, %rem3A_655 : i32
    %mul3A_666 = arith.constant 1024 : i32
    %mul3A_667 = arith.muli %select_n3A_649, %mul3A_666 : i32
    %mul3A_668 = arith.constant 16 : i32
    %mul3A_669 = arith.muli %select_n3A_665, %mul3A_668 : i32
    "tpu.region"() ({
      %run_scoped3A = tpu.sem_alloc : memref<!tpu.dma_semaphore, #tpu.memory_space<semaphore_mem>>
      %dma_start3A = tpu.memref_slice %arg2[%mul3A_667, %mul3A_669] : memref<16384x512xf32, #tpu.memory_space<hbm>> -> memref<1024x16xf32, #tpu.memory_space<hbm>>
      %dma_start3A_1000 = tpu.memref_slice %arg2[%mul3A_667, %mul3A_669] : memref<16384x512xf32, #tpu.memory_space<hbm>> -> memref<1024x16xf32, #tpu.memory_space<hbm>>
      tpu.enqueue_dma source(%dma_start3A_1000 : memref<1024x16xf32, #tpu.memory_space<hbm>>) target(%arg4 : memref<1024x16xf32, #tpu.memory_space<vmem>>) target_semaphore(%run_scoped3A : memref<!tpu.dma_semaphore, #tpu.memory_space<semaphore_mem>>)
      %dma_wait3A = tpu.memref_slice %arg2[%mul3A_667, %mul3A_669] : memref<16384x512xf32, #tpu.memory_space<hbm>> -> memref<1024x16xf32, #tpu.memory_space<hbm>>
      %dma_wait3A_1001 = tpu.memref_slice %arg2[%mul3A_667, %mul3A_669] : memref<16384x512xf32, #tpu.memory_space<hbm>> -> memref<1024x16xf32, #tpu.memory_space<hbm>>
      tpu.wait_dma2 semaphore(%run_scoped3A : memref<!tpu.dma_semaphore, #tpu.memory_space<semaphore_mem>>) src(%dma_wait3A_1001 : memref<1024x16xf32, #tpu.memory_space<hbm>>) dst(%arg4 : memref<1024x16xf32, #tpu.memory_space<vmem>>)
      tpu.yield
    }) : () -> ()
    %broadcast_in_dim3A_670 = arith.constant 0 : i32
    %broadcast_in_dim3A_671 = vector.broadcast %broadcast_in_dim3A_670 : i32 to vector<16xi32>
    %scan3A_672 = arith.constant 0 : i32
    %scan3A_673 = arith.constant 1024 : i32
    %scan3A_674 = arith.addi %scan3A_672, %scan3A_673 : i32
    %scan3A_675 = arith.constant 8 : i32
    %scan3A_676 = scf.for %scan3A_1000 = %scan3A_672 to %scan3A_674 step %scan3A_675 iter_args(%scan3A_1001 = %broadcast_in_dim3A_671) -> (vector<16xi32>)  : i32 {
      %get3A = arith.index_cast %scan3A_1000 : i32 to index
      %get3A_1002 = arith.constant 0 : index
      %get3A_1003 = tpu.vector_load %arg4[%get3A, %get3A_1002] {strides = array<i32>} : memref<1024x16xf32, #tpu.memory_space<vmem>>, vector<16xf32>,
      %add3A_1004 = arith.addi %mul3A_3, %scan3A_1001 : vector<16xi32>
      tpu.vector_store_idx %arg5[%add3A_1004], %get3A_1003 : memref<16384xf32, #tpu.memory_space<vmem>>[vector<16xi32>], vector<16xf32>,
      %add3A_1005 = arith.constant 1 : i32
      %add3A_1006 = vector.broadcast %add3A_1005 : i32 to vector<16xi32>
      %add3A_1007 = arith.addi %scan3A_1001, %add3A_1006 : vector<16xi32>
      %scan3A_1008 = arith.constant 1 : i32
      %scan3A_1009 = arith.addi %scan3A_1000, %scan3A_1008 : i32
      %get3A_1010 = arith.index_cast %scan3A_1009 : i32 to index
      %get3A_1011 = arith.constant 0 : index
      %get3A_1012 = tpu.vector_load %arg4[%get3A_1010, %get3A_1011] {strides = array<i32>} : memref<1024x16xf32, #tpu.memory_space<vmem>>, vector<16xf32>,
      %add3A_1013 = arith.addi %mul3A_3, %add3A_1007 : vector<16xi32>
      tpu.vector_store_idx %arg5[%add3A_1013], %get3A_1012 : memref<16384xf32, #tpu.memory_space<vmem>>[vector<16xi32>], vector<16xf32>,
      %add3A_1014 = arith.constant 1 : i32
      %add3A_1015 = vector.broadcast %add3A_1014 : i32 to vector<16xi32>
      %add3A_1016 = arith.addi %add3A_1007, %add3A_1015 : vector<16xi32>
      %scan3A_1017 = arith.constant 2 : i32
      %scan3A_1018 = arith.addi %scan3A_1000, %scan3A_1017 : i32
      %get3A_1019 = arith.index_cast %scan3A_1018 : i32 to index
      %get3A_1020 = arith.constant 0 : index
      %get3A_1021 = tpu.vector_load %arg4[%get3A_1019, %get3A_1020] {strides = array<i32>} : memref<1024x16xf32, #tpu.memory_space<vmem>>, vector<16xf32>,
      %add3A_1022 = arith.addi %mul3A_3, %add3A_1016 : vector<16xi32>
      tpu.vector_store_idx %arg5[%add3A_1022], %get3A_1021 : memref<16384xf32, #tpu.memory_space<vmem>>[vector<16xi32>], vector<16xf32>,
      %add3A_1023 = arith.constant 1 : i32
      %add3A_1024 = vector.broadcast %add3A_1023 : i32 to vector<16xi32>
      %add3A_1025 = arith.addi %add3A_1016, %add3A_1024 : vector<16xi32>
      %scan3A_1026 = arith.constant 3 : i32
      %scan3A_1027 = arith.addi %scan3A_1000, %scan3A_1026 : i32
      %get3A_1028 = arith.index_cast %scan3A_1027 : i32 to index
      %get3A_1029 = arith.constant 0 : index
      %get3A_1030 = tpu.vector_load %arg4[%get3A_1028, %get3A_1029] {strides = array<i32>} : memref<1024x16xf32, #tpu.memory_space<vmem>>, vector<16xf32>,
      %add3A_1031 = arith.addi %mul3A_3, %add3A_1025 : vector<16xi32>
      tpu.vector_store_idx %arg5[%add3A_1031], %get3A_1030 : memref<16384xf32, #tpu.memory_space<vmem>>[vector<16xi32>], vector<16xf32>,
      %add3A_1032 = arith.constant 1 : i32
      %add3A_1033 = vector.broadcast %add3A_1032 : i32 to vector<16xi32>
      %add3A_1034 = arith.addi %add3A_1025, %add3A_1033 : vector<16xi32>
      %scan3A_1035 = arith.constant 4 : i32
      %scan3A_1036 = arith.addi %scan3A_1000, %scan3A_1035 : i32
      %get3A_1037 = arith.index_cast %scan3A_1036 : i32 to index
      %get3A_1038 = arith.constant 0 : index
      %get3A_1039 = tpu.vector_load %arg4[%get3A_1037, %get3A_1038] {strides = array<i32>} : memref<1024x16xf32, #tpu.memory_space<vmem>>, vector<16xf32>,
      %add3A_1040 = arith.addi %mul3A_3, %add3A_1034 : vector<16xi32>
      tpu.vector_store_idx %arg5[%add3A_1040], %get3A_1039 : memref<16384xf32, #tpu.memory_space<vmem>>[vector<16xi32>], vector<16xf32>,
      %add3A_1041 = arith.constant 1 : i32
      %add3A_1042 = vector.broadcast %add3A_1041 : i32 to vector<16xi32>
      %add3A_1043 = arith.addi %add3A_1034, %add3A_1042 : vector<16xi32>
      %scan3A_1044 = arith.constant 5 : i32
      %scan3A_1045 = arith.addi %scan3A_1000, %scan3A_1044 : i32
      %get3A_1046 = arith.index_cast %scan3A_1045 : i32 to index
      %get3A_1047 = arith.constant 0 : index
      %get3A_1048 = tpu.vector_load %arg4[%get3A_1046, %get3A_1047] {strides = array<i32>} : memref<1024x16xf32, #tpu.memory_space<vmem>>, vector<16xf32>,
      %add3A_1049 = arith.addi %mul3A_3, %add3A_1043 : vector<16xi32>
      tpu.vector_store_idx %arg5[%add3A_1049], %get3A_1048 : memref<16384xf32, #tpu.memory_space<vmem>>[vector<16xi32>], vector<16xf32>,
      %add3A_1050 = arith.constant 1 : i32
      %add3A_1051 = vector.broadcast %add3A_1050 : i32 to vector<16xi32>
      %add3A_1052 = arith.addi %add3A_1043, %add3A_1051 : vector<16xi32>
      %scan3A_1053 = arith.constant 6 : i32
      %scan3A_1054 = arith.addi %scan3A_1000, %scan3A_1053 : i32
      %get3A_1055 = arith.index_cast %scan3A_1054 : i32 to index
      %get3A_1056 = arith.constant 0 : index
      %get3A_1057 = tpu.vector_load %arg4[%get3A_1055, %get3A_1056] {strides = array<i32>} : memref<1024x16xf32, #tpu.memory_space<vmem>>, vector<16xf32>,
      %add3A_1058 = arith.addi %mul3A_3, %add3A_1052 : vector<16xi32>
      tpu.vector_store_idx %arg5[%add3A_1058], %get3A_1057 : memref<16384xf32, #tpu.memory_space<vmem>>[vector<16xi32>], vector<16xf32>,
      %add3A_1059 = arith.constant 1 : i32
      %add3A_1060 = vector.broadcast %add3A_1059 : i32 to vector<16xi32>
      %add3A_1061 = arith.addi %add3A_1052, %add3A_1060 : vector<16xi32>
      %scan3A_1062 = arith.constant 7 : i32
      %scan3A_1063 = arith.addi %scan3A_1000, %scan3A_1062 : i32
      %get3A_1064 = arith.index_cast %scan3A_1063 : i32 to index
      %get3A_1065 = arith.constant 0 : index
      %get3A_1066 = tpu.vector_load %arg4[%get3A_1064, %get3A_1065] {strides = array<i32>} : memref<1024x16xf32, #tpu.memory_space<vmem>>, vector<16xf32>,
      %add3A_1067 = arith.addi %mul3A_3, %add3A_1061 : vector<16xi32>
      tpu.vector_store_idx %arg5[%add3A_1067], %get3A_1066 : memref<16384xf32, #tpu.memory_space<vmem>>[vector<16xi32>], vector<16xf32>,
      %add3A_1068 = arith.constant 1 : i32
      %add3A_1069 = vector.broadcast %add3A_1068 : i32 to vector<16xi32>
      %add3A_1070 = arith.addi %add3A_1061, %add3A_1069 : vector<16xi32>
      scf.yield %add3A_1070 : vector<16xi32>
    }
    %scan3A_677 = arith.constant 1024 : i32
    %mul3A_678 = arith.constant 512 : i32
    %mul3A_679 = arith.muli %select_n3A_649, %mul3A_678 : i32
    %mul3A_680 = arith.constant 16 : i32
    %mul3A_681 = arith.muli %select_n3A_665, %mul3A_680 : i32
    %add3A_682 = arith.addi %mul3A_679, %mul3A_681 : i32
    %mul3A_683 = arith.constant 1024 : i32
    %mul3A_684 = arith.muli %add3A_682, %mul3A_683 : i32
    "tpu.region"() ({
      %run_scoped3A = tpu.sem_alloc : memref<!tpu.dma_semaphore, #tpu.memory_space<semaphore_mem>>
      %dma_start3A = tpu.memref_slice %arg3[%mul3A_684] : memref<8388608xf32, #tpu.memory_space<hbm>> -> memref<16384xf32, #tpu.memory_space<hbm>>
      %dma_start3A_1000 = tpu.memref_slice %arg3[%mul3A_684] : memref<8388608xf32, #tpu.memory_space<hbm>> -> memref<16384xf32, #tpu.memory_space<hbm>>
      tpu.enqueue_dma source(%arg5 : memref<16384xf32, #tpu.memory_space<vmem>>) target(%dma_start3A_1000 : memref<16384xf32, #tpu.memory_space<hbm>>) target_semaphore(%run_scoped3A : memref<!tpu.dma_semaphore, #tpu.memory_space<semaphore_mem>>)
      %dma_wait3A = tpu.memref_slice %arg3[%mul3A_684] : memref<8388608xf32, #tpu.memory_space<hbm>> -> memref<16384xf32, #tpu.memory_space<hbm>>
      %dma_wait3A_1001 = tpu.memref_slice %arg3[%mul3A_684] : memref<8388608xf32, #tpu.memory_space<hbm>> -> memref<16384xf32, #tpu.memory_space<hbm>>
      tpu.wait_dma2 semaphore(%run_scoped3A : memref<!tpu.dma_semaphore, #tpu.memory_space<semaphore_mem>>) src(%arg5 : memref<16384xf32, #tpu.memory_space<vmem>>) dst(%dma_wait3A_1001 : memref<16384xf32, #tpu.memory_space<hbm>>)
      tpu.yield
    }) : () -> ()
    %mul3A_685 = arith.constant 16 : i32
    %mul3A_686 = arith.muli %add3A, %mul3A_685 : i32
    %add3A_687 = arith.constant 11 : i32
    %add3A_688 = arith.addi %mul3A_686, %add3A_687 : i32
    %jit3A_689 = arith.constant 32 : i32
    %div3A_690 = arith.divsi %add3A_688, %jit3A_689 : i32
    %sign3A_691 = arith.constant 0 : i32
    %sign3A_692 = arith.cmpi sgt, %add3A_688, %sign3A_691 : i32
    %sign3A_693 = arith.extui %sign3A_692 : i1 to i32
    %sign3A_694 = arith.constant 0 : i32
    %sign3A_695 = arith.cmpi slt, %add3A_688, %sign3A_694 : i32
    %sign3A_696 = arith.extui %sign3A_695 : i1 to i32
    %sign3A_697 = arith.subi %sign3A_693, %sign3A_696 : i32
    %sign3A_698 = arith.constant 0 : i32
    %sign3A_699 = arith.cmpi sgt, %jit3A_689, %sign3A_698 : i32
    %sign3A_700 = arith.extui %sign3A_699 : i1 to i32
    %sign3A_701 = arith.constant 0 : i32
    %sign3A_702 = arith.cmpi slt, %jit3A_689, %sign3A_701 : i32
    %sign3A_703 = arith.extui %sign3A_702 : i1 to i32
    %sign3A_704 = arith.subi %sign3A_700, %sign3A_703 : i32
    %ne3A_705 = arith.cmpi ne, %sign3A_697, %sign3A_704 : i32
    %rem3A_706 = arith.remsi %add3A_688, %jit3A_689 : i32
    %ne3A_707 = arith.constant 0 : i32
    %ne3A_708 = arith.cmpi ne, %rem3A_706, %ne3A_707 : i32
    %and3A_709 = arith.andi %ne3A_705, %ne3A_708 : i1
    %sub3A_710 = arith.constant 1 : i32
    %sub3A_711 = arith.subi %div3A_690, %sub3A_710 : i32
    %select_n3A_712 = arith.select %and3A_709, %sub3A_711, %div3A_690 : i32
    %jit3A_713 = arith.constant 32 : i32
    %eq3A_714 = arith.constant 0 : i32
    %eq3A_715 = arith.cmpi eq, %jit3A_713, %eq3A_714 : i32
    %jit3A_716 = arith.constant 1 : i32
    %select_n3A_717 = arith.select %eq3A_715, %jit3A_716, %jit3A_713 : i32
    %rem3A_718 = arith.remsi %add3A_688, %select_n3A_717 : i32
    %ne3A_719 = arith.constant 0 : i32
    %ne3A_720 = arith.cmpi ne, %rem3A_718, %ne3A_719 : i32
    %lt3A_721 = arith.constant 0 : i32
    %lt3A_722 = arith.cmpi slt, %rem3A_718, %lt3A_721 : i32
    %lt3A_723 = arith.constant 0 : i32
    %lt3A_724 = arith.cmpi slt, %select_n3A_717, %lt3A_723 : i32
    %ne3A_725 = arith.xori %lt3A_722, %lt3A_724 : i1
    %and3A_726 = arith.andi %ne3A_725, %ne3A_720 : i1
    %add3A_727 = arith.addi %rem3A_718, %select_n3A_717 : i32
    %select_n3A_728 = arith.select %and3A_726, %add3A_727, %rem3A_718 : i32
    %mul3A_729 = arith.constant 1024 : i32
    %mul3A_730 = arith.muli %select_n3A_712, %mul3A_729 : i32
    %mul3A_731 = arith.constant 16 : i32
    %mul3A_732 = arith.muli %select_n3A_728, %mul3A_731 : i32
    "tpu.region"() ({
      %run_scoped3A = tpu.sem_alloc : memref<!tpu.dma_semaphore, #tpu.memory_space<semaphore_mem>>
      %dma_start3A = tpu.memref_slice %arg2[%mul3A_730, %mul3A_732] : memref<16384x512xf32, #tpu.memory_space<hbm>> -> memref<1024x16xf32, #tpu.memory_space<hbm>>
      %dma_start3A_1000 = tpu.memref_slice %arg2[%mul3A_730, %mul3A_732] : memref<16384x512xf32, #tpu.memory_space<hbm>> -> memref<1024x16xf32, #tpu.memory_space<hbm>>
      tpu.enqueue_dma source(%dma_start3A_1000 : memref<1024x16xf32, #tpu.memory_space<hbm>>) target(%arg4 : memref<1024x16xf32, #tpu.memory_space<vmem>>) target_semaphore(%run_scoped3A : memref<!tpu.dma_semaphore, #tpu.memory_space<semaphore_mem>>)
      %dma_wait3A = tpu.memref_slice %arg2[%mul3A_730, %mul3A_732] : memref<16384x512xf32, #tpu.memory_space<hbm>> -> memref<1024x16xf32, #tpu.memory_space<hbm>>
      %dma_wait3A_1001 = tpu.memref_slice %arg2[%mul3A_730, %mul3A_732] : memref<16384x512xf32, #tpu.memory_space<hbm>> -> memref<1024x16xf32, #tpu.memory_space<hbm>>
      tpu.wait_dma2 semaphore(%run_scoped3A : memref<!tpu.dma_semaphore, #tpu.memory_space<semaphore_mem>>) src(%dma_wait3A_1001 : memref<1024x16xf32, #tpu.memory_space<hbm>>) dst(%arg4 : memref<1024x16xf32, #tpu.memory_space<vmem>>)
      tpu.yield
    }) : () -> ()
    %broadcast_in_dim3A_733 = arith.constant 0 : i32
    %broadcast_in_dim3A_734 = vector.broadcast %broadcast_in_dim3A_733 : i32 to vector<16xi32>
    %scan3A_735 = arith.constant 0 : i32
    %scan3A_736 = arith.constant 1024 : i32
    %scan3A_737 = arith.addi %scan3A_735, %scan3A_736 : i32
    %scan3A_738 = arith.constant 8 : i32
    %scan3A_739 = scf.for %scan3A_1000 = %scan3A_735 to %scan3A_737 step %scan3A_738 iter_args(%scan3A_1001 = %broadcast_in_dim3A_734) -> (vector<16xi32>)  : i32 {
      %get3A = arith.index_cast %scan3A_1000 : i32 to index
      %get3A_1002 = arith.constant 0 : index
      %get3A_1003 = tpu.vector_load %arg4[%get3A, %get3A_1002] {strides = array<i32>} : memref<1024x16xf32, #tpu.memory_space<vmem>>, vector<16xf32>,
      %add3A_1004 = arith.addi %mul3A_3, %scan3A_1001 : vector<16xi32>
      tpu.vector_store_idx %arg5[%add3A_1004], %get3A_1003 : memref<16384xf32, #tpu.memory_space<vmem>>[vector<16xi32>], vector<16xf32>,
      %add3A_1005 = arith.constant 1 : i32
      %add3A_1006 = vector.broadcast %add3A_1005 : i32 to vector<16xi32>
      %add3A_1007 = arith.addi %scan3A_1001, %add3A_1006 : vector<16xi32>
      %scan3A_1008 = arith.constant 1 : i32
      %scan3A_1009 = arith.addi %scan3A_1000, %scan3A_1008 : i32
      %get3A_1010 = arith.index_cast %scan3A_1009 : i32 to index
      %get3A_1011 = arith.constant 0 : index
      %get3A_1012 = tpu.vector_load %arg4[%get3A_1010, %get3A_1011] {strides = array<i32>} : memref<1024x16xf32, #tpu.memory_space<vmem>>, vector<16xf32>,
      %add3A_1013 = arith.addi %mul3A_3, %add3A_1007 : vector<16xi32>
      tpu.vector_store_idx %arg5[%add3A_1013], %get3A_1012 : memref<16384xf32, #tpu.memory_space<vmem>>[vector<16xi32>], vector<16xf32>,
      %add3A_1014 = arith.constant 1 : i32
      %add3A_1015 = vector.broadcast %add3A_1014 : i32 to vector<16xi32>
      %add3A_1016 = arith.addi %add3A_1007, %add3A_1015 : vector<16xi32>
      %scan3A_1017 = arith.constant 2 : i32
      %scan3A_1018 = arith.addi %scan3A_1000, %scan3A_1017 : i32
      %get3A_1019 = arith.index_cast %scan3A_1018 : i32 to index
      %get3A_1020 = arith.constant 0 : index
      %get3A_1021 = tpu.vector_load %arg4[%get3A_1019, %get3A_1020] {strides = array<i32>} : memref<1024x16xf32, #tpu.memory_space<vmem>>, vector<16xf32>,
      %add3A_1022 = arith.addi %mul3A_3, %add3A_1016 : vector<16xi32>
      tpu.vector_store_idx %arg5[%add3A_1022], %get3A_1021 : memref<16384xf32, #tpu.memory_space<vmem>>[vector<16xi32>], vector<16xf32>,
      %add3A_1023 = arith.constant 1 : i32
      %add3A_1024 = vector.broadcast %add3A_1023 : i32 to vector<16xi32>
      %add3A_1025 = arith.addi %add3A_1016, %add3A_1024 : vector<16xi32>
      %scan3A_1026 = arith.constant 3 : i32
      %scan3A_1027 = arith.addi %scan3A_1000, %scan3A_1026 : i32
      %get3A_1028 = arith.index_cast %scan3A_1027 : i32 to index
      %get3A_1029 = arith.constant 0 : index
      %get3A_1030 = tpu.vector_load %arg4[%get3A_1028, %get3A_1029] {strides = array<i32>} : memref<1024x16xf32, #tpu.memory_space<vmem>>, vector<16xf32>,
      %add3A_1031 = arith.addi %mul3A_3, %add3A_1025 : vector<16xi32>
      tpu.vector_store_idx %arg5[%add3A_1031], %get3A_1030 : memref<16384xf32, #tpu.memory_space<vmem>>[vector<16xi32>], vector<16xf32>,
      %add3A_1032 = arith.constant 1 : i32
      %add3A_1033 = vector.broadcast %add3A_1032 : i32 to vector<16xi32>
      %add3A_1034 = arith.addi %add3A_1025, %add3A_1033 : vector<16xi32>
      %scan3A_1035 = arith.constant 4 : i32
      %scan3A_1036 = arith.addi %scan3A_1000, %scan3A_1035 : i32
      %get3A_1037 = arith.index_cast %scan3A_1036 : i32 to index
      %get3A_1038 = arith.constant 0 : index
      %get3A_1039 = tpu.vector_load %arg4[%get3A_1037, %get3A_1038] {strides = array<i32>} : memref<1024x16xf32, #tpu.memory_space<vmem>>, vector<16xf32>,
      %add3A_1040 = arith.addi %mul3A_3, %add3A_1034 : vector<16xi32>
      tpu.vector_store_idx %arg5[%add3A_1040], %get3A_1039 : memref<16384xf32, #tpu.memory_space<vmem>>[vector<16xi32>], vector<16xf32>,
      %add3A_1041 = arith.constant 1 : i32
      %add3A_1042 = vector.broadcast %add3A_1041 : i32 to vector<16xi32>
      %add3A_1043 = arith.addi %add3A_1034, %add3A_1042 : vector<16xi32>
      %scan3A_1044 = arith.constant 5 : i32
      %scan3A_1045 = arith.addi %scan3A_1000, %scan3A_1044 : i32
      %get3A_1046 = arith.index_cast %scan3A_1045 : i32 to index
      %get3A_1047 = arith.constant 0 : index
      %get3A_1048 = tpu.vector_load %arg4[%get3A_1046, %get3A_1047] {strides = array<i32>} : memref<1024x16xf32, #tpu.memory_space<vmem>>, vector<16xf32>,
      %add3A_1049 = arith.addi %mul3A_3, %add3A_1043 : vector<16xi32>
      tpu.vector_store_idx %arg5[%add3A_1049], %get3A_1048 : memref<16384xf32, #tpu.memory_space<vmem>>[vector<16xi32>], vector<16xf32>,
      %add3A_1050 = arith.constant 1 : i32
      %add3A_1051 = vector.broadcast %add3A_1050 : i32 to vector<16xi32>
      %add3A_1052 = arith.addi %add3A_1043, %add3A_1051 : vector<16xi32>
      %scan3A_1053 = arith.constant 6 : i32
      %scan3A_1054 = arith.addi %scan3A_1000, %scan3A_1053 : i32
      %get3A_1055 = arith.index_cast %scan3A_1054 : i32 to index
      %get3A_1056 = arith.constant 0 : index
      %get3A_1057 = tpu.vector_load %arg4[%get3A_1055, %get3A_1056] {strides = array<i32>} : memref<1024x16xf32, #tpu.memory_space<vmem>>, vector<16xf32>,
      %add3A_1058 = arith.addi %mul3A_3, %add3A_1052 : vector<16xi32>
      tpu.vector_store_idx %arg5[%add3A_1058], %get3A_1057 : memref<16384xf32, #tpu.memory_space<vmem>>[vector<16xi32>], vector<16xf32>,
      %add3A_1059 = arith.constant 1 : i32
      %add3A_1060 = vector.broadcast %add3A_1059 : i32 to vector<16xi32>
      %add3A_1061 = arith.addi %add3A_1052, %add3A_1060 : vector<16xi32>
      %scan3A_1062 = arith.constant 7 : i32
      %scan3A_1063 = arith.addi %scan3A_1000, %scan3A_1062 : i32
      %get3A_1064 = arith.index_cast %scan3A_1063 : i32 to index
      %get3A_1065 = arith.constant 0 : index
      %get3A_1066 = tpu.vector_load %arg4[%get3A_1064, %get3A_1065] {strides = array<i32>} : memref<1024x16xf32, #tpu.memory_space<vmem>>, vector<16xf32>,
      %add3A_1067 = arith.addi %mul3A_3, %add3A_1061 : vector<16xi32>
      tpu.vector_store_idx %arg5[%add3A_1067], %get3A_1066 : memref<16384xf32, #tpu.memory_space<vmem>>[vector<16xi32>], vector<16xf32>,
      %add3A_1068 = arith.constant 1 : i32
      %add3A_1069 = vector.broadcast %add3A_1068 : i32 to vector<16xi32>
      %add3A_1070 = arith.addi %add3A_1061, %add3A_1069 : vector<16xi32>
      scf.yield %add3A_1070 : vector<16xi32>
    }
    %scan3A_740 = arith.constant 1024 : i32
    %mul3A_741 = arith.constant 512 : i32
    %mul3A_742 = arith.muli %select_n3A_712, %mul3A_741 : i32
    %mul3A_743 = arith.constant 16 : i32
    %mul3A_744 = arith.muli %select_n3A_728, %mul3A_743 : i32
    %add3A_745 = arith.addi %mul3A_742, %mul3A_744 : i32
    %mul3A_746 = arith.constant 1024 : i32
    %mul3A_747 = arith.muli %add3A_745, %mul3A_746 : i32
    "tpu.region"() ({
      %run_scoped3A = tpu.sem_alloc : memref<!tpu.dma_semaphore, #tpu.memory_space<semaphore_mem>>
      %dma_start3A = tpu.memref_slice %arg3[%mul3A_747] : memref<8388608xf32, #tpu.memory_space<hbm>> -> memref<16384xf32, #tpu.memory_space<hbm>>
      %dma_start3A_1000 = tpu.memref_slice %arg3[%mul3A_747] : memref<8388608xf32, #tpu.memory_space<hbm>> -> memref<16384xf32, #tpu.memory_space<hbm>>
      tpu.enqueue_dma source(%arg5 : memref<16384xf32, #tpu.memory_space<vmem>>) target(%dma_start3A_1000 : memref<16384xf32, #tpu.memory_space<hbm>>) target_semaphore(%run_scoped3A : memref<!tpu.dma_semaphore, #tpu.memory_space<semaphore_mem>>)
      %dma_wait3A = tpu.memref_slice %arg3[%mul3A_747] : memref<8388608xf32, #tpu.memory_space<hbm>> -> memref<16384xf32, #tpu.memory_space<hbm>>
      %dma_wait3A_1001 = tpu.memref_slice %arg3[%mul3A_747] : memref<8388608xf32, #tpu.memory_space<hbm>> -> memref<16384xf32, #tpu.memory_space<hbm>>
      tpu.wait_dma2 semaphore(%run_scoped3A : memref<!tpu.dma_semaphore, #tpu.memory_space<semaphore_mem>>) src(%arg5 : memref<16384xf32, #tpu.memory_space<vmem>>) dst(%dma_wait3A_1001 : memref<16384xf32, #tpu.memory_space<hbm>>)
      tpu.yield
    }) : () -> ()
    %mul3A_748 = arith.constant 16 : i32
    %mul3A_749 = arith.muli %add3A, %mul3A_748 : i32
    %add3A_750 = arith.constant 12 : i32
    %add3A_751 = arith.addi %mul3A_749, %add3A_750 : i32
    %jit3A_752 = arith.constant 32 : i32
    %div3A_753 = arith.divsi %add3A_751, %jit3A_752 : i32
    %sign3A_754 = arith.constant 0 : i32
    %sign3A_755 = arith.cmpi sgt, %add3A_751, %sign3A_754 : i32
    %sign3A_756 = arith.extui %sign3A_755 : i1 to i32
    %sign3A_757 = arith.constant 0 : i32
    %sign3A_758 = arith.cmpi slt, %add3A_751, %sign3A_757 : i32
    %sign3A_759 = arith.extui %sign3A_758 : i1 to i32
    %sign3A_760 = arith.subi %sign3A_756, %sign3A_759 : i32
    %sign3A_761 = arith.constant 0 : i32
    %sign3A_762 = arith.cmpi sgt, %jit3A_752, %sign3A_761 : i32
    %sign3A_763 = arith.extui %sign3A_762 : i1 to i32
    %sign3A_764 = arith.constant 0 : i32
    %sign3A_765 = arith.cmpi slt, %jit3A_752, %sign3A_764 : i32
    %sign3A_766 = arith.extui %sign3A_765 : i1 to i32
    %sign3A_767 = arith.subi %sign3A_763, %sign3A_766 : i32
    %ne3A_768 = arith.cmpi ne, %sign3A_760, %sign3A_767 : i32
    %rem3A_769 = arith.remsi %add3A_751, %jit3A_752 : i32
    %ne3A_770 = arith.constant 0 : i32
    %ne3A_771 = arith.cmpi ne, %rem3A_769, %ne3A_770 : i32
    %and3A_772 = arith.andi %ne3A_768, %ne3A_771 : i1
    %sub3A_773 = arith.constant 1 : i32
    %sub3A_774 = arith.subi %div3A_753, %sub3A_773 : i32
    %select_n3A_775 = arith.select %and3A_772, %sub3A_774, %div3A_753 : i32
    %jit3A_776 = arith.constant 32 : i32
    %eq3A_777 = arith.constant 0 : i32
    %eq3A_778 = arith.cmpi eq, %jit3A_776, %eq3A_777 : i32
    %jit3A_779 = arith.constant 1 : i32
    %select_n3A_780 = arith.select %eq3A_778, %jit3A_779, %jit3A_776 : i32
    %rem3A_781 = arith.remsi %add3A_751, %select_n3A_780 : i32
    %ne3A_782 = arith.constant 0 : i32
    %ne3A_783 = arith.cmpi ne, %rem3A_781, %ne3A_782 : i32
    %lt3A_784 = arith.constant 0 : i32
    %lt3A_785 = arith.cmpi slt, %rem3A_781, %lt3A_784 : i32
    %lt3A_786 = arith.constant 0 : i32
    %lt3A_787 = arith.cmpi slt, %select_n3A_780, %lt3A_786 : i32
    %ne3A_788 = arith.xori %lt3A_785, %lt3A_787 : i1
    %and3A_789 = arith.andi %ne3A_788, %ne3A_783 : i1
    %add3A_790 = arith.addi %rem3A_781, %select_n3A_780 : i32
    %select_n3A_791 = arith.select %and3A_789, %add3A_790, %rem3A_781 : i32
    %mul3A_792 = arith.constant 1024 : i32
    %mul3A_793 = arith.muli %select_n3A_775, %mul3A_792 : i32
    %mul3A_794 = arith.constant 16 : i32
    %mul3A_795 = arith.muli %select_n3A_791, %mul3A_794 : i32
    "tpu.region"() ({
      %run_scoped3A = tpu.sem_alloc : memref<!tpu.dma_semaphore, #tpu.memory_space<semaphore_mem>>
      %dma_start3A = tpu.memref_slice %arg2[%mul3A_793, %mul3A_795] : memref<16384x512xf32, #tpu.memory_space<hbm>> -> memref<1024x16xf32, #tpu.memory_space<hbm>>
      %dma_start3A_1000 = tpu.memref_slice %arg2[%mul3A_793, %mul3A_795] : memref<16384x512xf32, #tpu.memory_space<hbm>> -> memref<1024x16xf32, #tpu.memory_space<hbm>>
      tpu.enqueue_dma source(%dma_start3A_1000 : memref<1024x16xf32, #tpu.memory_space<hbm>>) target(%arg4 : memref<1024x16xf32, #tpu.memory_space<vmem>>) target_semaphore(%run_scoped3A : memref<!tpu.dma_semaphore, #tpu.memory_space<semaphore_mem>>)
      %dma_wait3A = tpu.memref_slice %arg2[%mul3A_793, %mul3A_795] : memref<16384x512xf32, #tpu.memory_space<hbm>> -> memref<1024x16xf32, #tpu.memory_space<hbm>>
      %dma_wait3A_1001 = tpu.memref_slice %arg2[%mul3A_793, %mul3A_795] : memref<16384x512xf32, #tpu.memory_space<hbm>> -> memref<1024x16xf32, #tpu.memory_space<hbm>>
      tpu.wait_dma2 semaphore(%run_scoped3A : memref<!tpu.dma_semaphore, #tpu.memory_space<semaphore_mem>>) src(%dma_wait3A_1001 : memref<1024x16xf32, #tpu.memory_space<hbm>>) dst(%arg4 : memref<1024x16xf32, #tpu.memory_space<vmem>>)
      tpu.yield
    }) : () -> ()
    %broadcast_in_dim3A_796 = arith.constant 0 : i32
    %broadcast_in_dim3A_797 = vector.broadcast %broadcast_in_dim3A_796 : i32 to vector<16xi32>
    %scan3A_798 = arith.constant 0 : i32
    %scan3A_799 = arith.constant 1024 : i32
    %scan3A_800 = arith.addi %scan3A_798, %scan3A_799 : i32
    %scan3A_801 = arith.constant 8 : i32
    %scan3A_802 = scf.for %scan3A_1000 = %scan3A_798 to %scan3A_800 step %scan3A_801 iter_args(%scan3A_1001 = %broadcast_in_dim3A_797) -> (vector<16xi32>)  : i32 {
      %get3A = arith.index_cast %scan3A_1000 : i32 to index
      %get3A_1002 = arith.constant 0 : index
      %get3A_1003 = tpu.vector_load %arg4[%get3A, %get3A_1002] {strides = array<i32>} : memref<1024x16xf32, #tpu.memory_space<vmem>>, vector<16xf32>,
      %add3A_1004 = arith.addi %mul3A_3, %scan3A_1001 : vector<16xi32>
      tpu.vector_store_idx %arg5[%add3A_1004], %get3A_1003 : memref<16384xf32, #tpu.memory_space<vmem>>[vector<16xi32>], vector<16xf32>,
      %add3A_1005 = arith.constant 1 : i32
      %add3A_1006 = vector.broadcast %add3A_1005 : i32 to vector<16xi32>
      %add3A_1007 = arith.addi %scan3A_1001, %add3A_1006 : vector<16xi32>
      %scan3A_1008 = arith.constant 1 : i32
      %scan3A_1009 = arith.addi %scan3A_1000, %scan3A_1008 : i32
      %get3A_1010 = arith.index_cast %scan3A_1009 : i32 to index
      %get3A_1011 = arith.constant 0 : index
      %get3A_1012 = tpu.vector_load %arg4[%get3A_1010, %get3A_1011] {strides = array<i32>} : memref<1024x16xf32, #tpu.memory_space<vmem>>, vector<16xf32>,
      %add3A_1013 = arith.addi %mul3A_3, %add3A_1007 : vector<16xi32>
      tpu.vector_store_idx %arg5[%add3A_1013], %get3A_1012 : memref<16384xf32, #tpu.memory_space<vmem>>[vector<16xi32>], vector<16xf32>,
      %add3A_1014 = arith.constant 1 : i32
      %add3A_1015 = vector.broadcast %add3A_1014 : i32 to vector<16xi32>
      %add3A_1016 = arith.addi %add3A_1007, %add3A_1015 : vector<16xi32>
      %scan3A_1017 = arith.constant 2 : i32
      %scan3A_1018 = arith.addi %scan3A_1000, %scan3A_1017 : i32
      %get3A_1019 = arith.index_cast %scan3A_1018 : i32 to index
      %get3A_1020 = arith.constant 0 : index
      %get3A_1021 = tpu.vector_load %arg4[%get3A_1019, %get3A_1020] {strides = array<i32>} : memref<1024x16xf32, #tpu.memory_space<vmem>>, vector<16xf32>,
      %add3A_1022 = arith.addi %mul3A_3, %add3A_1016 : vector<16xi32>
      tpu.vector_store_idx %arg5[%add3A_1022], %get3A_1021 : memref<16384xf32, #tpu.memory_space<vmem>>[vector<16xi32>], vector<16xf32>,
      %add3A_1023 = arith.constant 1 : i32
      %add3A_1024 = vector.broadcast %add3A_1023 : i32 to vector<16xi32>
      %add3A_1025 = arith.addi %add3A_1016, %add3A_1024 : vector<16xi32>
      %scan3A_1026 = arith.constant 3 : i32
      %scan3A_1027 = arith.addi %scan3A_1000, %scan3A_1026 : i32
      %get3A_1028 = arith.index_cast %scan3A_1027 : i32 to index
      %get3A_1029 = arith.constant 0 : index
      %get3A_1030 = tpu.vector_load %arg4[%get3A_1028, %get3A_1029] {strides = array<i32>} : memref<1024x16xf32, #tpu.memory_space<vmem>>, vector<16xf32>,
      %add3A_1031 = arith.addi %mul3A_3, %add3A_1025 : vector<16xi32>
      tpu.vector_store_idx %arg5[%add3A_1031], %get3A_1030 : memref<16384xf32, #tpu.memory_space<vmem>>[vector<16xi32>], vector<16xf32>,
      %add3A_1032 = arith.constant 1 : i32
      %add3A_1033 = vector.broadcast %add3A_1032 : i32 to vector<16xi32>
      %add3A_1034 = arith.addi %add3A_1025, %add3A_1033 : vector<16xi32>
      %scan3A_1035 = arith.constant 4 : i32
      %scan3A_1036 = arith.addi %scan3A_1000, %scan3A_1035 : i32
      %get3A_1037 = arith.index_cast %scan3A_1036 : i32 to index
      %get3A_1038 = arith.constant 0 : index
      %get3A_1039 = tpu.vector_load %arg4[%get3A_1037, %get3A_1038] {strides = array<i32>} : memref<1024x16xf32, #tpu.memory_space<vmem>>, vector<16xf32>,
      %add3A_1040 = arith.addi %mul3A_3, %add3A_1034 : vector<16xi32>
      tpu.vector_store_idx %arg5[%add3A_1040], %get3A_1039 : memref<16384xf32, #tpu.memory_space<vmem>>[vector<16xi32>], vector<16xf32>,
      %add3A_1041 = arith.constant 1 : i32
      %add3A_1042 = vector.broadcast %add3A_1041 : i32 to vector<16xi32>
      %add3A_1043 = arith.addi %add3A_1034, %add3A_1042 : vector<16xi32>
      %scan3A_1044 = arith.constant 5 : i32
      %scan3A_1045 = arith.addi %scan3A_1000, %scan3A_1044 : i32
      %get3A_1046 = arith.index_cast %scan3A_1045 : i32 to index
      %get3A_1047 = arith.constant 0 : index
      %get3A_1048 = tpu.vector_load %arg4[%get3A_1046, %get3A_1047] {strides = array<i32>} : memref<1024x16xf32, #tpu.memory_space<vmem>>, vector<16xf32>,
      %add3A_1049 = arith.addi %mul3A_3, %add3A_1043 : vector<16xi32>
      tpu.vector_store_idx %arg5[%add3A_1049], %get3A_1048 : memref<16384xf32, #tpu.memory_space<vmem>>[vector<16xi32>], vector<16xf32>,
      %add3A_1050 = arith.constant 1 : i32
      %add3A_1051 = vector.broadcast %add3A_1050 : i32 to vector<16xi32>
      %add3A_1052 = arith.addi %add3A_1043, %add3A_1051 : vector<16xi32>
      %scan3A_1053 = arith.constant 6 : i32
      %scan3A_1054 = arith.addi %scan3A_1000, %scan3A_1053 : i32
      %get3A_1055 = arith.index_cast %scan3A_1054 : i32 to index
      %get3A_1056 = arith.constant 0 : index
      %get3A_1057 = tpu.vector_load %arg4[%get3A_1055, %get3A_1056] {strides = array<i32>} : memref<1024x16xf32, #tpu.memory_space<vmem>>, vector<16xf32>,
      %add3A_1058 = arith.addi %mul3A_3, %add3A_1052 : vector<16xi32>
      tpu.vector_store_idx %arg5[%add3A_1058], %get3A_1057 : memref<16384xf32, #tpu.memory_space<vmem>>[vector<16xi32>], vector<16xf32>,
      %add3A_1059 = arith.constant 1 : i32
      %add3A_1060 = vector.broadcast %add3A_1059 : i32 to vector<16xi32>
      %add3A_1061 = arith.addi %add3A_1052, %add3A_1060 : vector<16xi32>
      %scan3A_1062 = arith.constant 7 : i32
      %scan3A_1063 = arith.addi %scan3A_1000, %scan3A_1062 : i32
      %get3A_1064 = arith.index_cast %scan3A_1063 : i32 to index
      %get3A_1065 = arith.constant 0 : index
      %get3A_1066 = tpu.vector_load %arg4[%get3A_1064, %get3A_1065] {strides = array<i32>} : memref<1024x16xf32, #tpu.memory_space<vmem>>, vector<16xf32>,
      %add3A_1067 = arith.addi %mul3A_3, %add3A_1061 : vector<16xi32>
      tpu.vector_store_idx %arg5[%add3A_1067], %get3A_1066 : memref<16384xf32, #tpu.memory_space<vmem>>[vector<16xi32>], vector<16xf32>,
      %add3A_1068 = arith.constant 1 : i32
      %add3A_1069 = vector.broadcast %add3A_1068 : i32 to vector<16xi32>
      %add3A_1070 = arith.addi %add3A_1061, %add3A_1069 : vector<16xi32>
      scf.yield %add3A_1070 : vector<16xi32>
    }
    %scan3A_803 = arith.constant 1024 : i32
    %mul3A_804 = arith.constant 512 : i32
    %mul3A_805 = arith.muli %select_n3A_775, %mul3A_804 : i32
    %mul3A_806 = arith.constant 16 : i32
    %mul3A_807 = arith.muli %select_n3A_791, %mul3A_806 : i32
    %add3A_808 = arith.addi %mul3A_805, %mul3A_807 : i32
    %mul3A_809 = arith.constant 1024 : i32
    %mul3A_810 = arith.muli %add3A_808, %mul3A_809 : i32
    "tpu.region"() ({
      %run_scoped3A = tpu.sem_alloc : memref<!tpu.dma_semaphore, #tpu.memory_space<semaphore_mem>>
      %dma_start3A = tpu.memref_slice %arg3[%mul3A_810] : memref<8388608xf32, #tpu.memory_space<hbm>> -> memref<16384xf32, #tpu.memory_space<hbm>>
      %dma_start3A_1000 = tpu.memref_slice %arg3[%mul3A_810] : memref<8388608xf32, #tpu.memory_space<hbm>> -> memref<16384xf32, #tpu.memory_space<hbm>>
      tpu.enqueue_dma source(%arg5 : memref<16384xf32, #tpu.memory_space<vmem>>) target(%dma_start3A_1000 : memref<16384xf32, #tpu.memory_space<hbm>>) target_semaphore(%run_scoped3A : memref<!tpu.dma_semaphore, #tpu.memory_space<semaphore_mem>>)
      %dma_wait3A = tpu.memref_slice %arg3[%mul3A_810] : memref<8388608xf32, #tpu.memory_space<hbm>> -> memref<16384xf32, #tpu.memory_space<hbm>>
      %dma_wait3A_1001 = tpu.memref_slice %arg3[%mul3A_810] : memref<8388608xf32, #tpu.memory_space<hbm>> -> memref<16384xf32, #tpu.memory_space<hbm>>
      tpu.wait_dma2 semaphore(%run_scoped3A : memref<!tpu.dma_semaphore, #tpu.memory_space<semaphore_mem>>) src(%arg5 : memref<16384xf32, #tpu.memory_space<vmem>>) dst(%dma_wait3A_1001 : memref<16384xf32, #tpu.memory_space<hbm>>)
      tpu.yield
    }) : () -> ()
    %mul3A_811 = arith.constant 16 : i32
    %mul3A_812 = arith.muli %add3A, %mul3A_811 : i32
    %add3A_813 = arith.constant 13 : i32
    %add3A_814 = arith.addi %mul3A_812, %add3A_813 : i32
    %jit3A_815 = arith.constant 32 : i32
    %div3A_816 = arith.divsi %add3A_814, %jit3A_815 : i32
    %sign3A_817 = arith.constant 0 : i32
    %sign3A_818 = arith.cmpi sgt, %add3A_814, %sign3A_817 : i32
    %sign3A_819 = arith.extui %sign3A_818 : i1 to i32
    %sign3A_820 = arith.constant 0 : i32
    %sign3A_821 = arith.cmpi slt, %add3A_814, %sign3A_820 : i32
    %sign3A_822 = arith.extui %sign3A_821 : i1 to i32
    %sign3A_823 = arith.subi %sign3A_819, %sign3A_822 : i32
    %sign3A_824 = arith.constant 0 : i32
    %sign3A_825 = arith.cmpi sgt, %jit3A_815, %sign3A_824 : i32
    %sign3A_826 = arith.extui %sign3A_825 : i1 to i32
    %sign3A_827 = arith.constant 0 : i32
    %sign3A_828 = arith.cmpi slt, %jit3A_815, %sign3A_827 : i32
    %sign3A_829 = arith.extui %sign3A_828 : i1 to i32
    %sign3A_830 = arith.subi %sign3A_826, %sign3A_829 : i32
    %ne3A_831 = arith.cmpi ne, %sign3A_823, %sign3A_830 : i32
    %rem3A_832 = arith.remsi %add3A_814, %jit3A_815 : i32
    %ne3A_833 = arith.constant 0 : i32
    %ne3A_834 = arith.cmpi ne, %rem3A_832, %ne3A_833 : i32
    %and3A_835 = arith.andi %ne3A_831, %ne3A_834 : i1
    %sub3A_836 = arith.constant 1 : i32
    %sub3A_837 = arith.subi %div3A_816, %sub3A_836 : i32
    %select_n3A_838 = arith.select %and3A_835, %sub3A_837, %div3A_816 : i32
    %jit3A_839 = arith.constant 32 : i32
    %eq3A_840 = arith.constant 0 : i32
    %eq3A_841 = arith.cmpi eq, %jit3A_839, %eq3A_840 : i32
    %jit3A_842 = arith.constant 1 : i32
    %select_n3A_843 = arith.select %eq3A_841, %jit3A_842, %jit3A_839 : i32
    %rem3A_844 = arith.remsi %add3A_814, %select_n3A_843 : i32
    %ne3A_845 = arith.constant 0 : i32
    %ne3A_846 = arith.cmpi ne, %rem3A_844, %ne3A_845 : i32
    %lt3A_847 = arith.constant 0 : i32
    %lt3A_848 = arith.cmpi slt, %rem3A_844, %lt3A_847 : i32
    %lt3A_849 = arith.constant 0 : i32
    %lt3A_850 = arith.cmpi slt, %select_n3A_843, %lt3A_849 : i32
    %ne3A_851 = arith.xori %lt3A_848, %lt3A_850 : i1
    %and3A_852 = arith.andi %ne3A_851, %ne3A_846 : i1
    %add3A_853 = arith.addi %rem3A_844, %select_n3A_843 : i32
    %select_n3A_854 = arith.select %and3A_852, %add3A_853, %rem3A_844 : i32
    %mul3A_855 = arith.constant 1024 : i32
    %mul3A_856 = arith.muli %select_n3A_838, %mul3A_855 : i32
    %mul3A_857 = arith.constant 16 : i32
    %mul3A_858 = arith.muli %select_n3A_854, %mul3A_857 : i32
    "tpu.region"() ({
      %run_scoped3A = tpu.sem_alloc : memref<!tpu.dma_semaphore, #tpu.memory_space<semaphore_mem>>
      %dma_start3A = tpu.memref_slice %arg2[%mul3A_856, %mul3A_858] : memref<16384x512xf32, #tpu.memory_space<hbm>> -> memref<1024x16xf32, #tpu.memory_space<hbm>>
      %dma_start3A_1000 = tpu.memref_slice %arg2[%mul3A_856, %mul3A_858] : memref<16384x512xf32, #tpu.memory_space<hbm>> -> memref<1024x16xf32, #tpu.memory_space<hbm>>
      tpu.enqueue_dma source(%dma_start3A_1000 : memref<1024x16xf32, #tpu.memory_space<hbm>>) target(%arg4 : memref<1024x16xf32, #tpu.memory_space<vmem>>) target_semaphore(%run_scoped3A : memref<!tpu.dma_semaphore, #tpu.memory_space<semaphore_mem>>)
      %dma_wait3A = tpu.memref_slice %arg2[%mul3A_856, %mul3A_858] : memref<16384x512xf32, #tpu.memory_space<hbm>> -> memref<1024x16xf32, #tpu.memory_space<hbm>>
      %dma_wait3A_1001 = tpu.memref_slice %arg2[%mul3A_856, %mul3A_858] : memref<16384x512xf32, #tpu.memory_space<hbm>> -> memref<1024x16xf32, #tpu.memory_space<hbm>>
      tpu.wait_dma2 semaphore(%run_scoped3A : memref<!tpu.dma_semaphore, #tpu.memory_space<semaphore_mem>>) src(%dma_wait3A_1001 : memref<1024x16xf32, #tpu.memory_space<hbm>>) dst(%arg4 : memref<1024x16xf32, #tpu.memory_space<vmem>>)
      tpu.yield
    }) : () -> ()
    %broadcast_in_dim3A_859 = arith.constant 0 : i32
    %broadcast_in_dim3A_860 = vector.broadcast %broadcast_in_dim3A_859 : i32 to vector<16xi32>
    %scan3A_861 = arith.constant 0 : i32
    %scan3A_862 = arith.constant 1024 : i32
    %scan3A_863 = arith.addi %scan3A_861, %scan3A_862 : i32
    %scan3A_864 = arith.constant 8 : i32
    %scan3A_865 = scf.for %scan3A_1000 = %scan3A_861 to %scan3A_863 step %scan3A_864 iter_args(%scan3A_1001 = %broadcast_in_dim3A_860) -> (vector<16xi32>)  : i32 {
      %get3A = arith.index_cast %scan3A_1000 : i32 to index
      %get3A_1002 = arith.constant 0 : index
      %get3A_1003 = tpu.vector_load %arg4[%get3A, %get3A_1002] {strides = array<i32>} : memref<1024x16xf32, #tpu.memory_space<vmem>>, vector<16xf32>,
      %add3A_1004 = arith.addi %mul3A_3, %scan3A_1001 : vector<16xi32>
      tpu.vector_store_idx %arg5[%add3A_1004], %get3A_1003 : memref<16384xf32, #tpu.memory_space<vmem>>[vector<16xi32>], vector<16xf32>,
      %add3A_1005 = arith.constant 1 : i32
      %add3A_1006 = vector.broadcast %add3A_1005 : i32 to vector<16xi32>
      %add3A_1007 = arith.addi %scan3A_1001, %add3A_1006 : vector<16xi32>
      %scan3A_1008 = arith.constant 1 : i32
      %scan3A_1009 = arith.addi %scan3A_1000, %scan3A_1008 : i32
      %get3A_1010 = arith.index_cast %scan3A_1009 : i32 to index
      %get3A_1011 = arith.constant 0 : index
      %get3A_1012 = tpu.vector_load %arg4[%get3A_1010, %get3A_1011] {strides = array<i32>} : memref<1024x16xf32, #tpu.memory_space<vmem>>, vector<16xf32>,
      %add3A_1013 = arith.addi %mul3A_3, %add3A_1007 : vector<16xi32>
      tpu.vector_store_idx %arg5[%add3A_1013], %get3A_1012 : memref<16384xf32, #tpu.memory_space<vmem>>[vector<16xi32>], vector<16xf32>,
      %add3A_1014 = arith.constant 1 : i32
      %add3A_1015 = vector.broadcast %add3A_1014 : i32 to vector<16xi32>
      %add3A_1016 = arith.addi %add3A_1007, %add3A_1015 : vector<16xi32>
      %scan3A_1017 = arith.constant 2 : i32
      %scan3A_1018 = arith.addi %scan3A_1000, %scan3A_1017 : i32
      %get3A_1019 = arith.index_cast %scan3A_1018 : i32 to index
      %get3A_1020 = arith.constant 0 : index
      %get3A_1021 = tpu.vector_load %arg4[%get3A_1019, %get3A_1020] {strides = array<i32>} : memref<1024x16xf32, #tpu.memory_space<vmem>>, vector<16xf32>,
      %add3A_1022 = arith.addi %mul3A_3, %add3A_1016 : vector<16xi32>
      tpu.vector_store_idx %arg5[%add3A_1022], %get3A_1021 : memref<16384xf32, #tpu.memory_space<vmem>>[vector<16xi32>], vector<16xf32>,
      %add3A_1023 = arith.constant 1 : i32
      %add3A_1024 = vector.broadcast %add3A_1023 : i32 to vector<16xi32>
      %add3A_1025 = arith.addi %add3A_1016, %add3A_1024 : vector<16xi32>
      %scan3A_1026 = arith.constant 3 : i32
      %scan3A_1027 = arith.addi %scan3A_1000, %scan3A_1026 : i32
      %get3A_1028 = arith.index_cast %scan3A_1027 : i32 to index
      %get3A_1029 = arith.constant 0 : index
      %get3A_1030 = tpu.vector_load %arg4[%get3A_1028, %get3A_1029] {strides = array<i32>} : memref<1024x16xf32, #tpu.memory_space<vmem>>, vector<16xf32>,
      %add3A_1031 = arith.addi %mul3A_3, %add3A_1025 : vector<16xi32>
      tpu.vector_store_idx %arg5[%add3A_1031], %get3A_1030 : memref<16384xf32, #tpu.memory_space<vmem>>[vector<16xi32>], vector<16xf32>,
      %add3A_1032 = arith.constant 1 : i32
      %add3A_1033 = vector.broadcast %add3A_1032 : i32 to vector<16xi32>
      %add3A_1034 = arith.addi %add3A_1025, %add3A_1033 : vector<16xi32>
      %scan3A_1035 = arith.constant 4 : i32
      %scan3A_1036 = arith.addi %scan3A_1000, %scan3A_1035 : i32
      %get3A_1037 = arith.index_cast %scan3A_1036 : i32 to index
      %get3A_1038 = arith.constant 0 : index
      %get3A_1039 = tpu.vector_load %arg4[%get3A_1037, %get3A_1038] {strides = array<i32>} : memref<1024x16xf32, #tpu.memory_space<vmem>>, vector<16xf32>,
      %add3A_1040 = arith.addi %mul3A_3, %add3A_1034 : vector<16xi32>
      tpu.vector_store_idx %arg5[%add3A_1040], %get3A_1039 : memref<16384xf32, #tpu.memory_space<vmem>>[vector<16xi32>], vector<16xf32>,
      %add3A_1041 = arith.constant 1 : i32
      %add3A_1042 = vector.broadcast %add3A_1041 : i32 to vector<16xi32>
      %add3A_1043 = arith.addi %add3A_1034, %add3A_1042 : vector<16xi32>
      %scan3A_1044 = arith.constant 5 : i32
      %scan3A_1045 = arith.addi %scan3A_1000, %scan3A_1044 : i32
      %get3A_1046 = arith.index_cast %scan3A_1045 : i32 to index
      %get3A_1047 = arith.constant 0 : index
      %get3A_1048 = tpu.vector_load %arg4[%get3A_1046, %get3A_1047] {strides = array<i32>} : memref<1024x16xf32, #tpu.memory_space<vmem>>, vector<16xf32>,
      %add3A_1049 = arith.addi %mul3A_3, %add3A_1043 : vector<16xi32>
      tpu.vector_store_idx %arg5[%add3A_1049], %get3A_1048 : memref<16384xf32, #tpu.memory_space<vmem>>[vector<16xi32>], vector<16xf32>,
      %add3A_1050 = arith.constant 1 : i32
      %add3A_1051 = vector.broadcast %add3A_1050 : i32 to vector<16xi32>
      %add3A_1052 = arith.addi %add3A_1043, %add3A_1051 : vector<16xi32>
      %scan3A_1053 = arith.constant 6 : i32
      %scan3A_1054 = arith.addi %scan3A_1000, %scan3A_1053 : i32
      %get3A_1055 = arith.index_cast %scan3A_1054 : i32 to index
      %get3A_1056 = arith.constant 0 : index
      %get3A_1057 = tpu.vector_load %arg4[%get3A_1055, %get3A_1056] {strides = array<i32>} : memref<1024x16xf32, #tpu.memory_space<vmem>>, vector<16xf32>,
      %add3A_1058 = arith.addi %mul3A_3, %add3A_1052 : vector<16xi32>
      tpu.vector_store_idx %arg5[%add3A_1058], %get3A_1057 : memref<16384xf32, #tpu.memory_space<vmem>>[vector<16xi32>], vector<16xf32>,
      %add3A_1059 = arith.constant 1 : i32
      %add3A_1060 = vector.broadcast %add3A_1059 : i32 to vector<16xi32>
      %add3A_1061 = arith.addi %add3A_1052, %add3A_1060 : vector<16xi32>
      %scan3A_1062 = arith.constant 7 : i32
      %scan3A_1063 = arith.addi %scan3A_1000, %scan3A_1062 : i32
      %get3A_1064 = arith.index_cast %scan3A_1063 : i32 to index
      %get3A_1065 = arith.constant 0 : index
      %get3A_1066 = tpu.vector_load %arg4[%get3A_1064, %get3A_1065] {strides = array<i32>} : memref<1024x16xf32, #tpu.memory_space<vmem>>, vector<16xf32>,
      %add3A_1067 = arith.addi %mul3A_3, %add3A_1061 : vector<16xi32>
      tpu.vector_store_idx %arg5[%add3A_1067], %get3A_1066 : memref<16384xf32, #tpu.memory_space<vmem>>[vector<16xi32>], vector<16xf32>,
      %add3A_1068 = arith.constant 1 : i32
      %add3A_1069 = vector.broadcast %add3A_1068 : i32 to vector<16xi32>
      %add3A_1070 = arith.addi %add3A_1061, %add3A_1069 : vector<16xi32>
      scf.yield %add3A_1070 : vector<16xi32>
    }
    %scan3A_866 = arith.constant 1024 : i32
    %mul3A_867 = arith.constant 512 : i32
    %mul3A_868 = arith.muli %select_n3A_838, %mul3A_867 : i32
    %mul3A_869 = arith.constant 16 : i32
    %mul3A_870 = arith.muli %select_n3A_854, %mul3A_869 : i32
    %add3A_871 = arith.addi %mul3A_868, %mul3A_870 : i32
    %mul3A_872 = arith.constant 1024 : i32
    %mul3A_873 = arith.muli %add3A_871, %mul3A_872 : i32
    "tpu.region"() ({
      %run_scoped3A = tpu.sem_alloc : memref<!tpu.dma_semaphore, #tpu.memory_space<semaphore_mem>>
      %dma_start3A = tpu.memref_slice %arg3[%mul3A_873] : memref<8388608xf32, #tpu.memory_space<hbm>> -> memref<16384xf32, #tpu.memory_space<hbm>>
      %dma_start3A_1000 = tpu.memref_slice %arg3[%mul3A_873] : memref<8388608xf32, #tpu.memory_space<hbm>> -> memref<16384xf32, #tpu.memory_space<hbm>>
      tpu.enqueue_dma source(%arg5 : memref<16384xf32, #tpu.memory_space<vmem>>) target(%dma_start3A_1000 : memref<16384xf32, #tpu.memory_space<hbm>>) target_semaphore(%run_scoped3A : memref<!tpu.dma_semaphore, #tpu.memory_space<semaphore_mem>>)
      %dma_wait3A = tpu.memref_slice %arg3[%mul3A_873] : memref<8388608xf32, #tpu.memory_space<hbm>> -> memref<16384xf32, #tpu.memory_space<hbm>>
      %dma_wait3A_1001 = tpu.memref_slice %arg3[%mul3A_873] : memref<8388608xf32, #tpu.memory_space<hbm>> -> memref<16384xf32, #tpu.memory_space<hbm>>
      tpu.wait_dma2 semaphore(%run_scoped3A : memref<!tpu.dma_semaphore, #tpu.memory_space<semaphore_mem>>) src(%arg5 : memref<16384xf32, #tpu.memory_space<vmem>>) dst(%dma_wait3A_1001 : memref<16384xf32, #tpu.memory_space<hbm>>)
      tpu.yield
    }) : () -> ()
    %mul3A_874 = arith.constant 16 : i32
    %mul3A_875 = arith.muli %add3A, %mul3A_874 : i32
    %add3A_876 = arith.constant 14 : i32
    %add3A_877 = arith.addi %mul3A_875, %add3A_876 : i32
    %jit3A_878 = arith.constant 32 : i32
    %div3A_879 = arith.divsi %add3A_877, %jit3A_878 : i32
    %sign3A_880 = arith.constant 0 : i32
    %sign3A_881 = arith.cmpi sgt, %add3A_877, %sign3A_880 : i32
    %sign3A_882 = arith.extui %sign3A_881 : i1 to i32
    %sign3A_883 = arith.constant 0 : i32
    %sign3A_884 = arith.cmpi slt, %add3A_877, %sign3A_883 : i32
    %sign3A_885 = arith.extui %sign3A_884 : i1 to i32
    %sign3A_886 = arith.subi %sign3A_882, %sign3A_885 : i32
    %sign3A_887 = arith.constant 0 : i32
    %sign3A_888 = arith.cmpi sgt, %jit3A_878, %sign3A_887 : i32
    %sign3A_889 = arith.extui %sign3A_888 : i1 to i32
    %sign3A_890 = arith.constant 0 : i32
    %sign3A_891 = arith.cmpi slt, %jit3A_878, %sign3A_890 : i32
    %sign3A_892 = arith.extui %sign3A_891 : i1 to i32
    %sign3A_893 = arith.subi %sign3A_889, %sign3A_892 : i32
    %ne3A_894 = arith.cmpi ne, %sign3A_886, %sign3A_893 : i32
    %rem3A_895 = arith.remsi %add3A_877, %jit3A_878 : i32
    %ne3A_896 = arith.constant 0 : i32
    %ne3A_897 = arith.cmpi ne, %rem3A_895, %ne3A_896 : i32
    %and3A_898 = arith.andi %ne3A_894, %ne3A_897 : i1
    %sub3A_899 = arith.constant 1 : i32
    %sub3A_900 = arith.subi %div3A_879, %sub3A_899 : i32
    %select_n3A_901 = arith.select %and3A_898, %sub3A_900, %div3A_879 : i32
    %jit3A_902 = arith.constant 32 : i32
    %eq3A_903 = arith.constant 0 : i32
    %eq3A_904 = arith.cmpi eq, %jit3A_902, %eq3A_903 : i32
    %jit3A_905 = arith.constant 1 : i32
    %select_n3A_906 = arith.select %eq3A_904, %jit3A_905, %jit3A_902 : i32
    %rem3A_907 = arith.remsi %add3A_877, %select_n3A_906 : i32
    %ne3A_908 = arith.constant 0 : i32
    %ne3A_909 = arith.cmpi ne, %rem3A_907, %ne3A_908 : i32
    %lt3A_910 = arith.constant 0 : i32
    %lt3A_911 = arith.cmpi slt, %rem3A_907, %lt3A_910 : i32
    %lt3A_912 = arith.constant 0 : i32
    %lt3A_913 = arith.cmpi slt, %select_n3A_906, %lt3A_912 : i32
    %ne3A_914 = arith.xori %lt3A_911, %lt3A_913 : i1
    %and3A_915 = arith.andi %ne3A_914, %ne3A_909 : i1
    %add3A_916 = arith.addi %rem3A_907, %select_n3A_906 : i32
    %select_n3A_917 = arith.select %and3A_915, %add3A_916, %rem3A_907 : i32
    %mul3A_918 = arith.constant 1024 : i32
    %mul3A_919 = arith.muli %select_n3A_901, %mul3A_918 : i32
    %mul3A_920 = arith.constant 16 : i32
    %mul3A_921 = arith.muli %select_n3A_917, %mul3A_920 : i32
    "tpu.region"() ({
      %run_scoped3A = tpu.sem_alloc : memref<!tpu.dma_semaphore, #tpu.memory_space<semaphore_mem>>
      %dma_start3A = tpu.memref_slice %arg2[%mul3A_919, %mul3A_921] : memref<16384x512xf32, #tpu.memory_space<hbm>> -> memref<1024x16xf32, #tpu.memory_space<hbm>>
      %dma_start3A_1000 = tpu.memref_slice %arg2[%mul3A_919, %mul3A_921] : memref<16384x512xf32, #tpu.memory_space<hbm>> -> memref<1024x16xf32, #tpu.memory_space<hbm>>
      tpu.enqueue_dma source(%dma_start3A_1000 : memref<1024x16xf32, #tpu.memory_space<hbm>>) target(%arg4 : memref<1024x16xf32, #tpu.memory_space<vmem>>) target_semaphore(%run_scoped3A : memref<!tpu.dma_semaphore, #tpu.memory_space<semaphore_mem>>)
      %dma_wait3A = tpu.memref_slice %arg2[%mul3A_919, %mul3A_921] : memref<16384x512xf32, #tpu.memory_space<hbm>> -> memref<1024x16xf32, #tpu.memory_space<hbm>>
      %dma_wait3A_1001 = tpu.memref_slice %arg2[%mul3A_919, %mul3A_921] : memref<16384x512xf32, #tpu.memory_space<hbm>> -> memref<1024x16xf32, #tpu.memory_space<hbm>>
      tpu.wait_dma2 semaphore(%run_scoped3A : memref<!tpu.dma_semaphore, #tpu.memory_space<semaphore_mem>>) src(%dma_wait3A_1001 : memref<1024x16xf32, #tpu.memory_space<hbm>>) dst(%arg4 : memref<1024x16xf32, #tpu.memory_space<vmem>>)
      tpu.yield
    }) : () -> ()
    %broadcast_in_dim3A_922 = arith.constant 0 : i32
    %broadcast_in_dim3A_923 = vector.broadcast %broadcast_in_dim3A_922 : i32 to vector<16xi32>
    %scan3A_924 = arith.constant 0 : i32
    %scan3A_925 = arith.constant 1024 : i32
    %scan3A_926 = arith.addi %scan3A_924, %scan3A_925 : i32
    %scan3A_927 = arith.constant 8 : i32
    %scan3A_928 = scf.for %scan3A_1000 = %scan3A_924 to %scan3A_926 step %scan3A_927 iter_args(%scan3A_1001 = %broadcast_in_dim3A_923) -> (vector<16xi32>)  : i32 {
      %get3A = arith.index_cast %scan3A_1000 : i32 to index
      %get3A_1002 = arith.constant 0 : index
      %get3A_1003 = tpu.vector_load %arg4[%get3A, %get3A_1002] {strides = array<i32>} : memref<1024x16xf32, #tpu.memory_space<vmem>>, vector<16xf32>,
      %add3A_1004 = arith.addi %mul3A_3, %scan3A_1001 : vector<16xi32>
      tpu.vector_store_idx %arg5[%add3A_1004], %get3A_1003 : memref<16384xf32, #tpu.memory_space<vmem>>[vector<16xi32>], vector<16xf32>,
      %add3A_1005 = arith.constant 1 : i32
      %add3A_1006 = vector.broadcast %add3A_1005 : i32 to vector<16xi32>
      %add3A_1007 = arith.addi %scan3A_1001, %add3A_1006 : vector<16xi32>
      %scan3A_1008 = arith.constant 1 : i32
      %scan3A_1009 = arith.addi %scan3A_1000, %scan3A_1008 : i32
      %get3A_1010 = arith.index_cast %scan3A_1009 : i32 to index
      %get3A_1011 = arith.constant 0 : index
      %get3A_1012 = tpu.vector_load %arg4[%get3A_1010, %get3A_1011] {strides = array<i32>} : memref<1024x16xf32, #tpu.memory_space<vmem>>, vector<16xf32>,
      %add3A_1013 = arith.addi %mul3A_3, %add3A_1007 : vector<16xi32>
      tpu.vector_store_idx %arg5[%add3A_1013], %get3A_1012 : memref<16384xf32, #tpu.memory_space<vmem>>[vector<16xi32>], vector<16xf32>,
      %add3A_1014 = arith.constant 1 : i32
      %add3A_1015 = vector.broadcast %add3A_1014 : i32 to vector<16xi32>
      %add3A_1016 = arith.addi %add3A_1007, %add3A_1015 : vector<16xi32>
      %scan3A_1017 = arith.constant 2 : i32
      %scan3A_1018 = arith.addi %scan3A_1000, %scan3A_1017 : i32
      %get3A_1019 = arith.index_cast %scan3A_1018 : i32 to index
      %get3A_1020 = arith.constant 0 : index
      %get3A_1021 = tpu.vector_load %arg4[%get3A_1019, %get3A_1020] {strides = array<i32>} : memref<1024x16xf32, #tpu.memory_space<vmem>>, vector<16xf32>,
      %add3A_1022 = arith.addi %mul3A_3, %add3A_1016 : vector<16xi32>
      tpu.vector_store_idx %arg5[%add3A_1022], %get3A_1021 : memref<16384xf32, #tpu.memory_space<vmem>>[vector<16xi32>], vector<16xf32>,
      %add3A_1023 = arith.constant 1 : i32
      %add3A_1024 = vector.broadcast %add3A_1023 : i32 to vector<16xi32>
      %add3A_1025 = arith.addi %add3A_1016, %add3A_1024 : vector<16xi32>
      %scan3A_1026 = arith.constant 3 : i32
      %scan3A_1027 = arith.addi %scan3A_1000, %scan3A_1026 : i32
      %get3A_1028 = arith.index_cast %scan3A_1027 : i32 to index
      %get3A_1029 = arith.constant 0 : index
      %get3A_1030 = tpu.vector_load %arg4[%get3A_1028, %get3A_1029] {strides = array<i32>} : memref<1024x16xf32, #tpu.memory_space<vmem>>, vector<16xf32>,
      %add3A_1031 = arith.addi %mul3A_3, %add3A_1025 : vector<16xi32>
      tpu.vector_store_idx %arg5[%add3A_1031], %get3A_1030 : memref<16384xf32, #tpu.memory_space<vmem>>[vector<16xi32>], vector<16xf32>,
      %add3A_1032 = arith.constant 1 : i32
      %add3A_1033 = vector.broadcast %add3A_1032 : i32 to vector<16xi32>
      %add3A_1034 = arith.addi %add3A_1025, %add3A_1033 : vector<16xi32>
      %scan3A_1035 = arith.constant 4 : i32
      %scan3A_1036 = arith.addi %scan3A_1000, %scan3A_1035 : i32
      %get3A_1037 = arith.index_cast %scan3A_1036 : i32 to index
      %get3A_1038 = arith.constant 0 : index
      %get3A_1039 = tpu.vector_load %arg4[%get3A_1037, %get3A_1038] {strides = array<i32>} : memref<1024x16xf32, #tpu.memory_space<vmem>>, vector<16xf32>,
      %add3A_1040 = arith.addi %mul3A_3, %add3A_1034 : vector<16xi32>
      tpu.vector_store_idx %arg5[%add3A_1040], %get3A_1039 : memref<16384xf32, #tpu.memory_space<vmem>>[vector<16xi32>], vector<16xf32>,
      %add3A_1041 = arith.constant 1 : i32
      %add3A_1042 = vector.broadcast %add3A_1041 : i32 to vector<16xi32>
      %add3A_1043 = arith.addi %add3A_1034, %add3A_1042 : vector<16xi32>
      %scan3A_1044 = arith.constant 5 : i32
      %scan3A_1045 = arith.addi %scan3A_1000, %scan3A_1044 : i32
      %get3A_1046 = arith.index_cast %scan3A_1045 : i32 to index
      %get3A_1047 = arith.constant 0 : index
      %get3A_1048 = tpu.vector_load %arg4[%get3A_1046, %get3A_1047] {strides = array<i32>} : memref<1024x16xf32, #tpu.memory_space<vmem>>, vector<16xf32>,
      %add3A_1049 = arith.addi %mul3A_3, %add3A_1043 : vector<16xi32>
      tpu.vector_store_idx %arg5[%add3A_1049], %get3A_1048 : memref<16384xf32, #tpu.memory_space<vmem>>[vector<16xi32>], vector<16xf32>,
      %add3A_1050 = arith.constant 1 : i32
      %add3A_1051 = vector.broadcast %add3A_1050 : i32 to vector<16xi32>
      %add3A_1052 = arith.addi %add3A_1043, %add3A_1051 : vector<16xi32>
      %scan3A_1053 = arith.constant 6 : i32
      %scan3A_1054 = arith.addi %scan3A_1000, %scan3A_1053 : i32
      %get3A_1055 = arith.index_cast %scan3A_1054 : i32 to index
      %get3A_1056 = arith.constant 0 : index
      %get3A_1057 = tpu.vector_load %arg4[%get3A_1055, %get3A_1056] {strides = array<i32>} : memref<1024x16xf32, #tpu.memory_space<vmem>>, vector<16xf32>,
      %add3A_1058 = arith.addi %mul3A_3, %add3A_1052 : vector<16xi32>
      tpu.vector_store_idx %arg5[%add3A_1058], %get3A_1057 : memref<16384xf32, #tpu.memory_space<vmem>>[vector<16xi32>], vector<16xf32>,
      %add3A_1059 = arith.constant 1 : i32
      %add3A_1060 = vector.broadcast %add3A_1059 : i32 to vector<16xi32>
      %add3A_1061 = arith.addi %add3A_1052, %add3A_1060 : vector<16xi32>
      %scan3A_1062 = arith.constant 7 : i32
      %scan3A_1063 = arith.addi %scan3A_1000, %scan3A_1062 : i32
      %get3A_1064 = arith.index_cast %scan3A_1063 : i32 to index
      %get3A_1065 = arith.constant 0 : index
      %get3A_1066 = tpu.vector_load %arg4[%get3A_1064, %get3A_1065] {strides = array<i32>} : memref<1024x16xf32, #tpu.memory_space<vmem>>, vector<16xf32>,
      %add3A_1067 = arith.addi %mul3A_3, %add3A_1061 : vector<16xi32>
      tpu.vector_store_idx %arg5[%add3A_1067], %get3A_1066 : memref<16384xf32, #tpu.memory_space<vmem>>[vector<16xi32>], vector<16xf32>,
      %add3A_1068 = arith.constant 1 : i32
      %add3A_1069 = vector.broadcast %add3A_1068 : i32 to vector<16xi32>
      %add3A_1070 = arith.addi %add3A_1061, %add3A_1069 : vector<16xi32>
      scf.yield %add3A_1070 : vector<16xi32>
    }
    %scan3A_929 = arith.constant 1024 : i32
    %mul3A_930 = arith.constant 512 : i32
    %mul3A_931 = arith.muli %select_n3A_901, %mul3A_930 : i32
    %mul3A_932 = arith.constant 16 : i32
    %mul3A_933 = arith.muli %select_n3A_917, %mul3A_932 : i32
    %add3A_934 = arith.addi %mul3A_931, %mul3A_933 : i32
    %mul3A_935 = arith.constant 1024 : i32
    %mul3A_936 = arith.muli %add3A_934, %mul3A_935 : i32
    "tpu.region"() ({
      %run_scoped3A = tpu.sem_alloc : memref<!tpu.dma_semaphore, #tpu.memory_space<semaphore_mem>>
      %dma_start3A = tpu.memref_slice %arg3[%mul3A_936] : memref<8388608xf32, #tpu.memory_space<hbm>> -> memref<16384xf32, #tpu.memory_space<hbm>>
      %dma_start3A_1000 = tpu.memref_slice %arg3[%mul3A_936] : memref<8388608xf32, #tpu.memory_space<hbm>> -> memref<16384xf32, #tpu.memory_space<hbm>>
      tpu.enqueue_dma source(%arg5 : memref<16384xf32, #tpu.memory_space<vmem>>) target(%dma_start3A_1000 : memref<16384xf32, #tpu.memory_space<hbm>>) target_semaphore(%run_scoped3A : memref<!tpu.dma_semaphore, #tpu.memory_space<semaphore_mem>>)
      %dma_wait3A = tpu.memref_slice %arg3[%mul3A_936] : memref<8388608xf32, #tpu.memory_space<hbm>> -> memref<16384xf32, #tpu.memory_space<hbm>>
      %dma_wait3A_1001 = tpu.memref_slice %arg3[%mul3A_936] : memref<8388608xf32, #tpu.memory_space<hbm>> -> memref<16384xf32, #tpu.memory_space<hbm>>
      tpu.wait_dma2 semaphore(%run_scoped3A : memref<!tpu.dma_semaphore, #tpu.memory_space<semaphore_mem>>) src(%arg5 : memref<16384xf32, #tpu.memory_space<vmem>>) dst(%dma_wait3A_1001 : memref<16384xf32, #tpu.memory_space<hbm>>)
      tpu.yield
    }) : () -> ()
    %mul3A_937 = arith.constant 16 : i32
    %mul3A_938 = arith.muli %add3A, %mul3A_937 : i32
    %add3A_939 = arith.constant 15 : i32
    %add3A_940 = arith.addi %mul3A_938, %add3A_939 : i32
    %jit3A_941 = arith.constant 32 : i32
    %div3A_942 = arith.divsi %add3A_940, %jit3A_941 : i32
    %sign3A_943 = arith.constant 0 : i32
    %sign3A_944 = arith.cmpi sgt, %add3A_940, %sign3A_943 : i32
    %sign3A_945 = arith.extui %sign3A_944 : i1 to i32
    %sign3A_946 = arith.constant 0 : i32
    %sign3A_947 = arith.cmpi slt, %add3A_940, %sign3A_946 : i32
    %sign3A_948 = arith.extui %sign3A_947 : i1 to i32
    %sign3A_949 = arith.subi %sign3A_945, %sign3A_948 : i32
    %sign3A_950 = arith.constant 0 : i32
    %sign3A_951 = arith.cmpi sgt, %jit3A_941, %sign3A_950 : i32
    %sign3A_952 = arith.extui %sign3A_951 : i1 to i32
    %sign3A_953 = arith.constant 0 : i32
    %sign3A_954 = arith.cmpi slt, %jit3A_941, %sign3A_953 : i32
    %sign3A_955 = arith.extui %sign3A_954 : i1 to i32
    %sign3A_956 = arith.subi %sign3A_952, %sign3A_955 : i32
    %ne3A_957 = arith.cmpi ne, %sign3A_949, %sign3A_956 : i32
    %rem3A_958 = arith.remsi %add3A_940, %jit3A_941 : i32
    %ne3A_959 = arith.constant 0 : i32
    %ne3A_960 = arith.cmpi ne, %rem3A_958, %ne3A_959 : i32
    %and3A_961 = arith.andi %ne3A_957, %ne3A_960 : i1
    %sub3A_962 = arith.constant 1 : i32
    %sub3A_963 = arith.subi %div3A_942, %sub3A_962 : i32
    %select_n3A_964 = arith.select %and3A_961, %sub3A_963, %div3A_942 : i32
    %jit3A_965 = arith.constant 32 : i32
    %eq3A_966 = arith.constant 0 : i32
    %eq3A_967 = arith.cmpi eq, %jit3A_965, %eq3A_966 : i32
    %jit3A_968 = arith.constant 1 : i32
    %select_n3A_969 = arith.select %eq3A_967, %jit3A_968, %jit3A_965 : i32
    %rem3A_970 = arith.remsi %add3A_940, %select_n3A_969 : i32
    %ne3A_971 = arith.constant 0 : i32
    %ne3A_972 = arith.cmpi ne, %rem3A_970, %ne3A_971 : i32
    %lt3A_973 = arith.constant 0 : i32
    %lt3A_974 = arith.cmpi slt, %rem3A_970, %lt3A_973 : i32
    %lt3A_975 = arith.constant 0 : i32
    %lt3A_976 = arith.cmpi slt, %select_n3A_969, %lt3A_975 : i32
    %ne3A_977 = arith.xori %lt3A_974, %lt3A_976 : i1
    %and3A_978 = arith.andi %ne3A_977, %ne3A_972 : i1
    %add3A_979 = arith.addi %rem3A_970, %select_n3A_969 : i32
    %select_n3A_980 = arith.select %and3A_978, %add3A_979, %rem3A_970 : i32
    %mul3A_981 = arith.constant 1024 : i32
    %mul3A_982 = arith.muli %select_n3A_964, %mul3A_981 : i32
    %mul3A_983 = arith.constant 16 : i32
    %mul3A_984 = arith.muli %select_n3A_980, %mul3A_983 : i32
    "tpu.region"() ({
      %run_scoped3A = tpu.sem_alloc : memref<!tpu.dma_semaphore, #tpu.memory_space<semaphore_mem>>
      %dma_start3A = tpu.memref_slice %arg2[%mul3A_982, %mul3A_984] : memref<16384x512xf32, #tpu.memory_space<hbm>> -> memref<1024x16xf32, #tpu.memory_space<hbm>>
      %dma_start3A_1000 = tpu.memref_slice %arg2[%mul3A_982, %mul3A_984] : memref<16384x512xf32, #tpu.memory_space<hbm>> -> memref<1024x16xf32, #tpu.memory_space<hbm>>
      tpu.enqueue_dma source(%dma_start3A_1000 : memref<1024x16xf32, #tpu.memory_space<hbm>>) target(%arg4 : memref<1024x16xf32, #tpu.memory_space<vmem>>) target_semaphore(%run_scoped3A : memref<!tpu.dma_semaphore, #tpu.memory_space<semaphore_mem>>)
      %dma_wait3A = tpu.memref_slice %arg2[%mul3A_982, %mul3A_984] : memref<16384x512xf32, #tpu.memory_space<hbm>> -> memref<1024x16xf32, #tpu.memory_space<hbm>>
      %dma_wait3A_1001 = tpu.memref_slice %arg2[%mul3A_982, %mul3A_984] : memref<16384x512xf32, #tpu.memory_space<hbm>> -> memref<1024x16xf32, #tpu.memory_space<hbm>>
      tpu.wait_dma2 semaphore(%run_scoped3A : memref<!tpu.dma_semaphore, #tpu.memory_space<semaphore_mem>>) src(%dma_wait3A_1001 : memref<1024x16xf32, #tpu.memory_space<hbm>>) dst(%arg4 : memref<1024x16xf32, #tpu.memory_space<vmem>>)
      tpu.yield
    }) : () -> ()
    %broadcast_in_dim3A_985 = arith.constant 0 : i32
    %broadcast_in_dim3A_986 = vector.broadcast %broadcast_in_dim3A_985 : i32 to vector<16xi32>
    %scan3A_987 = arith.constant 0 : i32
    %scan3A_988 = arith.constant 1024 : i32
    %scan3A_989 = arith.addi %scan3A_987, %scan3A_988 : i32
    %scan3A_990 = arith.constant 8 : i32
    %scan3A_991 = scf.for %scan3A_1000 = %scan3A_987 to %scan3A_989 step %scan3A_990 iter_args(%scan3A_1001 = %broadcast_in_dim3A_986) -> (vector<16xi32>)  : i32 {
      %get3A = arith.index_cast %scan3A_1000 : i32 to index
      %get3A_1002 = arith.constant 0 : index
      %get3A_1003 = tpu.vector_load %arg4[%get3A, %get3A_1002] {strides = array<i32>} : memref<1024x16xf32, #tpu.memory_space<vmem>>, vector<16xf32>,
      %add3A_1004 = arith.addi %mul3A_3, %scan3A_1001 : vector<16xi32>
      tpu.vector_store_idx %arg5[%add3A_1004], %get3A_1003 : memref<16384xf32, #tpu.memory_space<vmem>>[vector<16xi32>], vector<16xf32>,
      %add3A_1005 = arith.constant 1 : i32
      %add3A_1006 = vector.broadcast %add3A_1005 : i32 to vector<16xi32>
      %add3A_1007 = arith.addi %scan3A_1001, %add3A_1006 : vector<16xi32>
      %scan3A_1008 = arith.constant 1 : i32
      %scan3A_1009 = arith.addi %scan3A_1000, %scan3A_1008 : i32
      %get3A_1010 = arith.index_cast %scan3A_1009 : i32 to index
      %get3A_1011 = arith.constant 0 : index
      %get3A_1012 = tpu.vector_load %arg4[%get3A_1010, %get3A_1011] {strides = array<i32>} : memref<1024x16xf32, #tpu.memory_space<vmem>>, vector<16xf32>,
      %add3A_1013 = arith.addi %mul3A_3, %add3A_1007 : vector<16xi32>
      tpu.vector_store_idx %arg5[%add3A_1013], %get3A_1012 : memref<16384xf32, #tpu.memory_space<vmem>>[vector<16xi32>], vector<16xf32>,
      %add3A_1014 = arith.constant 1 : i32
      %add3A_1015 = vector.broadcast %add3A_1014 : i32 to vector<16xi32>
      %add3A_1016 = arith.addi %add3A_1007, %add3A_1015 : vector<16xi32>
      %scan3A_1017 = arith.constant 2 : i32
      %scan3A_1018 = arith.addi %scan3A_1000, %scan3A_1017 : i32
      %get3A_1019 = arith.index_cast %scan3A_1018 : i32 to index
      %get3A_1020 = arith.constant 0 : index
      %get3A_1021 = tpu.vector_load %arg4[%get3A_1019, %get3A_1020] {strides = array<i32>} : memref<1024x16xf32, #tpu.memory_space<vmem>>, vector<16xf32>,
      %add3A_1022 = arith.addi %mul3A_3, %add3A_1016 : vector<16xi32>
      tpu.vector_store_idx %arg5[%add3A_1022], %get3A_1021 : memref<16384xf32, #tpu.memory_space<vmem>>[vector<16xi32>], vector<16xf32>,
      %add3A_1023 = arith.constant 1 : i32
      %add3A_1024 = vector.broadcast %add3A_1023 : i32 to vector<16xi32>
      %add3A_1025 = arith.addi %add3A_1016, %add3A_1024 : vector<16xi32>
      %scan3A_1026 = arith.constant 3 : i32
      %scan3A_1027 = arith.addi %scan3A_1000, %scan3A_1026 : i32
      %get3A_1028 = arith.index_cast %scan3A_1027 : i32 to index
      %get3A_1029 = arith.constant 0 : index
      %get3A_1030 = tpu.vector_load %arg4[%get3A_1028, %get3A_1029] {strides = array<i32>} : memref<1024x16xf32, #tpu.memory_space<vmem>>, vector<16xf32>,
      %add3A_1031 = arith.addi %mul3A_3, %add3A_1025 : vector<16xi32>
      tpu.vector_store_idx %arg5[%add3A_1031], %get3A_1030 : memref<16384xf32, #tpu.memory_space<vmem>>[vector<16xi32>], vector<16xf32>,
      %add3A_1032 = arith.constant 1 : i32
      %add3A_1033 = vector.broadcast %add3A_1032 : i32 to vector<16xi32>
      %add3A_1034 = arith.addi %add3A_1025, %add3A_1033 : vector<16xi32>
      %scan3A_1035 = arith.constant 4 : i32
      %scan3A_1036 = arith.addi %scan3A_1000, %scan3A_1035 : i32
      %get3A_1037 = arith.index_cast %scan3A_1036 : i32 to index
      %get3A_1038 = arith.constant 0 : index
      %get3A_1039 = tpu.vector_load %arg4[%get3A_1037, %get3A_1038] {strides = array<i32>} : memref<1024x16xf32, #tpu.memory_space<vmem>>, vector<16xf32>,
      %add3A_1040 = arith.addi %mul3A_3, %add3A_1034 : vector<16xi32>
      tpu.vector_store_idx %arg5[%add3A_1040], %get3A_1039 : memref<16384xf32, #tpu.memory_space<vmem>>[vector<16xi32>], vector<16xf32>,
      %add3A_1041 = arith.constant 1 : i32
      %add3A_1042 = vector.broadcast %add3A_1041 : i32 to vector<16xi32>
      %add3A_1043 = arith.addi %add3A_1034, %add3A_1042 : vector<16xi32>
      %scan3A_1044 = arith.constant 5 : i32
      %scan3A_1045 = arith.addi %scan3A_1000, %scan3A_1044 : i32
      %get3A_1046 = arith.index_cast %scan3A_1045 : i32 to index
      %get3A_1047 = arith.constant 0 : index
      %get3A_1048 = tpu.vector_load %arg4[%get3A_1046, %get3A_1047] {strides = array<i32>} : memref<1024x16xf32, #tpu.memory_space<vmem>>, vector<16xf32>,
      %add3A_1049 = arith.addi %mul3A_3, %add3A_1043 : vector<16xi32>
      tpu.vector_store_idx %arg5[%add3A_1049], %get3A_1048 : memref<16384xf32, #tpu.memory_space<vmem>>[vector<16xi32>], vector<16xf32>,
      %add3A_1050 = arith.constant 1 : i32
      %add3A_1051 = vector.broadcast %add3A_1050 : i32 to vector<16xi32>
      %add3A_1052 = arith.addi %add3A_1043, %add3A_1051 : vector<16xi32>
      %scan3A_1053 = arith.constant 6 : i32
      %scan3A_1054 = arith.addi %scan3A_1000, %scan3A_1053 : i32
      %get3A_1055 = arith.index_cast %scan3A_1054 : i32 to index
      %get3A_1056 = arith.constant 0 : index
      %get3A_1057 = tpu.vector_load %arg4[%get3A_1055, %get3A_1056] {strides = array<i32>} : memref<1024x16xf32, #tpu.memory_space<vmem>>, vector<16xf32>,
      %add3A_1058 = arith.addi %mul3A_3, %add3A_1052 : vector<16xi32>
      tpu.vector_store_idx %arg5[%add3A_1058], %get3A_1057 : memref<16384xf32, #tpu.memory_space<vmem>>[vector<16xi32>], vector<16xf32>,
      %add3A_1059 = arith.constant 1 : i32
      %add3A_1060 = vector.broadcast %add3A_1059 : i32 to vector<16xi32>
      %add3A_1061 = arith.addi %add3A_1052, %add3A_1060 : vector<16xi32>
      %scan3A_1062 = arith.constant 7 : i32
      %scan3A_1063 = arith.addi %scan3A_1000, %scan3A_1062 : i32
      %get3A_1064 = arith.index_cast %scan3A_1063 : i32 to index
      %get3A_1065 = arith.constant 0 : index
      %get3A_1066 = tpu.vector_load %arg4[%get3A_1064, %get3A_1065] {strides = array<i32>} : memref<1024x16xf32, #tpu.memory_space<vmem>>, vector<16xf32>,
      %add3A_1067 = arith.addi %mul3A_3, %add3A_1061 : vector<16xi32>
      tpu.vector_store_idx %arg5[%add3A_1067], %get3A_1066 : memref<16384xf32, #tpu.memory_space<vmem>>[vector<16xi32>], vector<16xf32>,
      %add3A_1068 = arith.constant 1 : i32
      %add3A_1069 = vector.broadcast %add3A_1068 : i32 to vector<16xi32>
      %add3A_1070 = arith.addi %add3A_1061, %add3A_1069 : vector<16xi32>
      scf.yield %add3A_1070 : vector<16xi32>
    }
    %scan3A_992 = arith.constant 1024 : i32
    %mul3A_993 = arith.constant 512 : i32
    %mul3A_994 = arith.muli %select_n3A_964, %mul3A_993 : i32
    %mul3A_995 = arith.constant 16 : i32
    %mul3A_996 = arith.muli %select_n3A_980, %mul3A_995 : i32
    %add3A_997 = arith.addi %mul3A_994, %mul3A_996 : i32
    %mul3A_998 = arith.constant 1024 : i32
    %mul3A_999 = arith.muli %add3A_997, %mul3A_998 : i32
    "tpu.region"() ({
      %run_scoped3A = tpu.sem_alloc : memref<!tpu.dma_semaphore, #tpu.memory_space<semaphore_mem>>
      %dma_start3A = tpu.memref_slice %arg3[%mul3A_999] : memref<8388608xf32, #tpu.memory_space<hbm>> -> memref<16384xf32, #tpu.memory_space<hbm>>
      %dma_start3A_1000 = tpu.memref_slice %arg3[%mul3A_999] : memref<8388608xf32, #tpu.memory_space<hbm>> -> memref<16384xf32, #tpu.memory_space<hbm>>
      tpu.enqueue_dma source(%arg5 : memref<16384xf32, #tpu.memory_space<vmem>>) target(%dma_start3A_1000 : memref<16384xf32, #tpu.memory_space<hbm>>) target_semaphore(%run_scoped3A : memref<!tpu.dma_semaphore, #tpu.memory_space<semaphore_mem>>)
      %dma_wait3A = tpu.memref_slice %arg3[%mul3A_999] : memref<8388608xf32, #tpu.memory_space<hbm>> -> memref<16384xf32, #tpu.memory_space<hbm>>
      %dma_wait3A_1001 = tpu.memref_slice %arg3[%mul3A_999] : memref<8388608xf32, #tpu.memory_space<hbm>> -> memref<16384xf32, #tpu.memory_space<hbm>>
      tpu.wait_dma2 semaphore(%run_scoped3A : memref<!tpu.dma_semaphore, #tpu.memory_space<semaphore_mem>>) src(%arg5 : memref<16384xf32, #tpu.memory_space<vmem>>) dst(%dma_wait3A_1001 : memref<16384xf32, #tpu.memory_space<hbm>>)
      tpu.yield
    }) : () -> ()
    return
  }
}

</mosaic_0001>

<sc_bundles>
// kernel: kernel.3.cloned.1.call-start
scs
__scs_entry_jumppad:
0x0: {  	(pc) =	sbr.rel $0x88, $3  }
0x1: {  	(tag) =	ssettag $0x0;
	lr =	simm.s32 $0x1  }
0x2: {  	[smem:$0x3FA0] =	sst lr;
	_ =	strace $0xD0000000  }
0x3: {  	_ = 	snop  }
0x4: {  	_ = 	snop  }
0x5: {  	_ = 	snop  }
0x6: {  	_ = 	snop  }
0x7: {  	_ = 	snop  }
__scs_overlays_trampoline_lowered:
0x8: {  	[smem:$0x3FAF] =	sst s0  }
0x9: {  	[smem:$0x3FB0] =	sst s1  }
0xa: {  	[smem:$0x3FB1] =	sst s2  }
0xb: {  	[smem:$0x3FB2] =	sst s3  }
0xc: {  	[smem:$0x3FB3] =	sst s4  }
0xd: {  	[smem:$0x3FB4] =	sst s5  }
0xe: {  	[smem:$0x3FB5] =	sst s6  }
0xf: {  	[smem:$0x3FB6] =	sst s7  }
0x10: {  	[smem:$0x3FB7] =	sst s8  }
0x11: {  	[smem:$0x3FB8] =	sst s9;
	s0 =	simm.s32 @!p0 $0x0  }
0x12: {  	s1 =	sld [smem:$0x3F9E];
	s0 =	simm.s32 @p0 $0x1  }
0x13: {  	[smem:$0x3FB9] =	sst s0;
	s0 =	simm.s32 @!p1 $0x0  }
0x14: {  	s2 =	sld [smem:$0x3F9D];
	s0 =	simm.s32 @p1 $0x1  }
0x15: {  	[smem:$0x3FBA] =	sst s0;
	s0 =	simm.s32 @!p2 $0x0  }
0x16: {  	s3 =	sld [smem:$0x3FDB];
	s0 =	simm.s32 @p2 $0x1  }
0x17: {  	s4 =	simm.s32 $0x1BF5;
	[smem:$0x3FBC] =	sst s0  }
0x18: {  	s0 =	sld [smem:$0x3F9F];
	_ =	swait.ge [sflag:s4], $0x0  }
0x19: {  	s7 =	sld [smem:$0x3FA0]  }
0x1a: {  	s8 =	sadd.s32 $0xFFFFE003, lr  }
0x1b: {  	s9 =	sadd.s32 $0xFFFFFEF7, lr;
	s5 =	simm.s32 $0xFFFFFFFF;
	p2 =	slt.u32 s8, $0xFFFFF086  }
0x1c: {  	p1 =	slt.u32 s9, $0xF7A;
	s5 =	simm.s32 @!p2 $0x0  }
0x1d: {  	s5 =	simm.s32 @p1 $0x1;
	p0 =	seq.s32 s7, s2  }
0x1e: {  	s7 =	smul.u32 @!p0 $0xF7A, s2;
	p2 =	seq.s32 @!p0 s5, $0x0  }
0x1f: {  	s9 =	smul.u32 $0xF7A, s1;
	s8 =	simm.s32 @!p0 $0x1BF5;
	p2 =	por !p2, p0  }
0x20: {  	[sflag:s8] =	ssyncset.s32 @!p0 $0xFFFFF086;
	s6 =	sadd.s32 @!p0 s3, s7;
	s7 =	simm.s32 @!p0 $0x108  }
0x21: {  	s3 =	sadd.s32 s3, s9;
	s6 =	sadd.s32 @!p0 $0x88, s6;
	s7 =	simm.s32 @p2 $0x1082  }
0x22: {  	[simem:s7], [sflag:s8] =	dma.local @!p0 [hbm:s6], $0xF7A  }
0x23: {  	s9 =	sor.u32 $0xD0000000, s2;
	s6 =	simm.s32 $0x108;
	_ =	swait.ge @!p0 [sflag:s8], $0x0  }
0x24: {  	s3 =	sadd.s32 $0x88, s3;
	s6 =	simm.s32 @!p1 $0x1082;
	[sflag:s4] =	ssyncset.s32 $0xFFFFF086  }
0x25: {  	[simem:s6], [sflag:s4] =	dma.local [hbm:s3], $0xF7A  }
0x26: {  	[smem:$0x3FA0] =	sst s1;
	(tag) =	ssettag s2;
	_ =	strace s9  }
0x27: {  	s1 =	sld [smem:$0x3FB0]  }
0x28: {  	s2 =	sld [smem:$0x3FB1]  }
0x29: {  	s4 =	sld [smem:$0x3FB3]  }
0x2a: {  	p0 =	seq.s32 s5, $0x0;
	s5 =	sld [smem:$0x3FB4]  }
0x2b: {  	s6 =	sld [smem:$0x3FB5]  }
0x2c: {  	s7 =	sld [smem:$0x3FB6]  }
0x2d: {  	s3 =	simm.s32 $0x108;
	s8 =	sld [smem:$0x3FB7]  }
0x2e: {  	s3 =	simm.s32 @!p0 $0x1082;
	s9 =	sld [smem:$0x3FB8]  }
0x2f: {  	lr =	sadd.s32 s0, s3;
	s0 =	sld [smem:$0x3FAF]  }
0x30: {  	s3 =	sld [smem:$0x3FB2]  }
0x31: {  	[smem:$0x3FBB] =	sst s10  }
0x32: {  	s10 =	sld [smem:$0x3FB9];
	_ =	sdelay $0x3  }
0x33: {  	p0 =	seq.s32 s10, $0x1;
	s10 =	sld [smem:$0x3FBB];
	_ =	sdelay $0x3  }
0x34: {  	[smem:$0x3FBB] =	sst s10  }
0x35: {  	s10 =	sld [smem:$0x3FBA];
	_ =	sdelay $0x3  }
0x36: {  	p1 =	seq.s32 s10, $0x1;
	s10 =	sld [smem:$0x3FBB];
	_ =	sdelay $0x3  }
0x37: {  	[smem:$0x3FBB] =	sst s10  }
0x38: {  	s10 =	sld [smem:$0x3FBC]  }
0x39: {  	_ = 	snop;
	(pc) =	sbr.ind lr, $3  }
0x3a: {  	_ = 	snop  }
0x3b: {  	_ = 	snop  }
0x3c: {  	p2 =	seq.s32 s10, $0x1;
	s10 =	sld [smem:$0x3FBB]  }
0x3d: {  	_ =	shalt  }
0x3e: {  	_ =	shalt  }
0x3f: {  	_ =	shalt  }
0x40: {  	_ =	shalt  }
0x41: {  	_ =	shalt  }
0x42: {  	_ =	shalt  }
0x43: {  	_ =	shalt  }
0x44: {  	_ =	shalt  }
0x45: {  	_ =	shalt  }
0x46: {  	_ =	shalt  }
0x47: {  	_ =	shalt  }
0x48: {  	_ =	shalt  }
0x49: {  	_ =	shalt  }
0x4a: {  	_ =	shalt  }
0x4b: {  	_ =	shalt  }
0x4c: {  	_ =	shalt  }
0x4d: {  	_ =	shalt  }
0x4e: {  	_ =	shalt  }
0x4f: {  	_ =	shalt  }
0x50: {  	_ =	shalt  }
0x51: {  	_ =	shalt  }
0x52: {  	_ =	shalt  }
0x53: {  	_ =	shalt  }
0x54: {  	_ =	shalt  }
0x55: {  	_ =	shalt  }
0x56: {  	_ =	shalt  }
0x57: {  	_ =	shalt  }
0x58: {  	_ =	shalt  }
0x59: {  	_ =	shalt  }
0x5a: {  	_ =	shalt  }
0x5b: {  	_ =	shalt  }
0x5c: {  	_ =	shalt  }
0x5d: {  	_ =	shalt  }
0x5e: {  	_ =	shalt  }
0x5f: {  	_ =	shalt  }
0x60: {  	_ =	shalt  }
0x61: {  	_ =	shalt  }
0x62: {  	_ =	shalt  }
0x63: {  	_ =	shalt  }
0x64: {  	_ =	shalt  }
0x65: {  	_ =	shalt  }
0x66: {  	_ =	shalt  }
0x67: {  	_ =	shalt  }
0x68: {  	_ =	shalt  }
0x69: {  	_ =	shalt  }
0x6a: {  	_ =	shalt  }
0x6b: {  	_ =	shalt  }
0x6c: {  	_ =	shalt  }
0x6d: {  	_ =	shalt  }
0x6e: {  	_ =	shalt  }
0x6f: {  	_ =	shalt  }
0x70: {  	_ =	shalt  }
0x71: {  	_ =	shalt  }
0x72: {  	_ =	shalt  }
0x73: {  	_ =	shalt  }
0x74: {  	_ =	shalt  }
0x75: {  	_ =	shalt  }
0x76: {  	_ =	shalt  }
0x77: {  	_ =	shalt  }
0x78: {  	_ =	shalt  }
0x79: {  	_ =	shalt  }
0x7a: {  	_ =	shalt  }
0x7b: {  	_ =	shalt  }
0x7c: {  	_ =	shalt  }
0x7d: {  	_ =	shalt  }
0x7e: {  	_ =	shalt  }
0x7f: {  	_ =	shalt  }
0x80: {  	_ =	shalt  }
0x81: {  	_ =	shalt  }
0x82: {  	_ =	shalt  }
0x83: {  	_ =	shalt  }
0x84: {  	_ =	shalt  }
0x85: {  	_ =	shalt  }
0x86: {  	_ =	shalt  }
0x87: {  	_ =	shalt  }
.Lfunc_end0:
.L_simem_size_0:
called_computation.1_lowered:
.L_overlay_start_0:
0x88: {  	s2 =	sld [smem:$0x3FD9]  }
0x89: {  	s3 =	sld [smem:$0x3FFE];
	_ =	sdelay $0x1  }
0x8a: {  	s1 =	srdreg.scid  }
0x8b: {  	s0 =	sand.u32 $0x1, s1  }
0x8c: {  	s17 =	sshll.u32 s0, $0xA;
	s2 =	sadd.s32 s3, s2  }
0x8d: {  	s2 =	sadd.s32 s2, s17  }
0x8e: {  	[smem:$0x3FC7] =	sst s2  }
0x8f: {  	_ = 	snop  }
0x90: {  	s2 =	sld [smem:$0x3FD0];
	(tm) =	ssettm $0x1  }
0x91: {  	s18 =	sld [smem:$0x3FFB];
	_ =	sdelay $0x3  }
0x92: {  	_ =	strace s18  }
0x93: {  	s3 =	sld [smem:$0x3FFC];
	_ =	sdelay $0x3  }
0x94: {  	_ =	strace s3  }
0x95: {  	s3 =	sld [smem:$0x3FFD];
	_ =	sdelay $0x3  }
0x96: {  	_ =	strace s3  }
0x97: {  	_ =	strace $0x8FFFFFFF  }
0x98: {  	s19 =	sld [smem:$0x3FDB];
	_ =	sdelay $0x1  }
0x99: {  	s4 =	simm.s32 $_scs_section_size  }
0x9a: {  	s5 =	simm.s32 $_size__tile_overlayer_lowered;
	s6 =	simm.s32 $_tile_overlayer_lowered  }
0x9b: {  	s22 =	simm.s32 $0x1BFF;
	s21 =	sshll.u32 s6, $0x1;
	s3 =	sadd.s32 s4, s19  }
0x9c: {  	s7 =	simm.s32 $0x0;
	s20 =	sshll.u32 s5, $0x1;
	s5 =	sadd.s32 s21, s3  }
0x9d: {  	[timem:s7], [sflag:s22] =	dma.local [hbm:s5], s20  }
0x9e: {  	_ =	swait.ge [sflag:s22], s20  }
0x9f: {  	s4 =	ssub.s32 $0x0, s20;
	[sflag:s22] =	ssyncset.done $0x0  }
0xa0: {  	[sflag:s22] =	ssyncadd.s32 s4;
	_ =	sdelay $0x1  }
0xa1: {  	s23 =	simm.s32 $0x1B8B  }
0xa2: {  	_ =	swait.ge [sflag:s23], $0x1  }
0xa3: {  	[sflag:s23] =	ssyncset.done $0x0  }
0xa4: {  	s25 =	simm.s32 $0x1B8E;
	s24 =	sld [smem:$0x3FFE];
	[sflag:s23] =	ssyncadd.s32 $0xFFFFFFFF  }
0xa5: {  	s26 =	simm.s32 $execute0_lowered;
	[smem:$0x3FD2] =	sst s25  }
0xa6: {  	s5 =	sshll.u32 s26, $0x1;
	_ =	strace $0x80000049;
	[dreg:$0x1] =	wrdreg $0xFFFFFFFF  }
0xa7: {  	s28 =	simm.s32 $_size_execute0_lowered;
	s3 =	sadd.s32 s3, s5;
	[dreg:$0x0] =	wrdreg $0x0  }
0xa8: {  	s5 =	sshll.u32 s28, $0x1;
	[dreg:$0x2] =	wrdreg s3  }
0xa9: {  	[dreg:$0x3] =	wrdreg s5  }
0xaa: {  	[dreg:$0x4] =	wrdreg $0xC0  }
0xab: {  	_ =	task [dreg:s7], $0x5FFFF  }
0xac: {  	[dreg:$0x1] =	wrdreg $0xFFFFFFFF  }
0xad: {  	[dreg:$0x0] =	wrdreg $0x60  }
0xae: {  	[dreg:$0x2] =	wrdreg s24  }
0xaf: {  	[dreg:$0x3] =	wrdreg s2  }
0xb0: {  	[dreg:$0x4] =	wrdreg $0x9  }
0xb1: {  	_ =	task.clear_ibuf [dreg:s7], $0x5FFFF;
	_ =	strace $0x90000049  }
0xb2: {  	s29 =	simm.s32 $0x9;
	_ =	strace $0x8000004B  }
0xb3: {  	_ =	swait.ge [sflag:s29], $0x1  }
0xb4: {  	[sflag:s29] =	ssyncadd.s32 $0xFFFFFFFF  }
0xb5: {  	_ =	strace $0x9000004B  }
0xb6: {  	_ =	sfence  }
0xb7: {  	s30 =	sld [smem:$0x0];
	_ =	sdelay $0x2  }
0xb8: {  	s31 =	sshll.u32 s1, $0xD;
	s1 =	sshrl.u32 s1, $0x2  }
0xb9: {  	s3 =	sand.u32 $0x4000, s31;
	s1 =	sadd.s32 s1, s30  }
0xba: {  	s0 =	sor.u32 s3, s0;
	s1 =	sshll.u32 s1, $0x11  }
0xbb: {  	s0 =	sor.u32 s1, s0  }
0xbc: {  	s0 =	sadd.s32 $0x8F2B, s0  }
0xbd: {  	[sflag:s0] =	ssyncadd.remote.s32 $0x1  }
0xbe: {  	_ =	sfence.sel $0xFFFF  }
0xbf: {  	[dreg:$0x0] =	wrdreg $0xFFFFFFFF;
	(pc) =	sbr.abs _section_cstart, $3  }
0xc0: {  	[dreg:$0x1] =	wrdreg $0xFFFFFFFF  }
0xc1: {  	_ =	task.clear_ibuf [dreg:s7], $0x2FFFF;
	_ =	strace $0x9FFFFFFF  }
0xc2: {  	(tm) =	ssettm $0x7FFFFFFF  }
0xc3: {  	_ =	shalt  }
tec
execute0_lowered:
.L_overlay_start_1:
0x0: {  	(tag) =	ssettag $0x1  }
0x1: {  	s0 =	srdreg.scid  }
0x2: {  	s7 =	stileid.u32;
	s0 =	sand.u32 $0x1, s0  }
0x3: {  	s1 =	sor.u32 s0, s7  }
0x4: {  	p1 =	seq.s32 s0, $0x1;
	p0 =	seq.s32 s1, $0x0  }
0x5: {  	s2 =	rddreg [dreg:$0x0];
	p0 =	por !p0, !p1  }
0x6: {  	s2 =	sadd.s32 $0x800, s2;
	s1 =	simm.s32 $0x1;
	p0 =	por !p0, !p0  }
0x7: {  	s4 =	sshll.u32 s0, $0x8;
	s3 =	ssub.s32 $0x2, s0;
	s1 =	simm.s32 @!p0 $0x0  }
0x8: {  	s0 =	sshll.u32 s0, $0x12;
	s6 =	sshrl.u32 s3, $0x1;
	s1 =	ssub.s32 s7, s1  }
0x9: {  	s8 =	sor.u32 $0x30, s4;
	s3 =	ssub.s32 s3, s6;
	s1 =	sshll.u32 s1, $0x13  }
0xa: {  	[dreg:$0xd] =	wrdreg s3;
	s5 =	sor.u32 s4, s1;
	s25 =	sor.u32 s0, s1  }
0xb: {  	s1 =	sshll.u32 s7, $0x13;
	s7 =	sor.u32 $0x20, s4;
	s5 =	sshrl.u32 s5, $0x3  }
0xc: {  	s9 =	sor.u32 s1, s7;
	s10 =	sor.u32 s1, s8;
	s7 =	sshll.u32 s7, $0xA  }
0xd: {  	s8 =	sshll.u32 s8, $0xA;
	s17 =	sadd.s32 s2, s5;
	s5 =	sor.u32 $0x10, s4  }
0xe: {  	s20 =	sshrl.u32 s9, $0x3;
	s21 =	sshrl.u32 s10, $0x3;
	s10 =	sor.u32 $0x50, s4  }
0xf: {  	[dreg:$0xe] =	wrdreg s17;
	s18 =	sor.u32 s1, s5;
	s22 =	sadd.s32 s2, s20  }
0x10: {  	s23 =	sadd.s32 s2, s21;
	s17 =	sor.u32 $0x60, s4;
	s11 =	sor.u32 s1, s10  }
0x11: {  	s5 =	sshll.u32 s5, $0xA;
	s6 =	sshrl.u32 s18, $0x3;
	[dreg:$0x4] =	wrdreg s22  }
0x12: {  	[dreg:$0x5] =	wrdreg s23;
	s12 =	sor.u32 s1, s17;
	s0 =	sshrl.u32 s11, $0x3  }
0x13: {  	s18 =	sor.u32 $0x80, s4;
	s19 =	sadd.s32 s2, s6;
	s6 =	sor.u32 $0x40, s4  }
0x14: {  	s3 =	sshrl.u32 s12, $0x3;
	s14 =	sor.u32 s1, s18;
	[dreg:$0x3] =	wrdreg s19  }
0x15: {  	s24 =	sor.u32 s1, s6;
	s12 =	sadd.s32 s2, s3;
	s19 =	sor.u32 $0x90, s4  }
0x16: {  	s16 =	sshrl.u32 s14, $0x3;
	s6 =	sshll.u32 s6, $0xA;
	s9 =	sshrl.u32 s24, $0x3  }
0x17: {  	[dreg:$0x8] =	wrdreg s12;
	s21 =	sadd.s32 s2, s16;
	s6 =	sor.u32 s1, s6  }
0x18: {  	s26 =	sadd.s32 s2, s9;
	s9 =	sadd.s32 s2, s0;
	[dreg:$0xa] =	wrdreg s21  }
0x19: {  	s21 =	sor.u32 $0xB0, s4;
	s0 =	sshll.u32 s18, $0xA;
	[dreg:$0x6] =	wrdreg s26  }
0x1a: {  	[dreg:$0x7] =	wrdreg s9;
	s9 =	sor.u32 $0x70, s4;
	s24 =	sor.u32 s1, s21  }
0x1b: {  	s18 =	sshll.u32 s21, $0xA;
	s13 =	sor.u32 s1, s9;
	s12 =	sshrl.u32 s24, $0x3  }
0x1c: {  	s24 =	sor.u32 $0xE0, s4;
	s9 =	sshll.u32 s9, $0xA;
	s30 =	sor.u32 s1, s18  }
0x1d: {  	s11 =	sshrl.u32 s13, $0x3;
	s13 =	sor.u32 s1, s19;
	s12 =	sadd.s32 s2, s12  }
0x1e: {  	s9 =	sor.u32 s1, s9;
	s15 =	sadd.s32 s2, s11;
	s20 =	sshrl.u32 s13, $0x3  }
0x1f: {  	s21 =	sshll.u32 s24, $0xA;
	[dreg:$0x9] =	wrdreg s15;
	s22 =	sadd.s32 s2, s20  }
0x20: {  	s20 =	sor.u32 $0xA0, s4;
	s15 =	sor.u32 s1, s24;
	[dreg:$0xb] =	wrdreg s22  }
0x21: {  	s23 =	sor.u32 s1, s20;
	s22 =	sor.u32 $0xC0, s4;
	s15 =	sshrl.u32 s15, $0x3  }
0x22: {  	s11 =	sshrl.u32 s23, $0x3;
	s26 =	sor.u32 s1, s22;
	s23 =	sor.u32 $0xD0, s4  }
0x23: {  	s4 =	sor.u32 $0xF0, s4;
	s15 =	sadd.s32 s2, s15;
	s3 =	sadd.s32 s2, s11  }
0x24: {  	s13 =	sshrl.u32 s26, $0x3;
	s14 =	sor.u32 s1, s23;
	s16 =	sor.u32 s1, s4  }
0x25: {  	s11 =	sshll.u32 s10, $0xA;
	s26 =	sshll.u32 s17, $0xA;
	s4 =	sshll.u32 s4, $0xA  }
0x26: {  	s17 =	simm.s32 $0x0;
	[dreg:$0xc] =	wrdreg s3;
	s13 =	sadd.s32 s2, s13  }
0x27: {  	s14 =	sshrl.u32 s14, $0x3;
	s16 =	sshrl.u32 s16, $0x3;
	s10 =	sor.u32 s1, s26  }
0x28: {  	s3 =	sshll.u32 s19, $0xA;
	s26 =	sor.u32 s1, s0;
	s19 =	sshll.u32 s22, $0xA  }
0x29: {  	s22 =	sshrl.u32 s25, $0x3;
	[smem:$0x7FF] =	sst s17;
	s25 =	sshrl.u32 s6, $0x3  }
0x2a: {  	s14 =	sadd.s32 s2, s14;
	s16 =	sadd.s32 s2, s16;
	s2 =	sor.u32 s1, s5  }
0x2b: {  	s5 =	sor.u32 s1, s7;
	s7 =	sor.u32 s1, s8;
	s8 =	sor.u32 s1, s11  }
0x2c: {  	s28 =	sor.u32 s1, s3;
	s11 =	sshll.u32 s20, $0xA;
	s31 =	sor.u32 s1, s19  }
0x2d: {  	s20 =	sshll.u32 s23, $0xA;
	s3 =	sor.u32 s1, s21;
	s6 =	sshrl.u32 s10, $0x3  }
0x2e: {  	s29 =	sor.u32 s1, s11;
	s0 =	sor.u32 s1, s20;
	s1 =	sor.u32 s1, s4  }
0x2f: {  	s2 =	sshrl.u32 s2, $0x3;
	s11 =	rddreg [dreg:$0x1];
	s23 =	sshrl.u32 s5, $0x3  }
0x30: {  	s24 =	sshrl.u32 s7, $0x3;
	s5 =	sshrl.u32 s8, $0x3;
	s7 =	sshrl.u32 s9, $0x3  }
0x31: {  	s8 =	sshrl.u32 s26, $0x3;
	s9 =	sshrl.u32 s28, $0x3;
	s4 =	simm.s32 $0x1  }
0x32: {  	s18 =	sadd.s32 s11, s22;
	s19 =	sadd.s32 s11, s2;
	s20 =	sadd.s32 s11, s23  }
0x33: {  	s21 =	sadd.s32 s11, s24;
	s22 =	sadd.s32 s11, s25;
	s23 =	sadd.s32 s11, s5  }
0x34: {  	s24 =	sadd.s32 s11, s6;
	s25 =	sadd.s32 s11, s7;
	s10 =	sshrl.u32 s29, $0x3  }
0x35: {  	s26 =	sadd.s32 s11, s8;
	s28 =	sadd.s32 s11, s9;
	s6 =	sshrl.u32 s30, $0x3  }
0x36: {  	v0 =	vlaneseq.u32;
	s7 =	sshrl.u32 s31, $0x3;
	s0 =	sshrl.u32 s0, $0x3;
	s8 =	sshrl.u32 s3, $0x3  }
0x37: {  	v0 =	vmul.u32 $0x400, v0;
	s9 =	sshrl.u32 s1, $0x3;
	s29 =	sadd.s32 s11, s10;
	s31 =	sadd.s32 s11, s6  }
0x38: {  	s30 =	sadd.s32 s11, s7;
	s0 =	sadd.s32 s11, s0;
	s1 =	sadd.s32 s11, s8  }
0x39: {  	v1 =	vor.u32 $0x1, v0;
	s2 =	sadd.s32 s11, s9;
	s11 =	rddreg [dreg:$0xe];
	_ =	strace $0x8000004A  }
0x3a: {  	v2 =	vor.u32 $0x2, v0;
	v3 =	vor.u32 $0x3, v0;
	v4 =	vor.u32 $0x4, v0;
	s5 =	simm.s32 $0x10;
	s6 =	simm.s32 $0x200;
	s10 =	rddreg [dreg:$0xd]  }
0x3b: {  	v5 =	vor.u32 $0x5, v0;
	v6 =	vor.u32 $0x6, v0;
	v7 =	vor.u32 $0x7, v0;
	s7 =	simm.s32 $0x4000;
	s8 =	simm.s32 $0x0;
	s3 =	smax.u32 s10, $0x1  }
.LBB2_1:
0x3c: {  	[tilespmem:s17], [sflag:$0x1] =	stream.strided.gather [hbm4b:s11+s5], $0x4000, s6, s5, $0x38;
	[tilespmem:$0x8000] =	vst v63  }
0x3d: {  	_ =	swait.ge [sflag:s4], $0x4000  }
0x3e: {  	[sflag:s4] =	ssyncset.done $0x0  }
0x3f: {  	v8 =	vimm.s32 $0x0;
	s9 =	simm.s32 $0x40;
	[sflag:s4] =	ssyncadd.s32 $0xFFFFC000  }
0x40: {  	v10 =	vadd.s32 v0, v8;
	v9 =	vld [tilespmem:s9+$0xFFFFFFC0];
	_ =	sdelay $0x4  }
0x41: {  	[tilespmem:v10+s7+$0x0] =	vst.idx.msk $0xffff, v9  }
0x42: {  	v10 =	vadd.s32 v1, v8;
	v9 =	vld [tilespmem:s9+$0xFFFFFFD0];
	_ =	sdelay $0x4  }
0x43: {  	[tilespmem:v10+s7+$0x0] =	vst.idx.msk $0xffff, v9  }
0x44: {  	v10 =	vadd.s32 v2, v8;
	v9 =	vld [tilespmem:s9+$0xFFFFFFE0];
	_ =	sdelay $0x4  }
0x45: {  	[tilespmem:v10+s7+$0x0] =	vst.idx.msk $0xffff, v9  }
0x46: {  	v10 =	vadd.s32 v3, v8;
	v9 =	vld [tilespmem:s9+$0xFFFFFFF0];
	_ =	sdelay $0x4  }
0x47: {  	[tilespmem:v10+s7+$0x0] =	vst.idx.msk $0xffff, v9  }
0x48: {  	v10 =	vadd.s32 v4, v8;
	v9 =	vld [tilespmem:s9+$0x0];
	_ =	sdelay $0x4  }
0x49: {  	[tilespmem:v10+s7+$0x0] =	vst.idx.msk $0xffff, v9  }
0x4a: {  	v10 =	vadd.s32 v5, v8;
	v9 =	vld [tilespmem:s9+$0x10];
	_ =	sdelay $0x4  }
0x4b: {  	[tilespmem:v10+s7+$0x0] =	vst.idx.msk $0xffff, v9  }
0x4c: {  	v10 =	vadd.s32 v6, v8;
	v9 =	vld [tilespmem:s9+$0x20];
	_ =	sdelay $0x4  }
0x4d: {  	[tilespmem:v10+s7+$0x0] =	vst.idx.msk $0xffff, v9  }
0x4e: {  	s10 =	simm.s32 $0x0;
	v10 =	vadd.s32 v7, v8;
	v9 =	vld [tilespmem:s9+$0x30]  }
.LBB2_2:
0x4f: {  	_ =	sdelay $0x3  }
0x50: {  	s10 =	sadd.s32 $0x8, s10;
	v8 =	vadd.s32 $0x8, v8;
	s9 =	sadd.s32 $0x80, s9;
	[tilespmem:v10+s7+$0x0] =	vst.idx.msk $0xffff, v9  }
0x51: {  	p0 =	slt.u32 s10, $0x3F8;
	v10 =	vadd.s32 v0, v8;
	v9 =	vld [tilespmem:s9+$0xFFFFFFC0];
	_ =	sdelay $0x4  }
0x52: {  	[tilespmem:v10+s7+$0x0] =	vst.idx.msk $0xffff, v9  }
0x53: {  	v10 =	vadd.s32 v1, v8;
	v9 =	vld [tilespmem:s9+$0xFFFFFFD0];
	_ =	sdelay $0x4  }
0x54: {  	[tilespmem:v10+s7+$0x0] =	vst.idx.msk $0xffff, v9  }
0x55: {  	v10 =	vadd.s32 v2, v8;
	v9 =	vld [tilespmem:s9+$0xFFFFFFE0];
	_ =	sdelay $0x4  }
0x56: {  	[tilespmem:v10+s7+$0x0] =	vst.idx.msk $0xffff, v9  }
0x57: {  	v10 =	vadd.s32 v3, v8;
	v9 =	vld [tilespmem:s9+$0xFFFFFFF0];
	_ =	sdelay $0x4  }
0x58: {  	[tilespmem:v10+s7+$0x0] =	vst.idx.msk $0xffff, v9  }
0x59: {  	v10 =	vadd.s32 v4, v8;
	v9 =	vld [tilespmem:s9+$0x0];
	_ =	sdelay $0x4  }
0x5a: {  	[tilespmem:v10+s7+$0x0] =	vst.idx.msk $0xffff, v9  }
0x5b: {  	v10 =	vadd.s32 v5, v8;
	v9 =	vld [tilespmem:s9+$0x10];
	_ =	sdelay $0x4  }
0x5c: {  	[tilespmem:v10+s7+$0x0] =	vst.idx.msk $0xffff, v9  }
0x5d: {  	v10 =	vadd.s32 v6, v8;
	v9 =	vld [tilespmem:s9+$0x20];
	_ =	sdelay $0x1  }
.Ltmp0:
0x5e: {  	(pc) =	sbr.rel @p0 .LBB2_2-.Ltmp0, $3  }
0x5f: {  	_ =	sdelay $0x1  }
0x60: {  	[tilespmem:v10+s7+$0x0] =	vst.idx.msk $0xffff, v9  }
0x61: {  	v10 =	vadd.s32 v7, v8;
	v9 =	vld [tilespmem:s9+$0x30]  }
0x62: {  	_ =	sdelay $0x3  }
0x63: {  	[tilespmem:v10+s7+$0x0] =	vst.idx.msk $0xffff, v9  }
0x64: {  	[hbm4b:s18+s17] =	stream.linear.scatter [tilespmem:s7], [sflag:$0x1], $0x4000, $0x38;
	[tilespmem:$0x8000] =	vst v63  }
0x65: {  	_ =	swait.ge [sflag:s4], $0x4000  }
0x66: {  	[sflag:s4] =	ssyncset.done $0x0  }
0x67: {  	s9 =	rddreg [dreg:$0x3];
	[sflag:s4] =	ssyncadd.s32 $0xFFFFC000  }
0x68: {  	[tilespmem:s17], [sflag:$0x1] =	stream.strided.gather [hbm4b:s9+s5], $0x4000, s6, s5, $0x38;
	[tilespmem:$0x8000] =	vst v63  }
0x69: {  	_ =	swait.ge [sflag:s4], $0x4000  }
0x6a: {  	[sflag:s4] =	ssyncset.done $0x0  }
0x6b: {  	v8 =	vimm.s32 $0x0;
	s9 =	simm.s32 $0x40;
	[sflag:s4] =	ssyncadd.s32 $0xFFFFC000  }
0x6c: {  	v10 =	vadd.s32 v0, v8;
	v9 =	vld [tilespmem:s9+$0xFFFFFFC0];
	_ =	sdelay $0x4  }
0x6d: {  	[tilespmem:v10+s7+$0x0] =	vst.idx.msk $0xffff, v9  }
0x6e: {  	v10 =	vadd.s32 v1, v8;
	v9 =	vld [tilespmem:s9+$0xFFFFFFD0];
	_ =	sdelay $0x4  }
0x6f: {  	[tilespmem:v10+s7+$0x0] =	vst.idx.msk $0xffff, v9  }
0x70: {  	v10 =	vadd.s32 v2, v8;
	v9 =	vld [tilespmem:s9+$0xFFFFFFE0];
	_ =	sdelay $0x4  }
0x71: {  	[tilespmem:v10+s7+$0x0] =	vst.idx.msk $0xffff, v9  }
0x72: {  	v10 =	vadd.s32 v3, v8;
	v9 =	vld [tilespmem:s9+$0xFFFFFFF0];
	_ =	sdelay $0x4  }
0x73: {  	[tilespmem:v10+s7+$0x0] =	vst.idx.msk $0xffff, v9  }
0x74: {  	v10 =	vadd.s32 v4, v8;
	v9 =	vld [tilespmem:s9+$0x0];
	_ =	sdelay $0x4  }
0x75: {  	[tilespmem:v10+s7+$0x0] =	vst.idx.msk $0xffff, v9  }
0x76: {  	v10 =	vadd.s32 v5, v8;
	v9 =	vld [tilespmem:s9+$0x10];
	_ =	sdelay $0x4  }
0x77: {  	[tilespmem:v10+s7+$0x0] =	vst.idx.msk $0xffff, v9  }
0x78: {  	v10 =	vadd.s32 v6, v8;
	v9 =	vld [tilespmem:s9+$0x20];
	_ =	sdelay $0x4  }
0x79: {  	[tilespmem:v10+s7+$0x0] =	vst.idx.msk $0xffff, v9  }
0x7a: {  	s10 =	simm.s32 $0x0;
	v10 =	vadd.s32 v7, v8;
	v9 =	vld [tilespmem:s9+$0x30]  }
.LBB2_4:
0x7b: {  	_ =	sdelay $0x3  }
0x7c: {  	s10 =	sadd.s32 $0x8, s10;
	v8 =	vadd.s32 $0x8, v8;
	s9 =	sadd.s32 $0x80, s9;
	[tilespmem:v10+s7+$0x0] =	vst.idx.msk $0xffff, v9  }
0x7d: {  	p0 =	slt.u32 s10, $0x3F8;
	v10 =	vadd.s32 v0, v8;
	v9 =	vld [tilespmem:s9+$0xFFFFFFC0];
	_ =	sdelay $0x4  }
0x7e: {  	[tilespmem:v10+s7+$0x0] =	vst.idx.msk $0xffff, v9  }
0x7f: {  	v10 =	vadd.s32 v1, v8;
	v9 =	vld [tilespmem:s9+$0xFFFFFFD0];
	_ =	sdelay $0x4  }
0x80: {  	[tilespmem:v10+s7+$0x0] =	vst.idx.msk $0xffff, v9  }
0x81: {  	v10 =	vadd.s32 v2, v8;
	v9 =	vld [tilespmem:s9+$0xFFFFFFE0];
	_ =	sdelay $0x4  }
0x82: {  	[tilespmem:v10+s7+$0x0] =	vst.idx.msk $0xffff, v9  }
0x83: {  	v10 =	vadd.s32 v3, v8;
	v9 =	vld [tilespmem:s9+$0xFFFFFFF0];
	_ =	sdelay $0x4  }
0x84: {  	[tilespmem:v10+s7+$0x0] =	vst.idx.msk $0xffff, v9  }
0x85: {  	v10 =	vadd.s32 v4, v8;
	v9 =	vld [tilespmem:s9+$0x0];
	_ =	sdelay $0x4  }
0x86: {  	[tilespmem:v10+s7+$0x0] =	vst.idx.msk $0xffff, v9  }
0x87: {  	v10 =	vadd.s32 v5, v8;
	v9 =	vld [tilespmem:s9+$0x10];
	_ =	sdelay $0x4  }
0x88: {  	[tilespmem:v10+s7+$0x0] =	vst.idx.msk $0xffff, v9  }
0x89: {  	v10 =	vadd.s32 v6, v8;
	v9 =	vld [tilespmem:s9+$0x20];
	_ =	sdelay $0x1  }
.Ltmp1:
0x8a: {  	(pc) =	sbr.rel @p0 .LBB2_4-.Ltmp1, $3  }
0x8b: {  	_ =	sdelay $0x1  }
0x8c: {  	[tilespmem:v10+s7+$0x0] =	vst.idx.msk $0xffff, v9  }
0x8d: {  	v10 =	vadd.s32 v7, v8;
	v9 =	vld [tilespmem:s9+$0x30]  }
0x8e: {  	_ =	sdelay $0x3  }
0x8f: {  	[tilespmem:v10+s7+$0x0] =	vst.idx.msk $0xffff, v9  }
0x90: {  	[hbm4b:s19+s17] =	stream.linear.scatter [tilespmem:s7], [sflag:$0x1], $0x4000, $0x38;
	[tilespmem:$0x8000] =	vst v63  }
0x91: {  	_ =	swait.ge [sflag:s4], $0x4000  }
0x92: {  	[sflag:s4] =	ssyncset.done $0x0  }
0x93: {  	s9 =	rddreg [dreg:$0x4];
	[sflag:s4] =	ssyncadd.s32 $0xFFFFC000  }
0x94: {  	[tilespmem:s17], [sflag:$0x1] =	stream.strided.gather [hbm4b:s9+s5], $0x4000, s6, s5, $0x38;
	[tilespmem:$0x8000] =	vst v63  }
0x95: {  	_ =	swait.ge [sflag:s4], $0x4000  }
0x96: {  	[sflag:s4] =	ssyncset.done $0x0  }
0x97: {  	v8 =	vimm.s32 $0x0;
	s9 =	simm.s32 $0x40;
	[sflag:s4] =	ssyncadd.s32 $0xFFFFC000  }
0x98: {  	v10 =	vadd.s32 v0, v8;
	v9 =	vld [tilespmem:s9+$0xFFFFFFC0];
	_ =	sdelay $0x4  }
0x99: {  	[tilespmem:v10+s7+$0x0] =	vst.idx.msk $0xffff, v9  }
0x9a: {  	v10 =	vadd.s32 v1, v8;
	v9 =	vld [tilespmem:s9+$0xFFFFFFD0];
	_ =	sdelay $0x4  }
0x9b: {  	[tilespmem:v10+s7+$0x0] =	vst.idx.msk $0xffff, v9  }
0x9c: {  	v10 =	vadd.s32 v2, v8;
	v9 =	vld [tilespmem:s9+$0xFFFFFFE0];
	_ =	sdelay $0x4  }
0x9d: {  	[tilespmem:v10+s7+$0x0] =	vst.idx.msk $0xffff, v9  }
0x9e: {  	v10 =	vadd.s32 v3, v8;
	v9 =	vld [tilespmem:s9+$0xFFFFFFF0];
	_ =	sdelay $0x4  }
0x9f: {  	[tilespmem:v10+s7+$0x0] =	vst.idx.msk $0xffff, v9  }
0xa0: {  	v10 =	vadd.s32 v4, v8;
	v9 =	vld [tilespmem:s9+$0x0];
	_ =	sdelay $0x4  }
0xa1: {  	[tilespmem:v10+s7+$0x0] =	vst.idx.msk $0xffff, v9  }
0xa2: {  	v10 =	vadd.s32 v5, v8;
	v9 =	vld [tilespmem:s9+$0x10];
	_ =	sdelay $0x4  }
0xa3: {  	[tilespmem:v10+s7+$0x0] =	vst.idx.msk $0xffff, v9  }
0xa4: {  	v10 =	vadd.s32 v6, v8;
	v9 =	vld [tilespmem:s9+$0x20];
	_ =	sdelay $0x4  }
0xa5: {  	[tilespmem:v10+s7+$0x0] =	vst.idx.msk $0xffff, v9  }
0xa6: {  	s10 =	simm.s32 $0x0;
	v10 =	vadd.s32 v7, v8;
	v9 =	vld [tilespmem:s9+$0x30]  }
.LBB2_6:
0xa7: {  	_ =	sdelay $0x3  }
0xa8: {  	s10 =	sadd.s32 $0x8, s10;
	v8 =	vadd.s32 $0x8, v8;
	s9 =	sadd.s32 $0x80, s9;
	[tilespmem:v10+s7+$0x0] =	vst.idx.msk $0xffff, v9  }
0xa9: {  	p0 =	slt.u32 s10, $0x3F8;
	v10 =	vadd.s32 v0, v8;
	v9 =	vld [tilespmem:s9+$0xFFFFFFC0];
	_ =	sdelay $0x4  }
0xaa: {  	[tilespmem:v10+s7+$0x0] =	vst.idx.msk $0xffff, v9  }
0xab: {  	v10 =	vadd.s32 v1, v8;
	v9 =	vld [tilespmem:s9+$0xFFFFFFD0];
	_ =	sdelay $0x4  }
0xac: {  	[tilespmem:v10+s7+$0x0] =	vst.idx.msk $0xffff, v9  }
0xad: {  	v10 =	vadd.s32 v2, v8;
	v9 =	vld [tilespmem:s9+$0xFFFFFFE0];
	_ =	sdelay $0x4  }
0xae: {  	[tilespmem:v10+s7+$0x0] =	vst.idx.msk $0xffff, v9  }
0xaf: {  	v10 =	vadd.s32 v3, v8;
	v9 =	vld [tilespmem:s9+$0xFFFFFFF0];
	_ =	sdelay $0x4  }
0xb0: {  	[tilespmem:v10+s7+$0x0] =	vst.idx.msk $0xffff, v9  }
0xb1: {  	v10 =	vadd.s32 v4, v8;
	v9 =	vld [tilespmem:s9+$0x0];
	_ =	sdelay $0x4  }
0xb2: {  	[tilespmem:v10+s7+$0x0] =	vst.idx.msk $0xffff, v9  }
0xb3: {  	v10 =	vadd.s32 v5, v8;
	v9 =	vld [tilespmem:s9+$0x10];
	_ =	sdelay $0x4  }
0xb4: {  	[tilespmem:v10+s7+$0x0] =	vst.idx.msk $0xffff, v9  }
0xb5: {  	v10 =	vadd.s32 v6, v8;
	v9 =	vld [tilespmem:s9+$0x20];
	_ =	sdelay $0x1  }
.Ltmp2:
0xb6: {  	(pc) =	sbr.rel @p0 .LBB2_6-.Ltmp2, $3  }
0xb7: {  	_ =	sdelay $0x1  }
0xb8: {  	[tilespmem:v10+s7+$0x0] =	vst.idx.msk $0xffff, v9  }
0xb9: {  	v10 =	vadd.s32 v7, v8;
	v9 =	vld [tilespmem:s9+$0x30]  }
0xba: {  	_ =	sdelay $0x3  }
0xbb: {  	[tilespmem:v10+s7+$0x0] =	vst.idx.msk $0xffff, v9  }
0xbc: {  	[hbm4b:s20+s17] =	stream.linear.scatter [tilespmem:s7], [sflag:$0x1], $0x4000, $0x38;
	[tilespmem:$0x8000] =	vst v63  }
0xbd: {  	_ =	swait.ge [sflag:s4], $0x4000  }
0xbe: {  	[sflag:s4] =	ssyncset.done $0x0  }
0xbf: {  	s9 =	rddreg [dreg:$0x5];
	[sflag:s4] =	ssyncadd.s32 $0xFFFFC000  }
0xc0: {  	[tilespmem:s17], [sflag:$0x1] =	stream.strided.gather [hbm4b:s9+s5], $0x4000, s6, s5, $0x38;
	[tilespmem:$0x8000] =	vst v63  }
0xc1: {  	_ =	swait.ge [sflag:s4], $0x4000  }
0xc2: {  	[sflag:s4] =	ssyncset.done $0x0  }
0xc3: {  	v8 =	vimm.s32 $0x0;
	s9 =	simm.s32 $0x40;
	[sflag:s4] =	ssyncadd.s32 $0xFFFFC000  }
0xc4: {  	v10 =	vadd.s32 v0, v8;
	v9 =	vld [tilespmem:s9+$0xFFFFFFC0];
	_ =	sdelay $0x4  }
0xc5: {  	[tilespmem:v10+s7+$0x0] =	vst.idx.msk $0xffff, v9  }
0xc6: {  	v10 =	vadd.s32 v1, v8;
	v9 =	vld [tilespmem:s9+$0xFFFFFFD0];
	_ =	sdelay $0x4  }
0xc7: {  	[tilespmem:v10+s7+$0x0] =	vst.idx.msk $0xffff, v9  }
0xc8: {  	v10 =	vadd.s32 v2, v8;
	v9 =	vld [tilespmem:s9+$0xFFFFFFE0];
	_ =	sdelay $0x4  }
0xc9: {  	[tilespmem:v10+s7+$0x0] =	vst.idx.msk $0xffff, v9  }
0xca: {  	v10 =	vadd.s32 v3, v8;
	v9 =	vld [tilespmem:s9+$0xFFFFFFF0];
	_ =	sdelay $0x4  }
0xcb: {  	[tilespmem:v10+s7+$0x0] =	vst.idx.msk $0xffff, v9  }
0xcc: {  	v10 =	vadd.s32 v4, v8;
	v9 =	vld [tilespmem:s9+$0x0];
	_ =	sdelay $0x4  }
0xcd: {  	[tilespmem:v10+s7+$0x0] =	vst.idx.msk $0xffff, v9  }
0xce: {  	v10 =	vadd.s32 v5, v8;
	v9 =	vld [tilespmem:s9+$0x10];
	_ =	sdelay $0x4  }
0xcf: {  	[tilespmem:v10+s7+$0x0] =	vst.idx.msk $0xffff, v9  }
0xd0: {  	v10 =	vadd.s32 v6, v8;
	v9 =	vld [tilespmem:s9+$0x20];
	_ =	sdelay $0x4  }
0xd1: {  	[tilespmem:v10+s7+$0x0] =	vst.idx.msk $0xffff, v9  }
0xd2: {  	s10 =	simm.s32 $0x0;
	v10 =	vadd.s32 v7, v8;
	v9 =	vld [tilespmem:s9+$0x30]  }
.LBB2_8:
0xd3: {  	_ =	sdelay $0x3  }
0xd4: {  	s10 =	sadd.s32 $0x8, s10;
	v8 =	vadd.s32 $0x8, v8;
	s9 =	sadd.s32 $0x80, s9;
	[tilespmem:v10+s7+$0x0] =	vst.idx.msk $0xffff, v9  }
0xd5: {  	p0 =	slt.u32 s10, $0x3F8;
	v10 =	vadd.s32 v0, v8;
	v9 =	vld [tilespmem:s9+$0xFFFFFFC0];
	_ =	sdelay $0x4  }
0xd6: {  	[tilespmem:v10+s7+$0x0] =	vst.idx.msk $0xffff, v9  }
0xd7: {  	v10 =	vadd.s32 v1, v8;
	v9 =	vld [tilespmem:s9+$0xFFFFFFD0];
	_ =	sdelay $0x4  }
0xd8: {  	[tilespmem:v10+s7+$0x0] =	vst.idx.msk $0xffff, v9  }
0xd9: {  	v10 =	vadd.s32 v2, v8;
	v9 =	vld [tilespmem:s9+$0xFFFFFFE0];
	_ =	sdelay $0x4  }
0xda: {  	[tilespmem:v10+s7+$0x0] =	vst.idx.msk $0xffff, v9  }
0xdb: {  	v10 =	vadd.s32 v3, v8;
	v9 =	vld [tilespmem:s9+$0xFFFFFFF0];
	_ =	sdelay $0x4  }
0xdc: {  	[tilespmem:v10+s7+$0x0] =	vst.idx.msk $0xffff, v9  }
0xdd: {  	v10 =	vadd.s32 v4, v8;
	v9 =	vld [tilespmem:s9+$0x0];
	_ =	sdelay $0x4  }
0xde: {  	[tilespmem:v10+s7+$0x0] =	vst.idx.msk $0xffff, v9  }
0xdf: {  	v10 =	vadd.s32 v5, v8;
	v9 =	vld [tilespmem:s9+$0x10];
	_ =	sdelay $0x4  }
0xe0: {  	[tilespmem:v10+s7+$0x0] =	vst.idx.msk $0xffff, v9  }
0xe1: {  	v10 =	vadd.s32 v6, v8;
	v9 =	vld [tilespmem:s9+$0x20];
	_ =	sdelay $0x1  }
.Ltmp3:
0xe2: {  	(pc) =	sbr.rel @p0 .LBB2_8-.Ltmp3, $3  }
0xe3: {  	_ =	sdelay $0x1  }
0xe4: {  	[tilespmem:v10+s7+$0x0] =	vst.idx.msk $0xffff, v9  }
0xe5: {  	v10 =	vadd.s32 v7, v8;
	v9 =	vld [tilespmem:s9+$0x30]  }
0xe6: {  	_ =	sdelay $0x3  }
0xe7: {  	[tilespmem:v10+s7+$0x0] =	vst.idx.msk $0xffff, v9  }
0xe8: {  	[hbm4b:s21+s17] =	stream.linear.scatter [tilespmem:s7], [sflag:$0x1], $0x4000, $0x38;
	[tilespmem:$0x8000] =	vst v63  }
0xe9: {  	_ =	swait.ge [sflag:s4], $0x4000  }
0xea: {  	[sflag:s4] =	ssyncset.done $0x0  }
0xeb: {  	s9 =	rddreg [dreg:$0x6];
	[sflag:s4] =	ssyncadd.s32 $0xFFFFC000  }
0xec: {  	[tilespmem:s17], [sflag:$0x1] =	stream.strided.gather [hbm4b:s9+s5], $0x4000, s6, s5, $0x38;
	[tilespmem:$0x8000] =	vst v63  }
0xed: {  	_ =	swait.ge [sflag:s4], $0x4000  }
0xee: {  	[sflag:s4] =	ssyncset.done $0x0  }
0xef: {  	v8 =	vimm.s32 $0x0;
	s9 =	simm.s32 $0x40;
	[sflag:s4] =	ssyncadd.s32 $0xFFFFC000  }
0xf0: {  	v10 =	vadd.s32 v0, v8;
	v9 =	vld [tilespmem:s9+$0xFFFFFFC0];
	_ =	sdelay $0x4  }
0xf1: {  	[tilespmem:v10+s7+$0x0] =	vst.idx.msk $0xffff, v9  }
0xf2: {  	v10 =	vadd.s32 v1, v8;
	v9 =	vld [tilespmem:s9+$0xFFFFFFD0];
	_ =	sdelay $0x4  }
0xf3: {  	[tilespmem:v10+s7+$0x0] =	vst.idx.msk $0xffff, v9  }
0xf4: {  	v10 =	vadd.s32 v2, v8;
	v9 =	vld [tilespmem:s9+$0xFFFFFFE0];
	_ =	sdelay $0x4  }
0xf5: {  	[tilespmem:v10+s7+$0x0] =	vst.idx.msk $0xffff, v9  }
0xf6: {  	v10 =	vadd.s32 v3, v8;
	v9 =	vld [tilespmem:s9+$0xFFFFFFF0];
	_ =	sdelay $0x4  }
0xf7: {  	[tilespmem:v10+s7+$0x0] =	vst.idx.msk $0xffff, v9  }
0xf8: {  	v10 =	vadd.s32 v4, v8;
	v9 =	vld [tilespmem:s9+$0x0];
	_ =	sdelay $0x4  }
0xf9: {  	[tilespmem:v10+s7+$0x0] =	vst.idx.msk $0xffff, v9  }
0xfa: {  	v10 =	vadd.s32 v5, v8;
	v9 =	vld [tilespmem:s9+$0x10];
	_ =	sdelay $0x4  }
0xfb: {  	[tilespmem:v10+s7+$0x0] =	vst.idx.msk $0xffff, v9  }
0xfc: {  	v10 =	vadd.s32 v6, v8;
	v9 =	vld [tilespmem:s9+$0x20];
	_ =	sdelay $0x4  }
0xfd: {  	[tilespmem:v10+s7+$0x0] =	vst.idx.msk $0xffff, v9  }
0xfe: {  	s10 =	simm.s32 $0x0;
	v10 =	vadd.s32 v7, v8;
	v9 =	vld [tilespmem:s9+$0x30]  }
.LBB2_10:
0xff: {  	_ =	sdelay $0x3  }
0x100: {  	s10 =	sadd.s32 $0x8, s10;
	v8 =	vadd.s32 $0x8, v8;
	s9 =	sadd.s32 $0x80, s9;
	[tilespmem:v10+s7+$0x0] =	vst.idx.msk $0xffff, v9  }
0x101: {  	p0 =	slt.u32 s10, $0x3F8;
	v10 =	vadd.s32 v0, v8;
	v9 =	vld [tilespmem:s9+$0xFFFFFFC0];
	_ =	sdelay $0x4  }
0x102: {  	[tilespmem:v10+s7+$0x0] =	vst.idx.msk $0xffff, v9  }
0x103: {  	v10 =	vadd.s32 v1, v8;
	v9 =	vld [tilespmem:s9+$0xFFFFFFD0];
	_ =	sdelay $0x4  }
0x104: {  	[tilespmem:v10+s7+$0x0] =	vst.idx.msk $0xffff, v9  }
0x105: {  	v10 =	vadd.s32 v2, v8;
	v9 =	vld [tilespmem:s9+$0xFFFFFFE0];
	_ =	sdelay $0x4  }
0x106: {  	[tilespmem:v10+s7+$0x0] =	vst.idx.msk $0xffff, v9  }
0x107: {  	v10 =	vadd.s32 v3, v8;
	v9 =	vld [tilespmem:s9+$0xFFFFFFF0];
	_ =	sdelay $0x4  }
0x108: {  	[tilespmem:v10+s7+$0x0] =	vst.idx.msk $0xffff, v9  }
0x109: {  	v10 =	vadd.s32 v4, v8;
	v9 =	vld [tilespmem:s9+$0x0];
	_ =	sdelay $0x4  }
0x10a: {  	[tilespmem:v10+s7+$0x0] =	vst.idx.msk $0xffff, v9  }
0x10b: {  	v10 =	vadd.s32 v5, v8;
	v9 =	vld [tilespmem:s9+$0x10];
	_ =	sdelay $0x4  }
0x10c: {  	[tilespmem:v10+s7+$0x0] =	vst.idx.msk $0xffff, v9  }
0x10d: {  	v10 =	vadd.s32 v6, v8;
	v9 =	vld [tilespmem:s9+$0x20];
	_ =	sdelay $0x1  }
.Ltmp4:
0x10e: {  	(pc) =	sbr.rel @p0 .LBB2_10-.Ltmp4, $3  }
0x10f: {  	_ =	sdelay $0x1  }
0x110: {  	[tilespmem:v10+s7+$0x0] =	vst.idx.msk $0xffff, v9  }
0x111: {  	v10 =	vadd.s32 v7, v8;
	v9 =	vld [tilespmem:s9+$0x30]  }
0x112: {  	_ =	sdelay $0x3  }
0x113: {  	[tilespmem:v10+s7+$0x0] =	vst.idx.msk $0xffff, v9  }
0x114: {  	[hbm4b:s22+s17] =	stream.linear.scatter [tilespmem:s7], [sflag:$0x1], $0x4000, $0x38;
	[tilespmem:$0x8000] =	vst v63  }
0x115: {  	_ =	swait.ge [sflag:s4], $0x4000  }
0x116: {  	[sflag:s4] =	ssyncset.done $0x0  }
0x117: {  	s9 =	rddreg [dreg:$0x7];
	[sflag:s4] =	ssyncadd.s32 $0xFFFFC000  }
0x118: {  	[tilespmem:s17], [sflag:$0x1] =	stream.strided.gather [hbm4b:s9+s5], $0x4000, s6, s5, $0x38;
	[tilespmem:$0x8000] =	vst v63  }
0x119: {  	_ =	swait.ge [sflag:s4], $0x4000  }
0x11a: {  	[sflag:s4] =	ssyncset.done $0x0  }
0x11b: {  	v8 =	vimm.s32 $0x0;
	s9 =	simm.s32 $0x40;
	[sflag:s4] =	ssyncadd.s32 $0xFFFFC000  }
0x11c: {  	v10 =	vadd.s32 v0, v8;
	v9 =	vld [tilespmem:s9+$0xFFFFFFC0];
	_ =	sdelay $0x4  }
0x11d: {  	[tilespmem:v10+s7+$0x0] =	vst.idx.msk $0xffff, v9  }
0x11e: {  	v10 =	vadd.s32 v1, v8;
	v9 =	vld [tilespmem:s9+$0xFFFFFFD0];
	_ =	sdelay $0x4  }
0x11f: {  	[tilespmem:v10+s7+$0x0] =	vst.idx.msk $0xffff, v9  }
0x120: {  	v10 =	vadd.s32 v2, v8;
	v9 =	vld [tilespmem:s9+$0xFFFFFFE0];
	_ =	sdelay $0x4  }
0x121: {  	[tilespmem:v10+s7+$0x0] =	vst.idx.msk $0xffff, v9  }
0x122: {  	v10 =	vadd.s32 v3, v8;
	v9 =	vld [tilespmem:s9+$0xFFFFFFF0];
	_ =	sdelay $0x4  }
0x123: {  	[tilespmem:v10+s7+$0x0] =	vst.idx.msk $0xffff, v9  }
0x124: {  	v10 =	vadd.s32 v4, v8;
	v9 =	vld [tilespmem:s9+$0x0];
	_ =	sdelay $0x4  }
0x125: {  	[tilespmem:v10+s7+$0x0] =	vst.idx.msk $0xffff, v9  }
0x126: {  	v10 =	vadd.s32 v5, v8;
	v9 =	vld [tilespmem:s9+$0x10];
	_ =	sdelay $0x4  }
0x127: {  	[tilespmem:v10+s7+$0x0] =	vst.idx.msk $0xffff, v9  }
0x128: {  	v10 =	vadd.s32 v6, v8;
	v9 =	vld [tilespmem:s9+$0x20];
	_ =	sdelay $0x4  }
0x129: {  	[tilespmem:v10+s7+$0x0] =	vst.idx.msk $0xffff, v9  }
0x12a: {  	s10 =	simm.s32 $0x0;
	v10 =	vadd.s32 v7, v8;
	v9 =	vld [tilespmem:s9+$0x30]  }
.LBB2_12:
0x12b: {  	_ =	sdelay $0x3  }
0x12c: {  	s10 =	sadd.s32 $0x8, s10;
	v8 =	vadd.s32 $0x8, v8;
	s9 =	sadd.s32 $0x80, s9;
	[tilespmem:v10+s7+$0x0] =	vst.idx.msk $0xffff, v9  }
0x12d: {  	p0 =	slt.u32 s10, $0x3F8;
	v10 =	vadd.s32 v0, v8;
	v9 =	vld [tilespmem:s9+$0xFFFFFFC0];
	_ =	sdelay $0x4  }
0x12e: {  	[tilespmem:v10+s7+$0x0] =	vst.idx.msk $0xffff, v9  }
0x12f: {  	v10 =	vadd.s32 v1, v8;
	v9 =	vld [tilespmem:s9+$0xFFFFFFD0];
	_ =	sdelay $0x4  }
0x130: {  	[tilespmem:v10+s7+$0x0] =	vst.idx.msk $0xffff, v9  }
0x131: {  	v10 =	vadd.s32 v2, v8;
	v9 =	vld [tilespmem:s9+$0xFFFFFFE0];
	_ =	sdelay $0x4  }
0x132: {  	[tilespmem:v10+s7+$0x0] =	vst.idx.msk $0xffff, v9  }
0x133: {  	v10 =	vadd.s32 v3, v8;
	v9 =	vld [tilespmem:s9+$0xFFFFFFF0];
	_ =	sdelay $0x4  }
0x134: {  	[tilespmem:v10+s7+$0x0] =	vst.idx.msk $0xffff, v9  }
0x135: {  	v10 =	vadd.s32 v4, v8;
	v9 =	vld [tilespmem:s9+$0x0];
	_ =	sdelay $0x4  }
0x136: {  	[tilespmem:v10+s7+$0x0] =	vst.idx.msk $0xffff, v9  }
0x137: {  	v10 =	vadd.s32 v5, v8;
	v9 =	vld [tilespmem:s9+$0x10];
	_ =	sdelay $0x4  }
0x138: {  	[tilespmem:v10+s7+$0x0] =	vst.idx.msk $0xffff, v9  }
0x139: {  	v10 =	vadd.s32 v6, v8;
	v9 =	vld [tilespmem:s9+$0x20];
	_ =	sdelay $0x1  }
.Ltmp5:
0x13a: {  	(pc) =	sbr.rel @p0 .LBB2_12-.Ltmp5, $3  }
0x13b: {  	_ =	sdelay $0x1  }
0x13c: {  	[tilespmem:v10+s7+$0x0] =	vst.idx.msk $0xffff, v9  }
0x13d: {  	v10 =	vadd.s32 v7, v8;
	v9 =	vld [tilespmem:s9+$0x30]  }
0x13e: {  	_ =	sdelay $0x3  }
0x13f: {  	[tilespmem:v10+s7+$0x0] =	vst.idx.msk $0xffff, v9  }
0x140: {  	[hbm4b:s23+s17] =	stream.linear.scatter [tilespmem:s7], [sflag:$0x1], $0x4000, $0x38;
	[tilespmem:$0x8000] =	vst v63  }
0x141: {  	_ =	swait.ge [sflag:s4], $0x4000  }
0x142: {  	[sflag:s4] =	ssyncset.done $0x0  }
0x143: {  	s9 =	rddreg [dreg:$0x8];
	[sflag:s4] =	ssyncadd.s32 $0xFFFFC000  }
0x144: {  	[tilespmem:s17], [sflag:$0x1] =	stream.strided.gather [hbm4b:s9+s5], $0x4000, s6, s5, $0x38;
	[tilespmem:$0x8000] =	vst v63  }
0x145: {  	_ =	swait.ge [sflag:s4], $0x4000  }
0x146: {  	[sflag:s4] =	ssyncset.done $0x0  }
0x147: {  	v8 =	vimm.s32 $0x0;
	s9 =	simm.s32 $0x40;
	[sflag:s4] =	ssyncadd.s32 $0xFFFFC000  }
0x148: {  	v10 =	vadd.s32 v0, v8;
	v9 =	vld [tilespmem:s9+$0xFFFFFFC0];
	_ =	sdelay $0x4  }
0x149: {  	[tilespmem:v10+s7+$0x0] =	vst.idx.msk $0xffff, v9  }
0x14a: {  	v10 =	vadd.s32 v1, v8;
	v9 =	vld [tilespmem:s9+$0xFFFFFFD0];
	_ =	sdelay $0x4  }
0x14b: {  	[tilespmem:v10+s7+$0x0] =	vst.idx.msk $0xffff, v9  }
0x14c: {  	v10 =	vadd.s32 v2, v8;
	v9 =	vld [tilespmem:s9+$0xFFFFFFE0];
	_ =	sdelay $0x4  }
0x14d: {  	[tilespmem:v10+s7+$0x0] =	vst.idx.msk $0xffff, v9  }
0x14e: {  	v10 =	vadd.s32 v3, v8;
	v9 =	vld [tilespmem:s9+$0xFFFFFFF0];
	_ =	sdelay $0x4  }
0x14f: {  	[tilespmem:v10+s7+$0x0] =	vst.idx.msk $0xffff, v9  }
0x150: {  	v10 =	vadd.s32 v4, v8;
	v9 =	vld [tilespmem:s9+$0x0];
	_ =	sdelay $0x4  }
0x151: {  	[tilespmem:v10+s7+$0x0] =	vst.idx.msk $0xffff, v9  }
0x152: {  	v10 =	vadd.s32 v5, v8;
	v9 =	vld [tilespmem:s9+$0x10];
	_ =	sdelay $0x4  }
0x153: {  	[tilespmem:v10+s7+$0x0] =	vst.idx.msk $0xffff, v9  }
0x154: {  	v10 =	vadd.s32 v6, v8;
	v9 =	vld [tilespmem:s9+$0x20];
	_ =	sdelay $0x4  }
0x155: {  	[tilespmem:v10+s7+$0x0] =	vst.idx.msk $0xffff, v9  }
0x156: {  	s10 =	simm.s32 $0x0;
	v10 =	vadd.s32 v7, v8;
	v9 =	vld [tilespmem:s9+$0x30]  }
.LBB2_14:
0x157: {  	_ =	sdelay $0x3  }
0x158: {  	s10 =	sadd.s32 $0x8, s10;
	v8 =	vadd.s32 $0x8, v8;
	s9 =	sadd.s32 $0x80, s9;
	[tilespmem:v10+s7+$0x0] =	vst.idx.msk $0xffff, v9  }
0x159: {  	p0 =	slt.u32 s10, $0x3F8;
	v10 =	vadd.s32 v0, v8;
	v9 =	vld [tilespmem:s9+$0xFFFFFFC0];
	_ =	sdelay $0x4  }
0x15a: {  	[tilespmem:v10+s7+$0x0] =	vst.idx.msk $0xffff, v9  }
0x15b: {  	v10 =	vadd.s32 v1, v8;
	v9 =	vld [tilespmem:s9+$0xFFFFFFD0];
	_ =	sdelay $0x4  }
0x15c: {  	[tilespmem:v10+s7+$0x0] =	vst.idx.msk $0xffff, v9  }
0x15d: {  	v10 =	vadd.s32 v2, v8;
	v9 =	vld [tilespmem:s9+$0xFFFFFFE0];
	_ =	sdelay $0x4  }
0x15e: {  	[tilespmem:v10+s7+$0x0] =	vst.idx.msk $0xffff, v9  }
0x15f: {  	v10 =	vadd.s32 v3, v8;
	v9 =	vld [tilespmem:s9+$0xFFFFFFF0];
	_ =	sdelay $0x4  }
0x160: {  	[tilespmem:v10+s7+$0x0] =	vst.idx.msk $0xffff, v9  }
0x161: {  	v10 =	vadd.s32 v4, v8;
	v9 =	vld [tilespmem:s9+$0x0];
	_ =	sdelay $0x4  }
0x162: {  	[tilespmem:v10+s7+$0x0] =	vst.idx.msk $0xffff, v9  }
0x163: {  	v10 =	vadd.s32 v5, v8;
	v9 =	vld [tilespmem:s9+$0x10];
	_ =	sdelay $0x4  }
0x164: {  	[tilespmem:v10+s7+$0x0] =	vst.idx.msk $0xffff, v9  }
0x165: {  	v10 =	vadd.s32 v6, v8;
	v9 =	vld [tilespmem:s9+$0x20];
	_ =	sdelay $0x1  }
.Ltmp6:
0x166: {  	(pc) =	sbr.rel @p0 .LBB2_14-.Ltmp6, $3  }
0x167: {  	_ =	sdelay $0x1  }
0x168: {  	[tilespmem:v10+s7+$0x0] =	vst.idx.msk $0xffff, v9  }
0x169: {  	v10 =	vadd.s32 v7, v8;
	v9 =	vld [tilespmem:s9+$0x30]  }
0x16a: {  	_ =	sdelay $0x3  }
0x16b: {  	[tilespmem:v10+s7+$0x0] =	vst.idx.msk $0xffff, v9  }
0x16c: {  	[hbm4b:s24+s17] =	stream.linear.scatter [tilespmem:s7], [sflag:$0x1], $0x4000, $0x38;
	[tilespmem:$0x8000] =	vst v63  }
0x16d: {  	_ =	swait.ge [sflag:s4], $0x4000  }
0x16e: {  	[sflag:s4] =	ssyncset.done $0x0  }
0x16f: {  	s9 =	rddreg [dreg:$0x9];
	[sflag:s4] =	ssyncadd.s32 $0xFFFFC000  }
0x170: {  	[tilespmem:s17], [sflag:$0x1] =	stream.strided.gather [hbm4b:s9+s5], $0x4000, s6, s5, $0x38;
	[tilespmem:$0x8000] =	vst v63  }
0x171: {  	_ =	swait.ge [sflag:s4], $0x4000  }
0x172: {  	[sflag:s4] =	ssyncset.done $0x0  }
0x173: {  	v8 =	vimm.s32 $0x0;
	s9 =	simm.s32 $0x40;
	[sflag:s4] =	ssyncadd.s32 $0xFFFFC000  }
0x174: {  	v10 =	vadd.s32 v0, v8;
	v9 =	vld [tilespmem:s9+$0xFFFFFFC0];
	_ =	sdelay $0x4  }
0x175: {  	[tilespmem:v10+s7+$0x0] =	vst.idx.msk $0xffff, v9  }
0x176: {  	v10 =	vadd.s32 v1, v8;
	v9 =	vld [tilespmem:s9+$0xFFFFFFD0];
	_ =	sdelay $0x4  }
0x177: {  	[tilespmem:v10+s7+$0x0] =	vst.idx.msk $0xffff, v9  }
0x178: {  	v10 =	vadd.s32 v2, v8;
	v9 =	vld [tilespmem:s9+$0xFFFFFFE0];
	_ =	sdelay $0x4  }
0x179: {  	[tilespmem:v10+s7+$0x0] =	vst.idx.msk $0xffff, v9  }
0x17a: {  	v10 =	vadd.s32 v3, v8;
	v9 =	vld [tilespmem:s9+$0xFFFFFFF0];
	_ =	sdelay $0x4  }
0x17b: {  	[tilespmem:v10+s7+$0x0] =	vst.idx.msk $0xffff, v9  }
0x17c: {  	v10 =	vadd.s32 v4, v8;
	v9 =	vld [tilespmem:s9+$0x0];
	_ =	sdelay $0x4  }
0x17d: {  	[tilespmem:v10+s7+$0x0] =	vst.idx.msk $0xffff, v9  }
0x17e: {  	v10 =	vadd.s32 v5, v8;
	v9 =	vld [tilespmem:s9+$0x10];
	_ =	sdelay $0x4  }
0x17f: {  	[tilespmem:v10+s7+$0x0] =	vst.idx.msk $0xffff, v9  }
0x180: {  	v10 =	vadd.s32 v6, v8;
	v9 =	vld [tilespmem:s9+$0x20];
	_ =	sdelay $0x4  }
0x181: {  	[tilespmem:v10+s7+$0x0] =	vst.idx.msk $0xffff, v9  }
0x182: {  	s10 =	simm.s32 $0x0;
	v10 =	vadd.s32 v7, v8;
	v9 =	vld [tilespmem:s9+$0x30]  }
.LBB2_16:
0x183: {  	_ =	sdelay $0x3  }
0x184: {  	s10 =	sadd.s32 $0x8, s10;
	v8 =	vadd.s32 $0x8, v8;
	s9 =	sadd.s32 $0x80, s9;
	[tilespmem:v10+s7+$0x0] =	vst.idx.msk $0xffff, v9  }
0x185: {  	p0 =	slt.u32 s10, $0x3F8;
	v10 =	vadd.s32 v0, v8;
	v9 =	vld [tilespmem:s9+$0xFFFFFFC0];
	_ =	sdelay $0x4  }
0x186: {  	[tilespmem:v10+s7+$0x0] =	vst.idx.msk $0xffff, v9  }
0x187: {  	v10 =	vadd.s32 v1, v8;
	v9 =	vld [tilespmem:s9+$0xFFFFFFD0];
	_ =	sdelay $0x4  }
0x188: {  	[tilespmem:v10+s7+$0x0] =	vst.idx.msk $0xffff, v9  }
0x189: {  	v10 =	vadd.s32 v2, v8;
	v9 =	vld [tilespmem:s9+$0xFFFFFFE0];
	_ =	sdelay $0x4  }
0x18a: {  	[tilespmem:v10+s7+$0x0] =	vst.idx.msk $0xffff, v9  }
0x18b: {  	v10 =	vadd.s32 v3, v8;
	v9 =	vld [tilespmem:s9+$0xFFFFFFF0];
	_ =	sdelay $0x4  }
0x18c: {  	[tilespmem:v10+s7+$0x0] =	vst.idx.msk $0xffff, v9  }
0x18d: {  	v10 =	vadd.s32 v4, v8;
	v9 =	vld [tilespmem:s9+$0x0];
	_ =	sdelay $0x4  }
0x18e: {  	[tilespmem:v10+s7+$0x0] =	vst.idx.msk $0xffff, v9  }
0x18f: {  	v10 =	vadd.s32 v5, v8;
	v9 =	vld [tilespmem:s9+$0x10];
	_ =	sdelay $0x4  }
0x190: {  	[tilespmem:v10+s7+$0x0] =	vst.idx.msk $0xffff, v9  }
0x191: {  	v10 =	vadd.s32 v6, v8;
	v9 =	vld [tilespmem:s9+$0x20];
	_ =	sdelay $0x1  }
.Ltmp7:
0x192: {  	(pc) =	sbr.rel @p0 .LBB2_16-.Ltmp7, $3  }
0x193: {  	_ =	sdelay $0x1  }
0x194: {  	[tilespmem:v10+s7+$0x0] =	vst.idx.msk $0xffff, v9  }
0x195: {  	v10 =	vadd.s32 v7, v8;
	v9 =	vld [tilespmem:s9+$0x30]  }
0x196: {  	_ =	sdelay $0x3  }
0x197: {  	[tilespmem:v10+s7+$0x0] =	vst.idx.msk $0xffff, v9  }
0x198: {  	[hbm4b:s25+s17] =	stream.linear.scatter [tilespmem:s7], [sflag:$0x1], $0x4000, $0x38;
	[tilespmem:$0x8000] =	vst v63  }
0x199: {  	_ =	swait.ge [sflag:s4], $0x4000  }
0x19a: {  	[sflag:s4] =	ssyncset.done $0x0  }
0x19b: {  	s9 =	rddreg [dreg:$0xa];
	[sflag:s4] =	ssyncadd.s32 $0xFFFFC000  }
0x19c: {  	[tilespmem:s17], [sflag:$0x1] =	stream.strided.gather [hbm4b:s9+s5], $0x4000, s6, s5, $0x38;
	[tilespmem:$0x8000] =	vst v63  }
0x19d: {  	_ =	swait.ge [sflag:s4], $0x4000  }
0x19e: {  	[sflag:s4] =	ssyncset.done $0x0  }
0x19f: {  	v8 =	vimm.s32 $0x0;
	s9 =	simm.s32 $0x40;
	[sflag:s4] =	ssyncadd.s32 $0xFFFFC000  }
0x1a0: {  	v10 =	vadd.s32 v0, v8;
	v9 =	vld [tilespmem:s9+$0xFFFFFFC0];
	_ =	sdelay $0x4  }
0x1a1: {  	[tilespmem:v10+s7+$0x0] =	vst.idx.msk $0xffff, v9  }
0x1a2: {  	v10 =	vadd.s32 v1, v8;
	v9 =	vld [tilespmem:s9+$0xFFFFFFD0];
	_ =	sdelay $0x4  }
0x1a3: {  	[tilespmem:v10+s7+$0x0] =	vst.idx.msk $0xffff, v9  }
0x1a4: {  	v10 =	vadd.s32 v2, v8;
	v9 =	vld [tilespmem:s9+$0xFFFFFFE0];
	_ =	sdelay $0x4  }
0x1a5: {  	[tilespmem:v10+s7+$0x0] =	vst.idx.msk $0xffff, v9  }
0x1a6: {  	v10 =	vadd.s32 v3, v8;
	v9 =	vld [tilespmem:s9+$0xFFFFFFF0];
	_ =	sdelay $0x4  }
0x1a7: {  	[tilespmem:v10+s7+$0x0] =	vst.idx.msk $0xffff, v9  }
0x1a8: {  	v10 =	vadd.s32 v4, v8;
	v9 =	vld [tilespmem:s9+$0x0];
	_ =	sdelay $0x4  }
0x1a9: {  	[tilespmem:v10+s7+$0x0] =	vst.idx.msk $0xffff, v9  }
0x1aa: {  	v10 =	vadd.s32 v5, v8;
	v9 =	vld [tilespmem:s9+$0x10];
	_ =	sdelay $0x4  }
0x1ab: {  	[tilespmem:v10+s7+$0x0] =	vst.idx.msk $0xffff, v9  }
0x1ac: {  	v10 =	vadd.s32 v6, v8;
	v9 =	vld [tilespmem:s9+$0x20];
	_ =	sdelay $0x4  }
0x1ad: {  	[tilespmem:v10+s7+$0x0] =	vst.idx.msk $0xffff, v9  }
0x1ae: {  	s10 =	simm.s32 $0x0;
	v10 =	vadd.s32 v7, v8;
	v9 =	vld [tilespmem:s9+$0x30]  }
.LBB2_18:
0x1af: {  	_ =	sdelay $0x3  }
0x1b0: {  	s10 =	sadd.s32 $0x8, s10;
	v8 =	vadd.s32 $0x8, v8;
	s9 =	sadd.s32 $0x80, s9;
	[tilespmem:v10+s7+$0x0] =	vst.idx.msk $0xffff, v9  }
0x1b1: {  	p0 =	slt.u32 s10, $0x3F8;
	v10 =	vadd.s32 v0, v8;
	v9 =	vld [tilespmem:s9+$0xFFFFFFC0];
	_ =	sdelay $0x4  }
0x1b2: {  	[tilespmem:v10+s7+$0x0] =	vst.idx.msk $0xffff, v9  }
0x1b3: {  	v10 =	vadd.s32 v1, v8;
	v9 =	vld [tilespmem:s9+$0xFFFFFFD0];
	_ =	sdelay $0x4  }
0x1b4: {  	[tilespmem:v10+s7+$0x0] =	vst.idx.msk $0xffff, v9  }
0x1b5: {  	v10 =	vadd.s32 v2, v8;
	v9 =	vld [tilespmem:s9+$0xFFFFFFE0];
	_ =	sdelay $0x4  }
0x1b6: {  	[tilespmem:v10+s7+$0x0] =	vst.idx.msk $0xffff, v9  }
0x1b7: {  	v10 =	vadd.s32 v3, v8;
	v9 =	vld [tilespmem:s9+$0xFFFFFFF0];
	_ =	sdelay $0x4  }
0x1b8: {  	[tilespmem:v10+s7+$0x0] =	vst.idx.msk $0xffff, v9  }
0x1b9: {  	v10 =	vadd.s32 v4, v8;
	v9 =	vld [tilespmem:s9+$0x0];
	_ =	sdelay $0x4  }
0x1ba: {  	[tilespmem:v10+s7+$0x0] =	vst.idx.msk $0xffff, v9  }
0x1bb: {  	v10 =	vadd.s32 v5, v8;
	v9 =	vld [tilespmem:s9+$0x10];
	_ =	sdelay $0x4  }
0x1bc: {  	[tilespmem:v10+s7+$0x0] =	vst.idx.msk $0xffff, v9  }
0x1bd: {  	v10 =	vadd.s32 v6, v8;
	v9 =	vld [tilespmem:s9+$0x20];
	_ =	sdelay $0x1  }
.Ltmp8:
0x1be: {  	(pc) =	sbr.rel @p0 .LBB2_18-.Ltmp8, $3  }
0x1bf: {  	_ =	sdelay $0x1  }
0x1c0: {  	[tilespmem:v10+s7+$0x0] =	vst.idx.msk $0xffff, v9  }
0x1c1: {  	v10 =	vadd.s32 v7, v8;
	v9 =	vld [tilespmem:s9+$0x30]  }
0x1c2: {  	_ =	sdelay $0x3  }
0x1c3: {  	[tilespmem:v10+s7+$0x0] =	vst.idx.msk $0xffff, v9  }
0x1c4: {  	[hbm4b:s26+s17] =	stream.linear.scatter [tilespmem:s7], [sflag:$0x1], $0x4000, $0x38;
	[tilespmem:$0x8000] =	vst v63  }
0x1c5: {  	_ =	swait.ge [sflag:s4], $0x4000  }
0x1c6: {  	[sflag:s4] =	ssyncset.done $0x0  }
0x1c7: {  	s9 =	rddreg [dreg:$0xb];
	[sflag:s4] =	ssyncadd.s32 $0xFFFFC000  }
0x1c8: {  	[tilespmem:s17], [sflag:$0x1] =	stream.strided.gather [hbm4b:s9+s5], $0x4000, s6, s5, $0x38;
	[tilespmem:$0x8000] =	vst v63  }
0x1c9: {  	_ =	swait.ge [sflag:s4], $0x4000  }
0x1ca: {  	[sflag:s4] =	ssyncset.done $0x0  }
0x1cb: {  	v8 =	vimm.s32 $0x0;
	s9 =	simm.s32 $0x40;
	[sflag:s4] =	ssyncadd.s32 $0xFFFFC000  }
0x1cc: {  	v10 =	vadd.s32 v0, v8;
	v9 =	vld [tilespmem:s9+$0xFFFFFFC0];
	_ =	sdelay $0x4  }
0x1cd: {  	[tilespmem:v10+s7+$0x0] =	vst.idx.msk $0xffff, v9  }
0x1ce: {  	v10 =	vadd.s32 v1, v8;
	v9 =	vld [tilespmem:s9+$0xFFFFFFD0];
	_ =	sdelay $0x4  }
0x1cf: {  	[tilespmem:v10+s7+$0x0] =	vst.idx.msk $0xffff, v9  }
0x1d0: {  	v10 =	vadd.s32 v2, v8;
	v9 =	vld [tilespmem:s9+$0xFFFFFFE0];
	_ =	sdelay $0x4  }
0x1d1: {  	[tilespmem:v10+s7+$0x0] =	vst.idx.msk $0xffff, v9  }
0x1d2: {  	v10 =	vadd.s32 v3, v8;
	v9 =	vld [tilespmem:s9+$0xFFFFFFF0];
	_ =	sdelay $0x4  }
0x1d3: {  	[tilespmem:v10+s7+$0x0] =	vst.idx.msk $0xffff, v9  }
0x1d4: {  	v10 =	vadd.s32 v4, v8;
	v9 =	vld [tilespmem:s9+$0x0];
	_ =	sdelay $0x4  }
0x1d5: {  	[tilespmem:v10+s7+$0x0] =	vst.idx.msk $0xffff, v9  }
0x1d6: {  	v10 =	vadd.s32 v5, v8;
	v9 =	vld [tilespmem:s9+$0x10];
	_ =	sdelay $0x4  }
0x1d7: {  	[tilespmem:v10+s7+$0x0] =	vst.idx.msk $0xffff, v9  }
0x1d8: {  	v10 =	vadd.s32 v6, v8;
	v9 =	vld [tilespmem:s9+$0x20];
	_ =	sdelay $0x4  }
0x1d9: {  	[tilespmem:v10+s7+$0x0] =	vst.idx.msk $0xffff, v9  }
0x1da: {  	s10 =	simm.s32 $0x0;
	v10 =	vadd.s32 v7, v8;
	v9 =	vld [tilespmem:s9+$0x30]  }
.LBB2_20:
0x1db: {  	_ =	sdelay $0x3  }
0x1dc: {  	s10 =	sadd.s32 $0x8, s10;
	v8 =	vadd.s32 $0x8, v8;
	s9 =	sadd.s32 $0x80, s9;
	[tilespmem:v10+s7+$0x0] =	vst.idx.msk $0xffff, v9  }
0x1dd: {  	p0 =	slt.u32 s10, $0x3F8;
	v10 =	vadd.s32 v0, v8;
	v9 =	vld [tilespmem:s9+$0xFFFFFFC0];
	_ =	sdelay $0x4  }
0x1de: {  	[tilespmem:v10+s7+$0x0] =	vst.idx.msk $0xffff, v9  }
0x1df: {  	v10 =	vadd.s32 v1, v8;
	v9 =	vld [tilespmem:s9+$0xFFFFFFD0];
	_ =	sdelay $0x4  }
0x1e0: {  	[tilespmem:v10+s7+$0x0] =	vst.idx.msk $0xffff, v9  }
0x1e1: {  	v10 =	vadd.s32 v2, v8;
	v9 =	vld [tilespmem:s9+$0xFFFFFFE0];
	_ =	sdelay $0x4  }
0x1e2: {  	[tilespmem:v10+s7+$0x0] =	vst.idx.msk $0xffff, v9  }
0x1e3: {  	v10 =	vadd.s32 v3, v8;
	v9 =	vld [tilespmem:s9+$0xFFFFFFF0];
	_ =	sdelay $0x4  }
0x1e4: {  	[tilespmem:v10+s7+$0x0] =	vst.idx.msk $0xffff, v9  }
0x1e5: {  	v10 =	vadd.s32 v4, v8;
	v9 =	vld [tilespmem:s9+$0x0];
	_ =	sdelay $0x4  }
0x1e6: {  	[tilespmem:v10+s7+$0x0] =	vst.idx.msk $0xffff, v9  }
0x1e7: {  	v10 =	vadd.s32 v5, v8;
	v9 =	vld [tilespmem:s9+$0x10];
	_ =	sdelay $0x4  }
0x1e8: {  	[tilespmem:v10+s7+$0x0] =	vst.idx.msk $0xffff, v9  }
0x1e9: {  	v10 =	vadd.s32 v6, v8;
	v9 =	vld [tilespmem:s9+$0x20];
	_ =	sdelay $0x1  }
.Ltmp9:
0x1ea: {  	(pc) =	sbr.rel @p0 .LBB2_20-.Ltmp9, $3  }
0x1eb: {  	_ =	sdelay $0x1  }
0x1ec: {  	[tilespmem:v10+s7+$0x0] =	vst.idx.msk $0xffff, v9  }
0x1ed: {  	v10 =	vadd.s32 v7, v8;
	v9 =	vld [tilespmem:s9+$0x30]  }
0x1ee: {  	_ =	sdelay $0x3  }
0x1ef: {  	[tilespmem:v10+s7+$0x0] =	vst.idx.msk $0xffff, v9  }
0x1f0: {  	[hbm4b:s28+s17] =	stream.linear.scatter [tilespmem:s7], [sflag:$0x1], $0x4000, $0x38;
	[tilespmem:$0x8000] =	vst v63  }
0x1f1: {  	_ =	swait.ge [sflag:s4], $0x4000  }
0x1f2: {  	[sflag:s4] =	ssyncset.done $0x0  }
0x1f3: {  	s9 =	rddreg [dreg:$0xc];
	[sflag:s4] =	ssyncadd.s32 $0xFFFFC000  }
0x1f4: {  	[tilespmem:s17], [sflag:$0x1] =	stream.strided.gather [hbm4b:s9+s5], $0x4000, s6, s5, $0x38;
	[tilespmem:$0x8000] =	vst v63  }
0x1f5: {  	_ =	swait.ge [sflag:s4], $0x4000  }
0x1f6: {  	[sflag:s4] =	ssyncset.done $0x0  }
0x1f7: {  	v8 =	vimm.s32 $0x0;
	s9 =	simm.s32 $0x40;
	[sflag:s4] =	ssyncadd.s32 $0xFFFFC000  }
0x1f8: {  	v10 =	vadd.s32 v0, v8;
	v9 =	vld [tilespmem:s9+$0xFFFFFFC0];
	_ =	sdelay $0x4  }
0x1f9: {  	[tilespmem:v10+s7+$0x0] =	vst.idx.msk $0xffff, v9  }
0x1fa: {  	v10 =	vadd.s32 v1, v8;
	v9 =	vld [tilespmem:s9+$0xFFFFFFD0];
	_ =	sdelay $0x4  }
0x1fb: {  	[tilespmem:v10+s7+$0x0] =	vst.idx.msk $0xffff, v9  }
0x1fc: {  	v10 =	vadd.s32 v2, v8;
	v9 =	vld [tilespmem:s9+$0xFFFFFFE0];
	_ =	sdelay $0x4  }
0x1fd: {  	[tilespmem:v10+s7+$0x0] =	vst.idx.msk $0xffff, v9  }
0x1fe: {  	v10 =	vadd.s32 v3, v8;
	v9 =	vld [tilespmem:s9+$0xFFFFFFF0];
	_ =	sdelay $0x4  }
0x1ff: {  	[tilespmem:v10+s7+$0x0] =	vst.idx.msk $0xffff, v9  }
0x200: {  	v10 =	vadd.s32 v4, v8;
	v9 =	vld [tilespmem:s9+$0x0];
	_ =	sdelay $0x4  }
0x201: {  	[tilespmem:v10+s7+$0x0] =	vst.idx.msk $0xffff, v9  }
0x202: {  	v10 =	vadd.s32 v5, v8;
	v9 =	vld [tilespmem:s9+$0x10];
	_ =	sdelay $0x4  }
0x203: {  	[tilespmem:v10+s7+$0x0] =	vst.idx.msk $0xffff, v9  }
0x204: {  	v10 =	vadd.s32 v6, v8;
	v9 =	vld [tilespmem:s9+$0x20];
	_ =	sdelay $0x4  }
0x205: {  	[tilespmem:v10+s7+$0x0] =	vst.idx.msk $0xffff, v9  }
0x206: {  	s10 =	simm.s32 $0x0;
	v10 =	vadd.s32 v7, v8;
	v9 =	vld [tilespmem:s9+$0x30]  }
.LBB2_22:
0x207: {  	_ =	sdelay $0x3  }
0x208: {  	s10 =	sadd.s32 $0x8, s10;
	v8 =	vadd.s32 $0x8, v8;
	s9 =	sadd.s32 $0x80, s9;
	[tilespmem:v10+s7+$0x0] =	vst.idx.msk $0xffff, v9  }
0x209: {  	p0 =	slt.u32 s10, $0x3F8;
	v10 =	vadd.s32 v0, v8;
	v9 =	vld [tilespmem:s9+$0xFFFFFFC0];
	_ =	sdelay $0x4  }
0x20a: {  	[tilespmem:v10+s7+$0x0] =	vst.idx.msk $0xffff, v9  }
0x20b: {  	v10 =	vadd.s32 v1, v8;
	v9 =	vld [tilespmem:s9+$0xFFFFFFD0];
	_ =	sdelay $0x4  }
0x20c: {  	[tilespmem:v10+s7+$0x0] =	vst.idx.msk $0xffff, v9  }
0x20d: {  	v10 =	vadd.s32 v2, v8;
	v9 =	vld [tilespmem:s9+$0xFFFFFFE0];
	_ =	sdelay $0x4  }
0x20e: {  	[tilespmem:v10+s7+$0x0] =	vst.idx.msk $0xffff, v9  }
0x20f: {  	v10 =	vadd.s32 v3, v8;
	v9 =	vld [tilespmem:s9+$0xFFFFFFF0];
	_ =	sdelay $0x4  }
0x210: {  	[tilespmem:v10+s7+$0x0] =	vst.idx.msk $0xffff, v9  }
0x211: {  	v10 =	vadd.s32 v4, v8;
	v9 =	vld [tilespmem:s9+$0x0];
	_ =	sdelay $0x4  }
0x212: {  	[tilespmem:v10+s7+$0x0] =	vst.idx.msk $0xffff, v9  }
0x213: {  	v10 =	vadd.s32 v5, v8;
	v9 =	vld [tilespmem:s9+$0x10];
	_ =	sdelay $0x4  }
0x214: {  	[tilespmem:v10+s7+$0x0] =	vst.idx.msk $0xffff, v9  }
0x215: {  	v10 =	vadd.s32 v6, v8;
	v9 =	vld [tilespmem:s9+$0x20];
	_ =	sdelay $0x1  }
.Ltmp10:
0x216: {  	(pc) =	sbr.rel @p0 .LBB2_22-.Ltmp10, $3  }
0x217: {  	_ =	sdelay $0x1  }
0x218: {  	[tilespmem:v10+s7+$0x0] =	vst.idx.msk $0xffff, v9  }
0x219: {  	v10 =	vadd.s32 v7, v8;
	v9 =	vld [tilespmem:s9+$0x30]  }
0x21a: {  	_ =	sdelay $0x3  }
0x21b: {  	[tilespmem:v10+s7+$0x0] =	vst.idx.msk $0xffff, v9  }
0x21c: {  	[hbm4b:s29+s17] =	stream.linear.scatter [tilespmem:s7], [sflag:$0x1], $0x4000, $0x38;
	[tilespmem:$0x8000] =	vst v63  }
0x21d: {  	_ =	swait.ge [sflag:s4], $0x4000  }
0x21e: {  	[sflag:s4] =	ssyncset.done $0x0  }
0x21f: {  	[sflag:s4] =	ssyncadd.s32 $0xFFFFC000  }
0x220: {  	[tilespmem:s17], [sflag:$0x1] =	stream.strided.gather [hbm4b:s12+s5], $0x4000, s6, s5, $0x38;
	[tilespmem:$0x8000] =	vst v63  }
0x221: {  	_ =	swait.ge [sflag:s4], $0x4000  }
0x222: {  	[sflag:s4] =	ssyncset.done $0x0  }
0x223: {  	v8 =	vimm.s32 $0x0;
	s9 =	simm.s32 $0x40;
	[sflag:s4] =	ssyncadd.s32 $0xFFFFC000  }
0x224: {  	v10 =	vadd.s32 v0, v8;
	v9 =	vld [tilespmem:s9+$0xFFFFFFC0];
	_ =	sdelay $0x4  }
0x225: {  	[tilespmem:v10+s7+$0x0] =	vst.idx.msk $0xffff, v9  }
0x226: {  	v10 =	vadd.s32 v1, v8;
	v9 =	vld [tilespmem:s9+$0xFFFFFFD0];
	_ =	sdelay $0x4  }
0x227: {  	[tilespmem:v10+s7+$0x0] =	vst.idx.msk $0xffff, v9  }
0x228: {  	v10 =	vadd.s32 v2, v8;
	v9 =	vld [tilespmem:s9+$0xFFFFFFE0];
	_ =	sdelay $0x4  }
0x229: {  	[tilespmem:v10+s7+$0x0] =	vst.idx.msk $0xffff, v9  }
0x22a: {  	v10 =	vadd.s32 v3, v8;
	v9 =	vld [tilespmem:s9+$0xFFFFFFF0];
	_ =	sdelay $0x4  }
0x22b: {  	[tilespmem:v10+s7+$0x0] =	vst.idx.msk $0xffff, v9  }
0x22c: {  	v10 =	vadd.s32 v4, v8;
	v9 =	vld [tilespmem:s9+$0x0];
	_ =	sdelay $0x4  }
0x22d: {  	[tilespmem:v10+s7+$0x0] =	vst.idx.msk $0xffff, v9  }
0x22e: {  	v10 =	vadd.s32 v5, v8;
	v9 =	vld [tilespmem:s9+$0x10];
	_ =	sdelay $0x4  }
0x22f: {  	[tilespmem:v10+s7+$0x0] =	vst.idx.msk $0xffff, v9  }
0x230: {  	v10 =	vadd.s32 v6, v8;
	v9 =	vld [tilespmem:s9+$0x20];
	_ =	sdelay $0x4  }
0x231: {  	[tilespmem:v10+s7+$0x0] =	vst.idx.msk $0xffff, v9  }
0x232: {  	s10 =	simm.s32 $0x0;
	v10 =	vadd.s32 v7, v8;
	v9 =	vld [tilespmem:s9+$0x30]  }
.LBB2_24:
0x233: {  	_ =	sdelay $0x3  }
0x234: {  	s10 =	sadd.s32 $0x8, s10;
	v8 =	vadd.s32 $0x8, v8;
	s9 =	sadd.s32 $0x80, s9;
	[tilespmem:v10+s7+$0x0] =	vst.idx.msk $0xffff, v9  }
0x235: {  	p0 =	slt.u32 s10, $0x3F8;
	v10 =	vadd.s32 v0, v8;
	v9 =	vld [tilespmem:s9+$0xFFFFFFC0];
	_ =	sdelay $0x4  }
0x236: {  	[tilespmem:v10+s7+$0x0] =	vst.idx.msk $0xffff, v9  }
0x237: {  	v10 =	vadd.s32 v1, v8;
	v9 =	vld [tilespmem:s9+$0xFFFFFFD0];
	_ =	sdelay $0x4  }
0x238: {  	[tilespmem:v10+s7+$0x0] =	vst.idx.msk $0xffff, v9  }
0x239: {  	v10 =	vadd.s32 v2, v8;
	v9 =	vld [tilespmem:s9+$0xFFFFFFE0];
	_ =	sdelay $0x4  }
0x23a: {  	[tilespmem:v10+s7+$0x0] =	vst.idx.msk $0xffff, v9  }
0x23b: {  	v10 =	vadd.s32 v3, v8;
	v9 =	vld [tilespmem:s9+$0xFFFFFFF0];
	_ =	sdelay $0x4  }
0x23c: {  	[tilespmem:v10+s7+$0x0] =	vst.idx.msk $0xffff, v9  }
0x23d: {  	v10 =	vadd.s32 v4, v8;
	v9 =	vld [tilespmem:s9+$0x0];
	_ =	sdelay $0x4  }
0x23e: {  	[tilespmem:v10+s7+$0x0] =	vst.idx.msk $0xffff, v9  }
0x23f: {  	v10 =	vadd.s32 v5, v8;
	v9 =	vld [tilespmem:s9+$0x10];
	_ =	sdelay $0x4  }
0x240: {  	[tilespmem:v10+s7+$0x0] =	vst.idx.msk $0xffff, v9  }
0x241: {  	v10 =	vadd.s32 v6, v8;
	v9 =	vld [tilespmem:s9+$0x20];
	_ =	sdelay $0x1  }
.Ltmp11:
0x242: {  	(pc) =	sbr.rel @p0 .LBB2_24-.Ltmp11, $3  }
0x243: {  	_ =	sdelay $0x1  }
0x244: {  	[tilespmem:v10+s7+$0x0] =	vst.idx.msk $0xffff, v9  }
0x245: {  	v10 =	vadd.s32 v7, v8;
	v9 =	vld [tilespmem:s9+$0x30]  }
0x246: {  	_ =	sdelay $0x3  }
0x247: {  	[tilespmem:v10+s7+$0x0] =	vst.idx.msk $0xffff, v9  }
0x248: {  	[hbm4b:s31+s17] =	stream.linear.scatter [tilespmem:s7], [sflag:$0x1], $0x4000, $0x38;
	[tilespmem:$0x8000] =	vst v63  }
0x249: {  	_ =	swait.ge [sflag:s4], $0x4000  }
0x24a: {  	[sflag:s4] =	ssyncset.done $0x0  }
0x24b: {  	[sflag:s4] =	ssyncadd.s32 $0xFFFFC000  }
0x24c: {  	[tilespmem:s17], [sflag:$0x1] =	stream.strided.gather [hbm4b:s13+s5], $0x4000, s6, s5, $0x38;
	[tilespmem:$0x8000] =	vst v63  }
0x24d: {  	_ =	swait.ge [sflag:s4], $0x4000  }
0x24e: {  	[sflag:s4] =	ssyncset.done $0x0  }
0x24f: {  	v8 =	vimm.s32 $0x0;
	s9 =	simm.s32 $0x40;
	[sflag:s4] =	ssyncadd.s32 $0xFFFFC000  }
0x250: {  	v10 =	vadd.s32 v0, v8;
	v9 =	vld [tilespmem:s9+$0xFFFFFFC0];
	_ =	sdelay $0x4  }
0x251: {  	[tilespmem:v10+s7+$0x0] =	vst.idx.msk $0xffff, v9  }
0x252: {  	v10 =	vadd.s32 v1, v8;
	v9 =	vld [tilespmem:s9+$0xFFFFFFD0];
	_ =	sdelay $0x4  }
0x253: {  	[tilespmem:v10+s7+$0x0] =	vst.idx.msk $0xffff, v9  }
0x254: {  	v10 =	vadd.s32 v2, v8;
	v9 =	vld [tilespmem:s9+$0xFFFFFFE0];
	_ =	sdelay $0x4  }
0x255: {  	[tilespmem:v10+s7+$0x0] =	vst.idx.msk $0xffff, v9  }
0x256: {  	v10 =	vadd.s32 v3, v8;
	v9 =	vld [tilespmem:s9+$0xFFFFFFF0];
	_ =	sdelay $0x4  }
0x257: {  	[tilespmem:v10+s7+$0x0] =	vst.idx.msk $0xffff, v9  }
0x258: {  	v10 =	vadd.s32 v4, v8;
	v9 =	vld [tilespmem:s9+$0x0];
	_ =	sdelay $0x4  }
0x259: {  	[tilespmem:v10+s7+$0x0] =	vst.idx.msk $0xffff, v9  }
0x25a: {  	v10 =	vadd.s32 v5, v8;
	v9 =	vld [tilespmem:s9+$0x10];
	_ =	sdelay $0x4  }
0x25b: {  	[tilespmem:v10+s7+$0x0] =	vst.idx.msk $0xffff, v9  }
0x25c: {  	v10 =	vadd.s32 v6, v8;
	v9 =	vld [tilespmem:s9+$0x20];
	_ =	sdelay $0x4  }
0x25d: {  	[tilespmem:v10+s7+$0x0] =	vst.idx.msk $0xffff, v9  }
0x25e: {  	s10 =	simm.s32 $0x0;
	v10 =	vadd.s32 v7, v8;
	v9 =	vld [tilespmem:s9+$0x30]  }
.LBB2_26:
0x25f: {  	_ =	sdelay $0x3  }
0x260: {  	s10 =	sadd.s32 $0x8, s10;
	v8 =	vadd.s32 $0x8, v8;
	s9 =	sadd.s32 $0x80, s9;
	[tilespmem:v10+s7+$0x0] =	vst.idx.msk $0xffff, v9  }
0x261: {  	p0 =	slt.u32 s10, $0x3F8;
	v10 =	vadd.s32 v0, v8;
	v9 =	vld [tilespmem:s9+$0xFFFFFFC0];
	_ =	sdelay $0x4  }
0x262: {  	[tilespmem:v10+s7+$0x0] =	vst.idx.msk $0xffff, v9  }
0x263: {  	v10 =	vadd.s32 v1, v8;
	v9 =	vld [tilespmem:s9+$0xFFFFFFD0];
	_ =	sdelay $0x4  }
0x264: {  	[tilespmem:v10+s7+$0x0] =	vst.idx.msk $0xffff, v9  }
0x265: {  	v10 =	vadd.s32 v2, v8;
	v9 =	vld [tilespmem:s9+$0xFFFFFFE0];
	_ =	sdelay $0x4  }
0x266: {  	[tilespmem:v10+s7+$0x0] =	vst.idx.msk $0xffff, v9  }
0x267: {  	v10 =	vadd.s32 v3, v8;
	v9 =	vld [tilespmem:s9+$0xFFFFFFF0];
	_ =	sdelay $0x4  }
0x268: {  	[tilespmem:v10+s7+$0x0] =	vst.idx.msk $0xffff, v9  }
0x269: {  	v10 =	vadd.s32 v4, v8;
	v9 =	vld [tilespmem:s9+$0x0];
	_ =	sdelay $0x4  }
0x26a: {  	[tilespmem:v10+s7+$0x0] =	vst.idx.msk $0xffff, v9  }
0x26b: {  	v10 =	vadd.s32 v5, v8;
	v9 =	vld [tilespmem:s9+$0x10];
	_ =	sdelay $0x4  }
0x26c: {  	[tilespmem:v10+s7+$0x0] =	vst.idx.msk $0xffff, v9  }
0x26d: {  	v10 =	vadd.s32 v6, v8;
	v9 =	vld [tilespmem:s9+$0x20];
	_ =	sdelay $0x1  }
.Ltmp12:
0x26e: {  	(pc) =	sbr.rel @p0 .LBB2_26-.Ltmp12, $3  }
0x26f: {  	_ =	sdelay $0x1  }
0x270: {  	[tilespmem:v10+s7+$0x0] =	vst.idx.msk $0xffff, v9  }
0x271: {  	v10 =	vadd.s32 v7, v8;
	v9 =	vld [tilespmem:s9+$0x30]  }
0x272: {  	_ =	sdelay $0x3  }
0x273: {  	[tilespmem:v10+s7+$0x0] =	vst.idx.msk $0xffff, v9  }
0x274: {  	[hbm4b:s30+s17] =	stream.linear.scatter [tilespmem:s7], [sflag:$0x1], $0x4000, $0x38;
	[tilespmem:$0x8000] =	vst v63  }
0x275: {  	_ =	swait.ge [sflag:s4], $0x4000  }
0x276: {  	[sflag:s4] =	ssyncset.done $0x0  }
0x277: {  	[sflag:s4] =	ssyncadd.s32 $0xFFFFC000  }
0x278: {  	[tilespmem:s17], [sflag:$0x1] =	stream.strided.gather [hbm4b:s14+s5], $0x4000, s6, s5, $0x38;
	[tilespmem:$0x8000] =	vst v63  }
0x279: {  	_ =	swait.ge [sflag:s4], $0x4000  }
0x27a: {  	[sflag:s4] =	ssyncset.done $0x0  }
0x27b: {  	v8 =	vimm.s32 $0x0;
	s9 =	simm.s32 $0x40;
	[sflag:s4] =	ssyncadd.s32 $0xFFFFC000  }
0x27c: {  	v10 =	vadd.s32 v0, v8;
	v9 =	vld [tilespmem:s9+$0xFFFFFFC0];
	_ =	sdelay $0x4  }
0x27d: {  	[tilespmem:v10+s7+$0x0] =	vst.idx.msk $0xffff, v9  }
0x27e: {  	v10 =	vadd.s32 v1, v8;
	v9 =	vld [tilespmem:s9+$0xFFFFFFD0];
	_ =	sdelay $0x4  }
0x27f: {  	[tilespmem:v10+s7+$0x0] =	vst.idx.msk $0xffff, v9  }
0x280: {  	v10 =	vadd.s32 v2, v8;
	v9 =	vld [tilespmem:s9+$0xFFFFFFE0];
	_ =	sdelay $0x4  }
0x281: {  	[tilespmem:v10+s7+$0x0] =	vst.idx.msk $0xffff, v9  }
0x282: {  	v10 =	vadd.s32 v3, v8;
	v9 =	vld [tilespmem:s9+$0xFFFFFFF0];
	_ =	sdelay $0x4  }
0x283: {  	[tilespmem:v10+s7+$0x0] =	vst.idx.msk $0xffff, v9  }
0x284: {  	v10 =	vadd.s32 v4, v8;
	v9 =	vld [tilespmem:s9+$0x0];
	_ =	sdelay $0x4  }
0x285: {  	[tilespmem:v10+s7+$0x0] =	vst.idx.msk $0xffff, v9  }
0x286: {  	v10 =	vadd.s32 v5, v8;
	v9 =	vld [tilespmem:s9+$0x10];
	_ =	sdelay $0x4  }
0x287: {  	[tilespmem:v10+s7+$0x0] =	vst.idx.msk $0xffff, v9  }
0x288: {  	v10 =	vadd.s32 v6, v8;
	v9 =	vld [tilespmem:s9+$0x20];
	_ =	sdelay $0x4  }
0x289: {  	[tilespmem:v10+s7+$0x0] =	vst.idx.msk $0xffff, v9  }
0x28a: {  	s10 =	simm.s32 $0x0;
	v10 =	vadd.s32 v7, v8;
	v9 =	vld [tilespmem:s9+$0x30]  }
.LBB2_28:
0x28b: {  	_ =	sdelay $0x3  }
0x28c: {  	s10 =	sadd.s32 $0x8, s10;
	v8 =	vadd.s32 $0x8, v8;
	s9 =	sadd.s32 $0x80, s9;
	[tilespmem:v10+s7+$0x0] =	vst.idx.msk $0xffff, v9  }
0x28d: {  	p0 =	slt.u32 s10, $0x3F8;
	v10 =	vadd.s32 v0, v8;
	v9 =	vld [tilespmem:s9+$0xFFFFFFC0];
	_ =	sdelay $0x4  }
0x28e: {  	[tilespmem:v10+s7+$0x0] =	vst.idx.msk $0xffff, v9  }
0x28f: {  	v10 =	vadd.s32 v1, v8;
	v9 =	vld [tilespmem:s9+$0xFFFFFFD0];
	_ =	sdelay $0x4  }
0x290: {  	[tilespmem:v10+s7+$0x0] =	vst.idx.msk $0xffff, v9  }
0x291: {  	v10 =	vadd.s32 v2, v8;
	v9 =	vld [tilespmem:s9+$0xFFFFFFE0];
	_ =	sdelay $0x4  }
0x292: {  	[tilespmem:v10+s7+$0x0] =	vst.idx.msk $0xffff, v9  }
0x293: {  	v10 =	vadd.s32 v3, v8;
	v9 =	vld [tilespmem:s9+$0xFFFFFFF0];
	_ =	sdelay $0x4  }
0x294: {  	[tilespmem:v10+s7+$0x0] =	vst.idx.msk $0xffff, v9  }
0x295: {  	v10 =	vadd.s32 v4, v8;
	v9 =	vld [tilespmem:s9+$0x0];
	_ =	sdelay $0x4  }
0x296: {  	[tilespmem:v10+s7+$0x0] =	vst.idx.msk $0xffff, v9  }
0x297: {  	v10 =	vadd.s32 v5, v8;
	v9 =	vld [tilespmem:s9+$0x10];
	_ =	sdelay $0x4  }
0x298: {  	[tilespmem:v10+s7+$0x0] =	vst.idx.msk $0xffff, v9  }
0x299: {  	v10 =	vadd.s32 v6, v8;
	v9 =	vld [tilespmem:s9+$0x20];
	_ =	sdelay $0x1  }
.Ltmp13:
0x29a: {  	(pc) =	sbr.rel @p0 .LBB2_28-.Ltmp13, $3  }
0x29b: {  	_ =	sdelay $0x1  }
0x29c: {  	[tilespmem:v10+s7+$0x0] =	vst.idx.msk $0xffff, v9  }
0x29d: {  	v10 =	vadd.s32 v7, v8;
	v9 =	vld [tilespmem:s9+$0x30]  }
0x29e: {  	_ =	sdelay $0x3  }
0x29f: {  	[tilespmem:v10+s7+$0x0] =	vst.idx.msk $0xffff, v9  }
0x2a0: {  	[hbm4b:s0+s17] =	stream.linear.scatter [tilespmem:s7], [sflag:$0x1], $0x4000, $0x38;
	[tilespmem:$0x8000] =	vst v63  }
0x2a1: {  	_ =	swait.ge [sflag:s4], $0x4000  }
0x2a2: {  	[sflag:s4] =	ssyncset.done $0x0  }
0x2a3: {  	[sflag:s4] =	ssyncadd.s32 $0xFFFFC000  }
0x2a4: {  	[tilespmem:s17], [sflag:$0x1] =	stream.strided.gather [hbm4b:s15+s5], $0x4000, s6, s5, $0x38;
	[tilespmem:$0x8000] =	vst v63  }
0x2a5: {  	_ =	swait.ge [sflag:s4], $0x4000  }
0x2a6: {  	[sflag:s4] =	ssyncset.done $0x0  }
0x2a7: {  	v8 =	vimm.s32 $0x0;
	s9 =	simm.s32 $0x40;
	[sflag:s4] =	ssyncadd.s32 $0xFFFFC000  }
0x2a8: {  	v10 =	vadd.s32 v0, v8;
	v9 =	vld [tilespmem:s9+$0xFFFFFFC0];
	_ =	sdelay $0x4  }
0x2a9: {  	[tilespmem:v10+s7+$0x0] =	vst.idx.msk $0xffff, v9  }
0x2aa: {  	v10 =	vadd.s32 v1, v8;
	v9 =	vld [tilespmem:s9+$0xFFFFFFD0];
	_ =	sdelay $0x4  }
0x2ab: {  	[tilespmem:v10+s7+$0x0] =	vst.idx.msk $0xffff, v9  }
0x2ac: {  	v10 =	vadd.s32 v2, v8;
	v9 =	vld [tilespmem:s9+$0xFFFFFFE0];
	_ =	sdelay $0x4  }
0x2ad: {  	[tilespmem:v10+s7+$0x0] =	vst.idx.msk $0xffff, v9  }
0x2ae: {  	v10 =	vadd.s32 v3, v8;
	v9 =	vld [tilespmem:s9+$0xFFFFFFF0];
	_ =	sdelay $0x4  }
0x2af: {  	[tilespmem:v10+s7+$0x0] =	vst.idx.msk $0xffff, v9  }
0x2b0: {  	v10 =	vadd.s32 v4, v8;
	v9 =	vld [tilespmem:s9+$0x0];
	_ =	sdelay $0x4  }
0x2b1: {  	[tilespmem:v10+s7+$0x0] =	vst.idx.msk $0xffff, v9  }
0x2b2: {  	v10 =	vadd.s32 v5, v8;
	v9 =	vld [tilespmem:s9+$0x10];
	_ =	sdelay $0x4  }
0x2b3: {  	[tilespmem:v10+s7+$0x0] =	vst.idx.msk $0xffff, v9  }
0x2b4: {  	v10 =	vadd.s32 v6, v8;
	v9 =	vld [tilespmem:s9+$0x20];
	_ =	sdelay $0x4  }
0x2b5: {  	[tilespmem:v10+s7+$0x0] =	vst.idx.msk $0xffff, v9  }
0x2b6: {  	s10 =	simm.s32 $0x0;
	v10 =	vadd.s32 v7, v8;
	v9 =	vld [tilespmem:s9+$0x30]  }
.LBB2_30:
0x2b7: {  	_ =	sdelay $0x3  }
0x2b8: {  	s10 =	sadd.s32 $0x8, s10;
	v8 =	vadd.s32 $0x8, v8;
	s9 =	sadd.s32 $0x80, s9;
	[tilespmem:v10+s7+$0x0] =	vst.idx.msk $0xffff, v9  }
0x2b9: {  	p0 =	slt.u32 s10, $0x3F8;
	v10 =	vadd.s32 v0, v8;
	v9 =	vld [tilespmem:s9+$0xFFFFFFC0];
	_ =	sdelay $0x4  }
0x2ba: {  	[tilespmem:v10+s7+$0x0] =	vst.idx.msk $0xffff, v9  }
0x2bb: {  	v10 =	vadd.s32 v1, v8;
	v9 =	vld [tilespmem:s9+$0xFFFFFFD0];
	_ =	sdelay $0x4  }
0x2bc: {  	[tilespmem:v10+s7+$0x0] =	vst.idx.msk $0xffff, v9  }
0x2bd: {  	v10 =	vadd.s32 v2, v8;
	v9 =	vld [tilespmem:s9+$0xFFFFFFE0];
	_ =	sdelay $0x4  }
0x2be: {  	[tilespmem:v10+s7+$0x0] =	vst.idx.msk $0xffff, v9  }
0x2bf: {  	v10 =	vadd.s32 v3, v8;
	v9 =	vld [tilespmem:s9+$0xFFFFFFF0];
	_ =	sdelay $0x4  }
0x2c0: {  	[tilespmem:v10+s7+$0x0] =	vst.idx.msk $0xffff, v9  }
0x2c1: {  	v10 =	vadd.s32 v4, v8;
	v9 =	vld [tilespmem:s9+$0x0];
	_ =	sdelay $0x4  }
0x2c2: {  	[tilespmem:v10+s7+$0x0] =	vst.idx.msk $0xffff, v9  }
0x2c3: {  	v10 =	vadd.s32 v5, v8;
	v9 =	vld [tilespmem:s9+$0x10];
	_ =	sdelay $0x4  }
0x2c4: {  	[tilespmem:v10+s7+$0x0] =	vst.idx.msk $0xffff, v9  }
0x2c5: {  	v10 =	vadd.s32 v6, v8;
	v9 =	vld [tilespmem:s9+$0x20];
	_ =	sdelay $0x1  }
.Ltmp14:
0x2c6: {  	(pc) =	sbr.rel @p0 .LBB2_30-.Ltmp14, $3  }
0x2c7: {  	_ =	sdelay $0x1  }
0x2c8: {  	[tilespmem:v10+s7+$0x0] =	vst.idx.msk $0xffff, v9  }
0x2c9: {  	v10 =	vadd.s32 v7, v8;
	v9 =	vld [tilespmem:s9+$0x30]  }
0x2ca: {  	_ =	sdelay $0x3  }
0x2cb: {  	[tilespmem:v10+s7+$0x0] =	vst.idx.msk $0xffff, v9  }
0x2cc: {  	[hbm4b:s1+s17] =	stream.linear.scatter [tilespmem:s7], [sflag:$0x1], $0x4000, $0x38;
	[tilespmem:$0x8000] =	vst v63  }
0x2cd: {  	_ =	swait.ge [sflag:s4], $0x4000  }
0x2ce: {  	[sflag:s4] =	ssyncset.done $0x0  }
0x2cf: {  	[sflag:s4] =	ssyncadd.s32 $0xFFFFC000  }
0x2d0: {  	[tilespmem:s17], [sflag:$0x1] =	stream.strided.gather [hbm4b:s16+s5], $0x4000, s6, s5, $0x38;
	[tilespmem:$0x8000] =	vst v63  }
0x2d1: {  	_ =	swait.ge [sflag:s4], $0x4000  }
0x2d2: {  	[sflag:s4] =	ssyncset.done $0x0  }
0x2d3: {  	v8 =	vimm.s32 $0x0;
	s9 =	simm.s32 $0x40;
	[sflag:s4] =	ssyncadd.s32 $0xFFFFC000  }
0x2d4: {  	v10 =	vadd.s32 v0, v8;
	v9 =	vld [tilespmem:s9+$0xFFFFFFC0];
	_ =	sdelay $0x4  }
0x2d5: {  	[tilespmem:v10+s7+$0x0] =	vst.idx.msk $0xffff, v9  }
0x2d6: {  	v10 =	vadd.s32 v1, v8;
	v9 =	vld [tilespmem:s9+$0xFFFFFFD0];
	_ =	sdelay $0x4  }
0x2d7: {  	[tilespmem:v10+s7+$0x0] =	vst.idx.msk $0xffff, v9  }
0x2d8: {  	v10 =	vadd.s32 v2, v8;
	v9 =	vld [tilespmem:s9+$0xFFFFFFE0];
	_ =	sdelay $0x4  }
0x2d9: {  	[tilespmem:v10+s7+$0x0] =	vst.idx.msk $0xffff, v9  }
0x2da: {  	v10 =	vadd.s32 v3, v8;
	v9 =	vld [tilespmem:s9+$0xFFFFFFF0];
	_ =	sdelay $0x4  }
0x2db: {  	[tilespmem:v10+s7+$0x0] =	vst.idx.msk $0xffff, v9  }
0x2dc: {  	v10 =	vadd.s32 v4, v8;
	v9 =	vld [tilespmem:s9+$0x0];
	_ =	sdelay $0x4  }
0x2dd: {  	[tilespmem:v10+s7+$0x0] =	vst.idx.msk $0xffff, v9  }
0x2de: {  	v10 =	vadd.s32 v5, v8;
	v9 =	vld [tilespmem:s9+$0x10];
	_ =	sdelay $0x4  }
0x2df: {  	[tilespmem:v10+s7+$0x0] =	vst.idx.msk $0xffff, v9  }
0x2e0: {  	v10 =	vadd.s32 v6, v8;
	v9 =	vld [tilespmem:s9+$0x20];
	_ =	sdelay $0x4  }
0x2e1: {  	[tilespmem:v10+s7+$0x0] =	vst.idx.msk $0xffff, v9  }
0x2e2: {  	s10 =	simm.s32 $0x0;
	v10 =	vadd.s32 v7, v8;
	v9 =	vld [tilespmem:s9+$0x30]  }
.LBB2_32:
0x2e3: {  	_ =	sdelay $0x3  }
0x2e4: {  	s10 =	sadd.s32 $0x8, s10;
	v8 =	vadd.s32 $0x8, v8;
	s9 =	sadd.s32 $0x80, s9;
	[tilespmem:v10+s7+$0x0] =	vst.idx.msk $0xffff, v9  }
0x2e5: {  	p0 =	slt.u32 s10, $0x3F8;
	v10 =	vadd.s32 v0, v8;
	v9 =	vld [tilespmem:s9+$0xFFFFFFC0];
	_ =	sdelay $0x4  }
0x2e6: {  	[tilespmem:v10+s7+$0x0] =	vst.idx.msk $0xffff, v9  }
0x2e7: {  	v10 =	vadd.s32 v1, v8;
	v9 =	vld [tilespmem:s9+$0xFFFFFFD0];
	_ =	sdelay $0x4  }
0x2e8: {  	[tilespmem:v10+s7+$0x0] =	vst.idx.msk $0xffff, v9  }
0x2e9: {  	v10 =	vadd.s32 v2, v8;
	v9 =	vld [tilespmem:s9+$0xFFFFFFE0];
	_ =	sdelay $0x4  }
0x2ea: {  	[tilespmem:v10+s7+$0x0] =	vst.idx.msk $0xffff, v9  }
0x2eb: {  	v10 =	vadd.s32 v3, v8;
	v9 =	vld [tilespmem:s9+$0xFFFFFFF0];
	_ =	sdelay $0x4  }
0x2ec: {  	[tilespmem:v10+s7+$0x0] =	vst.idx.msk $0xffff, v9  }
0x2ed: {  	v10 =	vadd.s32 v4, v8;
	v9 =	vld [tilespmem:s9+$0x0];
	_ =	sdelay $0x4  }
0x2ee: {  	[tilespmem:v10+s7+$0x0] =	vst.idx.msk $0xffff, v9  }
0x2ef: {  	v10 =	vadd.s32 v5, v8;
	v9 =	vld [tilespmem:s9+$0x10];
	_ =	sdelay $0x4  }
0x2f0: {  	[tilespmem:v10+s7+$0x0] =	vst.idx.msk $0xffff, v9  }
0x2f1: {  	v10 =	vadd.s32 v6, v8;
	v9 =	vld [tilespmem:s9+$0x20];
	_ =	sdelay $0x1  }
.Ltmp15:
0x2f2: {  	(pc) =	sbr.rel @p0 .LBB2_32-.Ltmp15, $3  }
0x2f3: {  	_ =	sdelay $0x1  }
0x2f4: {  	[tilespmem:v10+s7+$0x0] =	vst.idx.msk $0xffff, v9  }
0x2f5: {  	v10 =	vadd.s32 v7, v8;
	v9 =	vld [tilespmem:s9+$0x30]  }
0x2f6: {  	_ =	sdelay $0x1  }
0x2f7: {  	s8 =	sadd.s32 $0x1, s8  }
0x2f8: {  	p0 =	sne.s32 s8, s3  }
.Ltmp16:
0x2f9: {  	[tilespmem:v10+s7+$0x0] =	vst.idx.msk $0xffff, v9;
	(pc) =	sbr.rel @p0 .LBB2_1-.Ltmp16, $4  }
0x2fa: {  	[hbm4b:s2+s17] =	stream.linear.scatter [tilespmem:s7], [sflag:$0x1], $0x4000, $0x38;
	[tilespmem:$0x8000] =	vst v63  }
0x2fb: {  	_ =	swait.ge [sflag:s4], $0x4000  }
0x2fc: {  	[sflag:s4] =	ssyncset.done $0x0  }
0x2fd: {  	[sflag:s4] =	ssyncadd.s32 $0xFFFFC000  }
0x2fe: {  	_ =	sfence.sel $0x180000  }
0x2ff: {  	[bflag:$0x0] =	sbarrier.arrive $0xFFFF  }
0x300: {  	_ =	strace $0x9000004A  }
0x301: {  	s0 =	stileid.u32;
	[bflag:$0x2] =	sbarrier.arrive $0xFFFF  }
0x302: {  	p0 =	sne.s32 s0, $0x0;
	s0 =	rddreg [dreg:$0x2]  }
0x303: {  	s0 =	sadd.s32 @!p0 $0x100000, s0  }
0x304: {  	[sflag:s0] =	ssyncadd.tile.s32 @!p0 $0x1;
	_ =	shalt  }
.Lfunc_end2:
_tile_overlayer_lowered:
.L_overlay_start_2:
0x305: {  	(tag) =	ssettag $0x2  }
0x306: {  	s0 =	rddreg [dreg:$0x0];
	s2 =	stileid.u32  }
0x307: {  	s1 =	rddreg [dreg:$0x1];
	p0 =	sne.s32 s2, $0x0  }
0x308: {  	s3 =	rddreg [dreg:$0x2];
	[bflag:$0x3] =	sbarrier.arrive $0xFFFF;
	s2 =	simm.s32 @!p0 $0x1C01  }
0x309: {  	[timem:s3], [sflag:s2] =	dma.local @!p0 [hbm:s0], s1  }
0x30a: {  	s0 =	simm.s32 @!p0 $0x1  }
0x30b: {  	_ =	swait.ge @!p0 [sflag:s0], s1  }
0x30c: {  	s1 =	ssub.s32 @!p0 $0x0, s1;
	[sflag:s0] =	ssyncset.done @!p0 $0x0  }
0x30d: {  	[sflag:s0] =	ssyncadd.s32 @!p0 s1  }
0x30e: {  	[bflag:$0x3] =	sbarrier.arrive $0xFFFF  }
0x30f: {  	_ =	shalt  }

// kernel: sparse-core-data-format-call.cloned.1.call-start
scs
called_computation_lowered:
.L_overlay_start_0:
0x0: {  	s2 =	sld [smem:$0x3FD9]  }
0x1: {  	s3 =	sld [smem:$0x3FFE];
	_ =	sdelay $0x1  }
0x2: {  	s1 =	srdreg.scid  }
0x3: {  	s0 =	sand.u32 $0x1, s1  }
0x4: {  	s18 =	sshll.u32 s0, $0xA;
	s2 =	sadd.s32 s3, s2  }
0x5: {  	s2 =	sadd.s32 s2, s18  }
0x6: {  	[smem:$0x3FC7] =	sst s2  }
0x7: {  	_ = 	snop  }
0x8: {  	s2 =	sld [smem:$0x3FC9];
	(tm) =	ssettm $0x1  }
0x9: {  	s19 =	sld [smem:$0x3FFB];
	_ =	sdelay $0x3  }
0xa: {  	_ =	strace s19  }
0xb: {  	s3 =	sld [smem:$0x3FFC];
	_ =	sdelay $0x3  }
0xc: {  	_ =	strace s3  }
0xd: {  	s3 =	sld [smem:$0x3FFD];
	_ =	sdelay $0x3  }
0xe: {  	_ =	strace s3  }
0xf: {  	_ =	strace $0x8FFFFFFF  }
0x10: {  	s20 =	sld [smem:$0x3FDB];
	_ =	sdelay $0x1  }
0x11: {  	s4 =	simm.s32 $_scs_section_size  }
0x12: {  	s5 =	simm.s32 $_size__tile_overlayer_lowered;
	s6 =	simm.s32 $_tile_overlayer_lowered  }
0x13: {  	s23 =	simm.s32 $0x1BFF;
	s22 =	sshll.u32 s6, $0x1;
	s3 =	sadd.s32 s4, s20  }
0x14: {  	s7 =	simm.s32 $0x0;
	s21 =	sshll.u32 s5, $0x1;
	s5 =	sadd.s32 s22, s3  }
0x15: {  	[timem:s7], [sflag:s23] =	dma.local [hbm:s5], s21  }
0x16: {  	_ =	swait.ge [sflag:s23], s21  }
0x17: {  	s4 =	ssub.s32 $0x0, s21;
	[sflag:s23] =	ssyncset.done $0x0  }
0x18: {  	[sflag:s23] =	ssyncadd.s32 s4;
	_ =	sdelay $0x1  }
0x19: {  	s24 =	simm.s32 $0x1B8B  }
0x1a: {  	_ =	swait.ge [sflag:s24], $0x1  }
0x1b: {  	[sflag:s24] =	ssyncset.done $0x0  }
0x1c: {  	s26 =	simm.s32 $0x1B8E;
	s25 =	sld [smem:$0x3FFE];
	[sflag:s24] =	ssyncadd.s32 $0xFFFFFFFF  }
0x1d: {  	s27 =	simm.s32 $execute0_lowered;
	[smem:$0x3FD2] =	sst s26  }
0x1e: {  	s5 =	sshll.u32 s27, $0x1;
	_ =	strace $0x80000046;
	[dreg:$0x1] =	wrdreg $0xFFFFFFFF  }
0x1f: {  	s28 =	simm.s32 $_size_execute0_lowered;
	s3 =	sadd.s32 s3, s5;
	[dreg:$0x0] =	wrdreg $0x0  }
0x20: {  	s5 =	sshll.u32 s28, $0x1;
	[dreg:$0x2] =	wrdreg s3  }
0x21: {  	[dreg:$0x3] =	wrdreg s5  }
0x22: {  	[dreg:$0x4] =	wrdreg $0xC0  }
0x23: {  	_ =	task [dreg:s7], $0x5FFFF  }
0x24: {  	[dreg:$0x1] =	wrdreg $0xFFFFFFFF  }
0x25: {  	[dreg:$0x0] =	wrdreg $0x60  }
0x26: {  	[dreg:$0x2] =	wrdreg s2  }
0x27: {  	[dreg:$0x3] =	wrdreg s25  }
0x28: {  	[dreg:$0x4] =	wrdreg $0x9  }
0x29: {  	_ =	task.clear_ibuf [dreg:s7], $0x5FFFF;
	_ =	strace $0x90000046  }
0x2a: {  	s29 =	simm.s32 $0x9;
	_ =	strace $0x80000048  }
0x2b: {  	_ =	swait.ge [sflag:s29], $0x1  }
0x2c: {  	[sflag:s29] =	ssyncadd.s32 $0xFFFFFFFF  }
0x2d: {  	_ =	strace $0x90000048  }
0x2e: {  	_ =	sfence  }
0x2f: {  	s30 =	sld [smem:$0x0];
	_ =	sdelay $0x2  }
0x30: {  	s31 =	sshll.u32 s1, $0xD;
	s1 =	sshrl.u32 s1, $0x2  }
0x31: {  	s3 =	sand.u32 $0x4000, s31;
	s1 =	sadd.s32 s1, s30  }
0x32: {  	s0 =	sor.u32 s3, s0;
	s1 =	sshll.u32 s1, $0x11  }
0x33: {  	s0 =	sor.u32 s1, s0  }
0x34: {  	s0 =	sadd.s32 $0x8F2B, s0  }
0x35: {  	[sflag:s0] =	ssyncadd.remote.s32 $0x1  }
0x36: {  	_ =	sfence.sel $0xFFFF  }
0x37: {  	[dreg:$0x0] =	wrdreg $0xFFFFFFFF;
	(pc) =	sbr.abs _section_cstart, $3  }
0x38: {  	[dreg:$0x1] =	wrdreg $0xFFFFFFFF  }
0x39: {  	_ =	task.clear_ibuf [dreg:s7], $0x2FFFF;
	_ =	strace $0x9FFFFFFF  }
0x3a: {  	(tm) =	ssettm $0x7FFFFFFF  }
0x3b: {  	_ =	shalt  }
tec
execute0_lowered:
.L_overlay_start_1:
0x0: {  	(tag) =	ssettag $0x1  }
0x1: {  	s0 =	srdreg.scid  }
0x2: {  	s1 =	sshll.u32 s0, $0x4  }
0x3: {  	s2 =	rddreg [dreg:$0x0];
	s0 =	stileid.u32;
	s1 =	sand.u32 $0x10, s1  }
0x4: {  	s4 =	rddreg [dreg:$0x1];
	s7 =	simm.s32 $0x1;
	s1 =	sor.u32 s0, s1  }
0x5: {  	s8 =	simm.s32 $0x2;
	s9 =	simm.s32 $0x0;
	s3 =	sshll.u32 s1, $0x2  }
0x6: {  	s12 =	simm.s32 $0x0;
	s11 =	simm.s32 $0x0;
	s6 =	ssub.s32 $0x800, s3  }
.Ltmp0:
0x7: {  	s4 =	sadd.s32 $0x800, s4;
	s5 =	sand.u32 $0x7C, s6;
	(pc) =	sbr.rel .LBB1_1-.Ltmp0, $4  }
0x8: {  	s1 =	rddreg [dreg:$0x2];
	_ =	strace $0x80000047;
	p0 =	sne.s32 s5, $0x0  }
0x9: {  	s6 =	sshrl.u32 s6, $0x7;
	s5 =	simm.s32 $0x1;
	s7 =	simm.s32 @!p0 $0x0  }
0xa: {  	s10 =	smov.u32 s3;
	[sflag:s5] =	ssyncpa.u1 $0x0;
	s6 =	sadd.s32 s7, s6  }
0xb: {  	[sflag:s8] =	ssyncpa.u1 $0x0;
	s8 =	simm.s32 $0x0;
	s7 =	sadd.s32 $0x1, s6  }
.LBB1_9:
0xc: {  	s14 =	sadd.s32 $0x80, s10  }
0xd: {  	p1 =	sgt.s32 s14, $0x7FF  }
0xe: {  	s14 =	smov.u32 @p1 s3;
	p1 =	sne.s32 s11, s7  }
.Ltmp1:
0xf: {  	p0 =	slt.u32 s11, $0x2;
	(pc) =	sbr.rel @!p1 .LBB1_10-.Ltmp1, $4  }
0x10: {  	s13 =	simm.s32 @!p0 $0x2  }
0x11: {  	s15 =	sadd.s32 $0x1, s11;
	_ =	swait.ge @!p0 [sflag:s13], $0x4000  }
0x12: {  	s12 =	smov.u32 s10;
	s9 =	sadd.s32 $0x4000, s9;
	[sflag:s13] =	ssyncset.done @!p0 $0x0  }
0x13: {  	s11 =	smov.u32 s15;
	s10 =	smov.u32 s14;
	[sflag:s13] =	ssyncadd.s32 @!p0 $0xFFFFC000  }
.LBB1_1:
0x14: {  	p0 =	sge.u32 s11, s6  }
0x15: {  	s13 =	sxor.u32 @!p0 $0xFFFFFFFF, s11  }
0x16: {  	s31 =	sadd.s32 $0xFFFFFFFF, s11;
	s14 =	sshll.u32 @!p0 s10, $0x9;
	s13 =	sshll.u32 @!p0 s13, $0xE  }
0x17: {  	s15 =	simm.s32 @!p0 $0x0;
	s14 =	sadd.s32 @!p0 s2, s14;
	s13 =	sand.u32 @!p0 $0x4000, s13  }
0x18: {  	[tilespmem:s13], [sflag:$0x1] =	stream.linear.gather @!p0 [hbm4b:s14+s15], $0x4000, $0x38;
	[tilespmem:$0x10000] =	vst v63  }
0x19: {  	p0 =	sge.u32 s31, s6  }
.Ltmp2:
0x1a: {  	_ = 	snop;
	(pc) =	sbr.rel @p0 .LBB1_9-.Ltmp2, $1  }
0x1b: {  	_ =	sdelay $0x3  }
0x1c: {  	s14 =	sand.u32 $0x4000, s9  }
0x1d: {  	_ =	swait.ge [sflag:s5], $0x4000;
	s15 =	sshll.u32 s11, $0xE;
	s16 =	simm.s32 $0x0  }
0x1e: {  	s13 =	sor.u32 $0x40, s14;
	[sflag:s5] =	ssyncset.done $0x0;
	s15 =	sand.u32 $0x4000, s15  }
0x1f: {  	s14 =	sor.u32 $0x8040, s14;
	[sflag:s5] =	ssyncadd.s32 $0xFFFFC000;
	s15 =	sor.u32 $0x8000, s15  }
.LBB1_3:
0x20: {  	s17 =	smov.u32 s14;
	s18 =	smov.u32 s13;
	s19 =	simm.s32 $0x0  }
.LBB1_4:
0x21: {  	v0 =	vmov s17;
	v2 =	vld [tilespmem:s18+$0x30]  }
0x22: {  	v4 =	vld [tilespmem:s18+$0xFFFFFFD0]  }
0x23: {  	v6 =	vld [tilespmem:s18+$0xFFFFFFE0]  }
0x24: {  	v7 =	vld [tilespmem:s18+$0xFFFFFFF0]  }
0x25: {  	s20 =	simm.s32 $0x0;
	v1 =	vld [tilespmem:s18+$0x0]  }
0x26: {  	v3 =	vld [tilespmem:s18+$0x10];
	[tilespmem:v0+s20+$0x30 ss:$0x1] =	vst.idx.msk $0xffff, v2  }
0x27: {  	v5 =	vld [tilespmem:s18+$0x20];
	[tilespmem:v0+s20+$0xFFFFFFD0 ss:$0x1] =	vst.idx.msk $0xffff, v4  }
0x28: {  	s21 =	sadd.s32 $0x80, s18;
	v2 =	vld [tilespmem:s18+$0xFFFFFFC0];
	[tilespmem:v0+s20+$0xFFFFFFE0 ss:$0x1] =	vst.idx.msk $0xffff, v6  }
0x29: {  	s22 =	simm.s32 $0x800;
	s23 =	simm.s32 $0x1000;
	v4 =	vld [tilespmem:s21+$0x30];
	[tilespmem:v0+s20+$0xFFFFFFF0 ss:$0x1] =	vst.idx.msk $0xffff, v7  }
.LBB1_5:
0x2a: {  	p0 =	sne.s32 s23, $0x3800;
	v6 =	vld [tilespmem:s21+$0xFFFFFFD0];
	[tilespmem:v0+s20+$0x0 ss:$0x1] =	vst.idx.msk $0xffff, v1  }
0x2b: {  	v7 =	vld [tilespmem:s21+$0xFFFFFFE0];
	[tilespmem:v0+s20+$0x10 ss:$0x1] =	vst.idx.msk $0xffff, v3  }
0x2c: {  	v8 =	vld [tilespmem:s21+$0xFFFFFFF0];
	[tilespmem:v0+s20+$0x20 ss:$0x1] =	vst.idx.msk $0xffff, v5  }
.Ltmp3:
0x2d: {  	v1 =	vld [tilespmem:s21+$0x0];
	[tilespmem:v0+s20+$0xFFFFFFC0 ss:$0x1] =	vst.idx.msk $0xffff, v2;
	s20 =	sshra.s32 s22, $0x2;
	s22 =	smov.u32 s23;
	(pc) =	sbr.rel @p0 .LBB1_5-.Ltmp3, $4  }
0x2e: {  	v3 =	vld [tilespmem:s21+$0x10];
	[tilespmem:v0+s20+$0x30 ss:$0x1] =	vst.idx.msk $0xffff, v4  }
0x2f: {  	[tilespmem:v0+s20+$0xFFFFFFD0 ss:$0x1] =	vst.idx.msk $0xffff, v6;
	v5 =	vld [tilespmem:s21+$0x20]  }
0x30: {  	v2 =	vld [tilespmem:s21+$0xFFFFFFC0];
	[tilespmem:v0+s20+$0xFFFFFFE0 ss:$0x1] =	vst.idx.msk $0xffff, v7;
	s21 =	sadd.s32 $0x80, s21  }
0x31: {  	s23 =	sadd.s32 $0x800, s23;
	v4 =	vld [tilespmem:s21+$0x30];
	[tilespmem:v0+s20+$0xFFFFFFF0 ss:$0x1] =	vst.idx.msk $0xffff, v8  }
0x32: {  	_ =	sdelay $0x3  }
0x33: {  	v6 =	vld [tilespmem:s21+$0xFFFFFFD0];
	[tilespmem:v0+s20+$0x0 ss:$0x1] =	vst.idx.msk $0xffff, v1  }
0x34: {  	v58 =	vld [tilespmem:s21+$0xFFFFFFE0];
	[tilespmem:v0+s20+$0x10 ss:$0x1] =	vst.idx.msk $0xffff, v3  }
0x35: {  	v59 =	vld [tilespmem:s21+$0xFFFFFFF0];
	[tilespmem:v0+s20+$0x20 ss:$0x1] =	vst.idx.msk $0xffff, v5  }
0x36: {  	s22 =	sshra.s32 s22, $0x2;
	v60 =	vld [tilespmem:s21+$0x0];
	[tilespmem:v0+s20+$0xFFFFFFC0 ss:$0x1] =	vst.idx.msk $0xffff, v2  }
0x37: {  	v61 =	vld [tilespmem:s21+$0x10];
	[tilespmem:v0+s22+$0x30 ss:$0x1] =	vst.idx.msk $0xffff, v4  }
0x38: {  	v62 =	vld [tilespmem:s21+$0x20];
	s19 =	sadd.s32 $0x1, s19;
	[tilespmem:v0+s22+$0xFFFFFFD0 ss:$0x1] =	vst.idx.msk $0xffff, v6  }
0x39: {  	v63 =	vld [tilespmem:s21+$0xFFFFFFC0];
	p0 =	sne.s32 s19, $0x4;
	[tilespmem:v0+s22+$0xFFFFFFE0 ss:$0x1] =	vst.idx.msk $0xffff, v58  }
.Ltmp4:
0x3a: {  	[tilespmem:v0+s22+$0xFFFFFFF0 ss:$0x1] =	vst.idx.msk $0xffff, v59;
	(pc) =	sbr.rel @p0 .LBB1_4-.Ltmp4, $4  }
0x3b: {  	[tilespmem:v0+s22+$0x0 ss:$0x1] =	vst.idx.msk $0xffff, v60  }
0x3c: {  	[tilespmem:v0+s22+$0x10 ss:$0x1] =	vst.idx.msk $0xffff, v61  }
0x3d: {  	[tilespmem:v0+s22+$0x20 ss:$0x1] =	vst.idx.msk $0xffff, v62  }
0x3e: {  	s18 =	sadd.s32 $0x400, s18;
	s17 =	sadd.s32 $0x80, s17;
	[tilespmem:v0+s22+$0xFFFFFFC0 ss:$0x1] =	vst.idx.msk $0xffff, v63  }
0x3f: {  	s16 =	sadd.s32 $0x1, s16  }
0x40: {  	p0 =	sne.s32 s16, $0x4  }
.Ltmp5:
0x41: {  	_ = 	snop;
	(pc) =	sbr.rel @p0 .LBB1_3-.Ltmp5, $2  }
0x42: {  	_ =	sdelay $0x2  }
0x43: {  	s13 =	sadd.s32 $0x1000, s13;
	s14 =	sadd.s32 $0x1000, s14  }
.Ltmp6:
0x44: {  	(pc) =	sbr.rel .LBB1_9-.Ltmp6, $4  }
0x45: {  	_ = 	snop  }
0x46: {  	s12 =	sshll.u32 s12, $0x9  }
0x47: {  	s12 =	sadd.s32 s4, s12  }
0x48: {  	[hbm4b:s12+s8] =	stream.linear.scatter [tilespmem:s15], [sflag:$0x2], $0x4000, $0x38;
	[tilespmem:$0x10000] =	vst v63  }
.LBB1_10:
0x49: {  	_ =	sfence.sel $0x180000  }
0x4a: {  	s2 =	simm.s32 $0x1;
	[bflag:$0x0] =	sbarrier.arrive $0xFFFF  }
0x4b: {  	s31 =	simm.s32 $0x2;
	[sflag:s2] =	ssyncpa.u1 $0x1  }
0x4c: {  	[sflag:s31] =	ssyncpa.u1 $0x1  }
0x4d: {  	p0 =	sne.s32 s0, $0x0;
	_ =	strace $0x90000047  }
0x4e: {  	s0 =	sadd.s32 @!p0 $0x100000, s1;
	[bflag:$0x2] =	sbarrier.arrive $0xFFFF  }
0x4f: {  	[sflag:s0] =	ssyncadd.tile.s32 @!p0 $0x1;
	_ =	shalt  }
.Lfunc_end1:
_tile_overlayer_lowered:
.L_overlay_start_2:
0x50: {  	(tag) =	ssettag $0x2  }
0x51: {  	s0 =	rddreg [dreg:$0x0];
	s2 =	stileid.u32  }
0x52: {  	s1 =	rddreg [dreg:$0x1];
	p0 =	sne.s32 s2, $0x0  }
0x53: {  	s3 =	rddreg [dreg:$0x2];
	[bflag:$0x3] =	sbarrier.arrive $0xFFFF;
	s2 =	simm.s32 @!p0 $0x1C01  }
0x54: {  	[timem:s3], [sflag:s2] =	dma.local @!p0 [hbm:s0], s1  }
0x55: {  	s0 =	simm.s32 @!p0 $0x1  }
0x56: {  	_ =	swait.ge @!p0 [sflag:s0], s1  }
0x57: {  	s1 =	ssub.s32 @!p0 $0x0, s1;
	[sflag:s0] =	ssyncset.done @!p0 $0x0  }
0x58: {  	[sflag:s0] =	ssyncadd.s32 @!p0 s1  }
0x59: {  	[bflag:$0x3] =	sbarrier.arrive $0xFFFF  }
0x5a: {  	_ =	shalt  }

</sc_bundles>
